<compile_context>
chip_gen: v7x
topology: tpu7x:2x2x1
jax: 0.10.2.dev20260603
libtpu: 0.0.44.dev20260713+nightly
codegen_flags: <defaults>
</compile_context>

<pallas_src>
import functools

import jax
import jax.numpy as jnp
from jax import lax
from jax.experimental import pallas as pl
from jax.experimental.pallas import tpu as pltpu
from jax.experimental.pallas import tpu_sc as plsc

N = 10000
D = 128
R = 8
E = 320000

CHUNK = 128
NBUF = 2
KS = 46
KF = 112
SLOW_C = 1
NW = 32
TCH = 16 * (KS + KF)
EPAD = TCH * CHUNK
DBITS = 14
NPAD = 10240
RPT = NPAD // 16
DUMMY = N


def _transform_body(emb_ref, w_ref, b_ref, t_ref):
    x = emb_ref[...]
    w = w_ref[0]
    y = lax.dot_general(x, w, (((1,), (1,)), ((), ())),
                        preferred_element_type=jnp.float32)
    t_ref[0] = y + b_ref[0]


def _transform(emb, W, b):
    BN = 1000
    out = pl.pallas_call(
        _transform_body,
        grid=(R, N // BN),
        in_specs=[
            pl.BlockSpec((BN, D), lambda r, i: (i, 0)),
            pl.BlockSpec((1, D, D), lambda r, i: (r, 0, 0)),
            pl.BlockSpec((1, 1, D), lambda r, i: (r, 0, 0)),
        ],
        out_specs=pl.BlockSpec((1, BN, D), lambda r, i: (r, i, 0)),
        out_shape=jax.ShapeDtypeStruct((R, N, D), jnp.float32),
    )(emb, W, b.reshape(R, 1, D))
    return out.reshape(R * N, D)


def _pidx_body(et_ref, src_ref, dst_ref, p_ref):
    gidx = et_ref[...] * N + src_ref[...]
    p_ref[...] = gidx * (1 << DBITS) + dst_ref[...]


def _make_pidx(et_p, src_p, dst_p):
    rows = EPAD // 128
    BR = rows // 2
    out = pl.pallas_call(
        _pidx_body,
        grid=(2,),
        in_specs=[
            pl.BlockSpec((BR, 128), lambda i: (i, 0)),
            pl.BlockSpec((BR, 128), lambda i: (i, 0)),
            pl.BlockSpec((BR, 128), lambda i: (i, 0)),
        ],
        out_specs=pl.BlockSpec((BR, 128), lambda i: (i, 0)),
        out_shape=jax.ShapeDtypeStruct((rows, 128), jnp.int32),
    )(et_p.reshape(rows, 128), src_p.reshape(rows, 128), dst_p.reshape(rows, 128))
    return out.reshape(EPAD)


@functools.cache
def _sc_scatter_kernel():
    mesh = plsc.VectorSubcoreMesh(core_axis_name="c", subcore_axis_name="s")
    return functools.partial(
        pl.kernel,
        mesh=mesh,
        out_type=jax.ShapeDtypeStruct((2, NPAD, D), jnp.float32),
        scratch_types=[
            pltpu.VMEM((NBUF, CHUNK), jnp.int32),
            pltpu.VMEM((NBUF, CHUNK), jnp.int32),
            pltpu.VMEM((NBUF, CHUNK), jnp.int32),
            pltpu.VMEM((NBUF, CHUNK, D), jnp.float32),
            pltpu.VMEM_SHARED((NPAD, D), jnp.float32),
            pltpu.SemaphoreType.DMA,
            pltpu.SemaphoreType.DMA,
            pltpu.SemaphoreType.DMA,
            pltpu.SemaphoreType.DMA,
        ],
    )(_sc_scatter_body)


def _sc_scatter_body(pidx_hbm, t_hbm, out_hbm, pchunk, gch, dch, rows, acc,
                     isem0, isem1, sem0, sem1):
    c = lax.axis_index("c")
    s = lax.axis_index("s")
    row0 = s * RPT
    gsem = (sem0, sem1)
    isem = (isem0, isem1)

    slow = c == SLOW_C
    cnt = jnp.where(slow, KS, KF)
    base = jnp.where(slow, s * KS, 16 * KS + s * KF)
    last = base + cnt - 1

    def i_start(b, k):
        pltpu.async_copy(pidx_hbm.at[k], pchunk.at[b], isem[b])

    def i_wait(b, k):
        pltpu.make_async_copy(pidx_hbm.at[k], pchunk.at[b], isem[b]).wait()

    for b in range(NBUF):
        i_start(b, base + b)

    zero16 = jnp.zeros((16,), jnp.float32)

    def zbody(i, carry):
        for j in range(8):
            rows[0, i, pl.ds(j * 16, 16)] = zero16
        return carry

    lax.fori_loop(0, CHUNK, zbody, 0)
    nfull, rem = RPT // CHUNK, RPT % CHUNK
    for t in range(nfull):
        pltpu.sync_copy(rows.at[0], acc.at[pl.ds(row0 + t * CHUNK, CHUNK)])
    if rem:
        pltpu.sync_copy(rows.at[0, pl.ds(0, rem)],
                        acc.at[pl.ds(row0 + nfull * CHUNK, rem)])
    plsc.subcore_barrier()

    dmask = jnp.full((16,), (1 << DBITS) - 1, jnp.int32)

    def unpack(b):
        for i in range(CHUNK // 16):
            sl = pl.ds(i * 16, 16)
            v = pchunk[b, sl]
            gch[b, sl] = lax.shift_right_logical(v, DBITS)
            dch[b, sl] = lax.bitwise_and(v, dmask)

    def g_start(b):
        pltpu.async_copy(t_hbm.at[gch.at[b]], rows.at[b], gsem[b])

    def g_wait(b):
        pltpu.make_async_copy(t_hbm.at[gch.at[b]], rows.at[b], gsem[b]).wait()

    def s_add(b):
        pltpu.sync_copy(rows.at[b], acc.at[dch.at[b]], add=True)

    for b in range(NBUF):
        i_wait(b, base + b)
        unpack(b)
        i_start(b, base + b + NBUF)
        g_start(b)

    def body(i, carry):
        k0 = base + i * NBUF
        for b in range(NBUF):
            g_wait(b)
            s_add(b)
            k = k0 + NBUF + b
            i_wait(b, k)
            unpack(b)
            i_start(b, jnp.minimum(k + NBUF, last))
            g_start(b)
        return carry

    lax.fori_loop(0, cnt // NBUF - 1, body, 0)
    for b in range(NBUF):
        g_wait(b)
        s_add(b)
        i_wait(b, last)
    plsc.subcore_barrier()

    pltpu.sync_copy(acc.at[pl.ds(row0, RPT)],
                    out_hbm.at[c, pl.ds(row0, RPT)])


def _combine_body(p0_ref, p1_ref, emb_ref, g_ref, bt_ref, out_ref):
    h = p0_ref[...] + p1_ref[...] + emb_ref[...]
    mu = jnp.mean(h, axis=1, keepdims=True)
    dlt = h - mu
    var = jnp.mean(dlt * dlt, axis=1, keepdims=True)
    out_ref[...] = dlt * lax.rsqrt(var + 1e-5) * g_ref[...] + bt_ref[...]


def _combine(p0, p1, emb, gamma, beta):
    BN = 1000
    return pl.pallas_call(
        _combine_body,
        grid=(N // BN,),
        in_specs=[
            pl.BlockSpec((BN, D), lambda i: (i, 0)),
            pl.BlockSpec((BN, D), lambda i: (i, 0)),
            pl.BlockSpec((BN, D), lambda i: (i, 0)),
            pl.BlockSpec((1, D), lambda i: (0, 0)),
            pl.BlockSpec((1, D), lambda i: (0, 0)),
        ],
        out_specs=pl.BlockSpec((BN, D), lambda i: (i, 0)),
        out_shape=jax.ShapeDtypeStruct((N, D), jnp.float32),
    )(p0, p1, emb, gamma.reshape(1, D), beta.reshape(1, D))


def kernel(entity_emb, edge_index, edge_type, W, b, gamma, beta):
    src = edge_index[0].astype(jnp.int32)
    dst = edge_index[1].astype(jnp.int32)
    et = edge_type.astype(jnp.int32)

    npad = EPAD - E
    src_p = jnp.concatenate([src, jnp.zeros((npad,), jnp.int32)])
    et_p = jnp.concatenate([et, jnp.zeros((npad,), jnp.int32)])
    dst_p = jnp.concatenate([dst, jnp.full((npad,), DUMMY, jnp.int32)])

    t_table = _transform(entity_emb, W, b)
    pidx = _make_pidx(et_p, src_p, dst_p)
    partials = _sc_scatter_kernel()(pidx.reshape(TCH, CHUNK),
                                    t_table)
    return _combine(partials[0, :N], partials[1, :N], entity_emb, gamma, beta)

# --- scband reference (transcript-rebuilt; emitter-appended) ---
"""Pipeline reference for scband-rgcnlayer-15204184228257 (READ-ONLY COPY).

The authoritative reference and input builder live on the scoring server;
editing this copy changes nothing except your own understanding.
"""

import jax, jax.numpy as jnp
import numpy as np

DIM = 128
NUM_REL = 8
N_NODES = 10000
N_EDGES = 320000

def setup_inputs(seed: int = 0) -> dict:
    key = jax.random.key(seed)
    k1, k2, k3, k4, k5, k6 = jax.random.split(key, 6)
    entity_emb = jax.random.normal(k1, (N_NODES, DIM), dtype=jnp.float32)
    edge_index = jax.random.randint(k2, (2, N_EDGES), 0, N_NODES, dtype=jnp.int64)
    edge_type = jax.random.randint(k3, (N_EDGES,), 0, NUM_REL, dtype=jnp.int64)
    # learned params: per-relation linear layers (W: [R, dim, dim], b: [R, dim]) + layernorm
    W = jax.random.normal(k4, (NUM_REL, DIM, DIM), dtype=jnp.float32) * (1.0 / np.sqrt(DIM))
    b = jax.random.normal(k5, (NUM_REL, DIM), dtype=jnp.float32) * 0.01
    gamma = jnp.ones((DIM,), dtype=jnp.float32)
    beta = jnp.zeros((DIM,), dtype=jnp.float32)
    return {"entity_emb": entity_emb, "edge_index": edge_index, "edge_type": edge_type,
            "W": W, "b": b, "gamma": gamma, "beta": beta}

def reference(entity_emb, edge_index, edge_type, W, b, gamma, beta):
    src = edge_index[0]
    dst = edge_index[1]
    out = jnp.zeros_like(entity_emb)
    for rel_id in range(NUM_REL):
        mask = (edge_type == rel_id).astype(entity_emb.dtype)
        # gather source embeddings, apply relation-specific linear
        msg = entity_emb[src] @ W[rel_id].T + b[rel_id]
        # masked scatter-add to destination nodes (equivalent to index_add on masked subset)
        out = out.at[dst].add(msg * mask[:, None])
    # dropout p=0.0 -> identity (eval semantics)
    h = out + entity_emb
    mean = jnp.mean(h, axis=-1, keepdims=True)
    var = jnp.mean((h - mean) ** 2, axis=-1, keepdims=True)
    normed = (h - mean) / jnp.sqrt(var + 1e-5)
    return normed * gamma + beta

if __name__ == "__main__":
    import jax
    _d = setup_inputs()
    print(jax.jit(kernel)(*tuple(_d.values())))

</pallas_src>

<mosaic_0001>
#map = affine_map<(d0, d1) -> (0, 0)>
#map1 = affine_map<(d0, d1) -> (0, 0, 0)>
module attributes {stable_mosaic.version = 14 : i64} {
  func.func @_sc_scatter_body(%arg0: i32, %arg1: i32, %arg2: memref<2528x128xi32, #tpu.memory_space<hbm>>, %arg3: memref<80000x128xf32, #tpu.memory_space<hbm>>, %arg4: memref<2x10240x128xf32, #tpu.memory_space<hbm>>, %arg5: memref<2x128xi32, #tpu.memory_space<vmem>>, %arg6: memref<2x128xi32, #tpu.memory_space<vmem>>, %arg7: memref<2x128xi32, #tpu.memory_space<vmem>>, %arg8: memref<2x128x128xf32, #tpu.memory_space<vmem>>, %arg9: memref<10240x128xf32, #tpu.memory_space<vmem_shared>>, %arg10: memref<!tpu.dma_semaphore, #tpu.memory_space<semaphore_mem>>, %arg11: memref<!tpu.dma_semaphore, #tpu.memory_space<semaphore_mem>>, %arg12: memref<!tpu.dma_semaphore, #tpu.memory_space<semaphore_mem>>, %arg13: memref<!tpu.dma_semaphore, #tpu.memory_space<semaphore_mem>>) attributes {dimension_semantics = [#tpu.dimension_semantics<core_parallel>, #tpu.dimension_semantics<subcore_parallel>], iteration_bounds = array<i64: 2, 16>, scalar_prefetch = 0 : i64, scratch_operands = 9 : i64, tpu.core_type = #tpu.core_type<sc_vector_subcore>, window_params = [{transform_indices = #map}, {transform_indices = #map}, {transform_indices = #map1}]} {
    %mul3A = arith.constant 640 : i32
    %mul3A_0 = arith.muli %arg1, %mul3A : i32
    %eq3A = arith.constant 1 : i32
    %eq3A_1 = arith.cmpi eq, %arg0, %eq3A : i32
    %jit3A = arith.constant 46 : i32
    %jit3A_2 = arith.constant 112 : i32
    %select_n3A = arith.select %eq3A_1, %jit3A, %jit3A_2 : i32
    %mul3A_3 = arith.constant 46 : i32
    %mul3A_4 = arith.muli %arg1, %mul3A_3 : i32
    %mul3A_5 = arith.constant 112 : i32
    %mul3A_6 = arith.muli %arg1, %mul3A_5 : i32
    %add3A = arith.constant 736 : i32
    %add3A_7 = arith.addi %add3A, %mul3A_6 : i32
    %select_n3A_8 = arith.select %eq3A_1, %mul3A_4, %add3A_7 : i32
    %add3A_9 = arith.addi %select_n3A_8, %select_n3A : i32
    %sub3A = arith.constant 1 : i32
    %sub3A_10 = arith.subi %add3A_9, %sub3A : i32
    %add3A_11 = arith.constant 0 : i32
    %add3A_12 = arith.addi %select_n3A_8, %add3A_11 : i32
    %dma_start3A = arith.constant 0 : i32
    %dma_start3A_13 = arith.constant 0 : i32
    %dma_start3A_14 = tpu.memref_slice %arg5[%dma_start3A, %dma_start3A_13] : memref<2x128xi32, #tpu.memory_space<vmem>> -> memref<1x128xi32, #tpu.memory_space<vmem>>
    %dma_start3A_15 = tpu.memref_squeeze %dma_start3A_14 : memref<1x128xi32, #tpu.memory_space<vmem>> -> memref<128xi32, #tpu.memory_space<vmem>>
    %dma_start3A_16 = arith.constant 0 : i32
    %dma_start3A_17 = tpu.memref_slice %arg2[%add3A_12, %dma_start3A_16] : memref<2528x128xi32, #tpu.memory_space<hbm>> -> memref<1x128xi32, #tpu.memory_space<hbm>>
    %dma_start3A_18 = tpu.memref_squeeze %dma_start3A_17 : memref<1x128xi32, #tpu.memory_space<hbm>> -> memref<128xi32, #tpu.memory_space<hbm>>
    %dma_start3A_19 = arith.constant 0 : i32
    %dma_start3A_20 = tpu.memref_slice %arg5[%dma_start3A, %dma_start3A_19] : memref<2x128xi32, #tpu.memory_space<vmem>> -> memref<1x128xi32, #tpu.memory_space<vmem>>
    %dma_start3A_21 = tpu.memref_squeeze %dma_start3A_20 : memref<1x128xi32, #tpu.memory_space<vmem>> -> memref<128xi32, #tpu.memory_space<vmem>>
    %dma_start3A_22 = arith.constant 0 : i32
    %dma_start3A_23 = tpu.memref_slice %arg2[%add3A_12, %dma_start3A_22] : memref<2528x128xi32, #tpu.memory_space<hbm>> -> memref<1x128xi32, #tpu.memory_space<hbm>>
    %dma_start3A_24 = tpu.memref_squeeze %dma_start3A_23 : memref<1x128xi32, #tpu.memory_space<hbm>> -> memref<128xi32, #tpu.memory_space<hbm>>
    tpu.enqueue_dma source(%dma_start3A_24 : memref<128xi32, #tpu.memory_space<hbm>>) target(%dma_start3A_21 : memref<128xi32, #tpu.memory_space<vmem>>) target_semaphore(%arg10 : memref<!tpu.dma_semaphore, #tpu.memory_space<semaphore_mem>>)
    %add3A_25 = arith.constant 1 : i32
    %add3A_26 = arith.addi %select_n3A_8, %add3A_25 : i32
    %dma_start3A_27 = arith.constant 1 : i32
    %dma_start3A_28 = arith.constant 0 : i32
    %dma_start3A_29 = tpu.memref_slice %arg5[%dma_start3A_27, %dma_start3A_28] : memref<2x128xi32, #tpu.memory_space<vmem>> -> memref<1x128xi32, #tpu.memory_space<vmem>>
    %dma_start3A_30 = tpu.memref_squeeze %dma_start3A_29 : memref<1x128xi32, #tpu.memory_space<vmem>> -> memref<128xi32, #tpu.memory_space<vmem>>
    %dma_start3A_31 = arith.constant 0 : i32
    %dma_start3A_32 = tpu.memref_slice %arg2[%add3A_26, %dma_start3A_31] : memref<2528x128xi32, #tpu.memory_space<hbm>> -> memref<1x128xi32, #tpu.memory_space<hbm>>
    %dma_start3A_33 = tpu.memref_squeeze %dma_start3A_32 : memref<1x128xi32, #tpu.memory_space<hbm>> -> memref<128xi32, #tpu.memory_space<hbm>>
    %dma_start3A_34 = arith.constant 0 : i32
    %dma_start3A_35 = tpu.memref_slice %arg5[%dma_start3A_27, %dma_start3A_34] : memref<2x128xi32, #tpu.memory_space<vmem>> -> memref<1x128xi32, #tpu.memory_space<vmem>>
    %dma_start3A_36 = tpu.memref_squeeze %dma_start3A_35 : memref<1x128xi32, #tpu.memory_space<vmem>> -> memref<128xi32, #tpu.memory_space<vmem>>
    %dma_start3A_37 = arith.constant 0 : i32
    %dma_start3A_38 = tpu.memref_slice %arg2[%add3A_26, %dma_start3A_37] : memref<2528x128xi32, #tpu.memory_space<hbm>> -> memref<1x128xi32, #tpu.memory_space<hbm>>
    %dma_start3A_39 = tpu.memref_squeeze %dma_start3A_38 : memref<1x128xi32, #tpu.memory_space<hbm>> -> memref<128xi32, #tpu.memory_space<hbm>>
    tpu.enqueue_dma source(%dma_start3A_39 : memref<128xi32, #tpu.memory_space<hbm>>) target(%dma_start3A_36 : memref<128xi32, #tpu.memory_space<vmem>>) target_semaphore(%arg11 : memref<!tpu.dma_semaphore, #tpu.memory_space<semaphore_mem>>)
    %broadcast_in_dim3A = arith.constant 0.000000e+00 : f32
    %broadcast_in_dim3A_40 = vector.broadcast %broadcast_in_dim3A : f32 to vector<16xf32>
    %scan3A = arith.constant 0 : i32
    %scan3A_41 = arith.constant 0 : i32
    %scan3A_42 = arith.constant 128 : i32
    %scan3A_43 = arith.addi %scan3A_41, %scan3A_42 : i32
    %scan3A_44 = arith.constant 1 : i32
    scf.for %scan3A_567 = %scan3A_41 to %scan3A_43 step %scan3A_44  : i32 {
      %swap3A_568 = arith.constant 0 : i32
      %swap3A_569 = arith.index_cast %swap3A_568 : i32 to index
      %swap3A_570 = arith.index_cast %scan3A_567 : i32 to index
      %swap3A_571 = arith.constant 0 : index
      %swap3A_572 = tpu.vector_load %arg8[%swap3A_569, %swap3A_570, %swap3A_571] {strides = array<i32>} : memref<2x128x128xf32, #tpu.memory_space<vmem>>, vector<1x1x16xf32>,
      %swap3A_573 = vector.shape_cast %swap3A_572 : vector<1x1x16xf32> to vector<16xf32>
      %swap3A_574 = vector.shape_cast %broadcast_in_dim3A_40 : vector<16xf32> to vector<1x1x16xf32>
      tpu.vector_store %arg8[%swap3A_569, %swap3A_570, %swap3A_571], %swap3A_574 {strides = array<i32>} : memref<2x128x128xf32, #tpu.memory_space<vmem>>, vector<1x1x16xf32>,
      %swap3A_575 = arith.constant 0 : i32
      %swap3A_576 = arith.index_cast %swap3A_575 : i32 to index
      %swap3A_577 = arith.index_cast %scan3A_567 : i32 to index
      %swap3A_578 = arith.constant 16 : index
      %swap3A_579 = tpu.vector_load %arg8[%swap3A_576, %swap3A_577, %swap3A_578] {strides = array<i32>} : memref<2x128x128xf32, #tpu.memory_space<vmem>>, vector<1x1x16xf32>,
      %swap3A_580 = vector.shape_cast %swap3A_579 : vector<1x1x16xf32> to vector<16xf32>
      %swap3A_581 = vector.shape_cast %broadcast_in_dim3A_40 : vector<16xf32> to vector<1x1x16xf32>
      tpu.vector_store %arg8[%swap3A_576, %swap3A_577, %swap3A_578], %swap3A_581 {strides = array<i32>} : memref<2x128x128xf32, #tpu.memory_space<vmem>>, vector<1x1x16xf32>,
      %swap3A_582 = arith.constant 0 : i32
      %swap3A_583 = arith.index_cast %swap3A_582 : i32 to index
      %swap3A_584 = arith.index_cast %scan3A_567 : i32 to index
      %swap3A_585 = arith.constant 32 : index
      %swap3A_586 = tpu.vector_load %arg8[%swap3A_583, %swap3A_584, %swap3A_585] {strides = array<i32>} : memref<2x128x128xf32, #tpu.memory_space<vmem>>, vector<1x1x16xf32>,
      %swap3A_587 = vector.shape_cast %swap3A_586 : vector<1x1x16xf32> to vector<16xf32>
      %swap3A_588 = vector.shape_cast %broadcast_in_dim3A_40 : vector<16xf32> to vector<1x1x16xf32>
      tpu.vector_store %arg8[%swap3A_583, %swap3A_584, %swap3A_585], %swap3A_588 {strides = array<i32>} : memref<2x128x128xf32, #tpu.memory_space<vmem>>, vector<1x1x16xf32>,
      %swap3A_589 = arith.constant 0 : i32
      %swap3A_590 = arith.index_cast %swap3A_589 : i32 to index
      %swap3A_591 = arith.index_cast %scan3A_567 : i32 to index
      %swap3A_592 = arith.constant 48 : index
      %swap3A_593 = tpu.vector_load %arg8[%swap3A_590, %swap3A_591, %swap3A_592] {strides = array<i32>} : memref<2x128x128xf32, #tpu.memory_space<vmem>>, vector<1x1x16xf32>,
      %swap3A_594 = vector.shape_cast %swap3A_593 : vector<1x1x16xf32> to vector<16xf32>
      %swap3A_595 = vector.shape_cast %broadcast_in_dim3A_40 : vector<16xf32> to vector<1x1x16xf32>
      tpu.vector_store %arg8[%swap3A_590, %swap3A_591, %swap3A_592], %swap3A_595 {strides = array<i32>} : memref<2x128x128xf32, #tpu.memory_space<vmem>>, vector<1x1x16xf32>,
      %swap3A_596 = arith.constant 0 : i32
      %swap3A_597 = arith.index_cast %swap3A_596 : i32 to index
      %swap3A_598 = arith.index_cast %scan3A_567 : i32 to index
      %swap3A_599 = arith.constant 64 : index
      %swap3A_600 = tpu.vector_load %arg8[%swap3A_597, %swap3A_598, %swap3A_599] {strides = array<i32>} : memref<2x128x128xf32, #tpu.memory_space<vmem>>, vector<1x1x16xf32>,
      %swap3A_601 = vector.shape_cast %swap3A_600 : vector<1x1x16xf32> to vector<16xf32>
      %swap3A_602 = vector.shape_cast %broadcast_in_dim3A_40 : vector<16xf32> to vector<1x1x16xf32>
      tpu.vector_store %arg8[%swap3A_597, %swap3A_598, %swap3A_599], %swap3A_602 {strides = array<i32>} : memref<2x128x128xf32, #tpu.memory_space<vmem>>, vector<1x1x16xf32>,
      %swap3A_603 = arith.constant 0 : i32
      %swap3A_604 = arith.index_cast %swap3A_603 : i32 to index
      %swap3A_605 = arith.index_cast %scan3A_567 : i32 to index
      %swap3A_606 = arith.constant 80 : index
      %swap3A_607 = tpu.vector_load %arg8[%swap3A_604, %swap3A_605, %swap3A_606] {strides = array<i32>} : memref<2x128x128xf32, #tpu.memory_space<vmem>>, vector<1x1x16xf32>,
      %swap3A_608 = vector.shape_cast %swap3A_607 : vector<1x1x16xf32> to vector<16xf32>
      %swap3A_609 = vector.shape_cast %broadcast_in_dim3A_40 : vector<16xf32> to vector<1x1x16xf32>
      tpu.vector_store %arg8[%swap3A_604, %swap3A_605, %swap3A_606], %swap3A_609 {strides = array<i32>} : memref<2x128x128xf32, #tpu.memory_space<vmem>>, vector<1x1x16xf32>,
      %swap3A_610 = arith.constant 0 : i32
      %swap3A_611 = arith.index_cast %swap3A_610 : i32 to index
      %swap3A_612 = arith.index_cast %scan3A_567 : i32 to index
      %swap3A_613 = arith.constant 96 : index
      %swap3A_614 = tpu.vector_load %arg8[%swap3A_611, %swap3A_612, %swap3A_613] {strides = array<i32>} : memref<2x128x128xf32, #tpu.memory_space<vmem>>, vector<1x1x16xf32>,
      %swap3A_615 = vector.shape_cast %swap3A_614 : vector<1x1x16xf32> to vector<16xf32>
      %swap3A_616 = vector.shape_cast %broadcast_in_dim3A_40 : vector<16xf32> to vector<1x1x16xf32>
      tpu.vector_store %arg8[%swap3A_611, %swap3A_612, %swap3A_613], %swap3A_616 {strides = array<i32>} : memref<2x128x128xf32, #tpu.memory_space<vmem>>, vector<1x1x16xf32>,
      %swap3A_617 = arith.constant 0 : i32
      %swap3A_618 = arith.index_cast %swap3A_617 : i32 to index
      %swap3A_619 = arith.index_cast %scan3A_567 : i32 to index
      %swap3A_620 = arith.constant 112 : index
      %swap3A_621 = tpu.vector_load %arg8[%swap3A_618, %swap3A_619, %swap3A_620] {strides = array<i32>} : memref<2x128x128xf32, #tpu.memory_space<vmem>>, vector<1x1x16xf32>,
      %swap3A_622 = vector.shape_cast %swap3A_621 : vector<1x1x16xf32> to vector<16xf32>
      %swap3A_623 = vector.shape_cast %broadcast_in_dim3A_40 : vector<16xf32> to vector<1x1x16xf32>
      tpu.vector_store %arg8[%swap3A_618, %swap3A_619, %swap3A_620], %swap3A_623 {strides = array<i32>} : memref<2x128x128xf32, #tpu.memory_space<vmem>>, vector<1x1x16xf32>,
    }
    %scan3A_45 = arith.constant 128 : i32
    %add3A_46 = arith.constant 0 : i32
    %add3A_47 = arith.addi %mul3A_0, %add3A_46 : i32
    %run_scoped3A = arith.constant 0 : i32
    "tpu.region"() ({
      %run_scoped3A_567 = tpu.sem_alloc : memref<!tpu.dma_semaphore, #tpu.memory_space<semaphore_mem>>
      %dma_start3A_568 = arith.constant 0 : i32
      %dma_start3A_569 = arith.constant 0 : i32
      %dma_start3A_570 = tpu.memref_slice %arg8[%run_scoped3A, %dma_start3A_568, %dma_start3A_569] : memref<2x128x128xf32, #tpu.memory_space<vmem>> -> memref<1x128x128xf32, #tpu.memory_space<vmem>>
      %dma_start3A_571 = tpu.memref_squeeze %dma_start3A_570 : memref<1x128x128xf32, #tpu.memory_space<vmem>> -> memref<128x128xf32, #tpu.memory_space<vmem>>
      %dma_start3A_572 = arith.constant 0 : i32
      %dma_start3A_573 = tpu.memref_slice %arg9[%add3A_47, %dma_start3A_572] : memref<10240x128xf32, #tpu.memory_space<vmem_shared>> -> memref<128x128xf32, #tpu.memory_space<vmem_shared>>
      %dma_start3A_574 = arith.constant 0 : i32
      %dma_start3A_575 = tpu.memref_slice %arg9[%add3A_47, %dma_start3A_574] : memref<10240x128xf32, #tpu.memory_space<vmem_shared>> -> memref<128x128xf32, #tpu.memory_space<vmem_shared>>
      %dma_start3A_576 = arith.constant 0 : i32
      %dma_start3A_577 = arith.constant 0 : i32
      %dma_start3A_578 = tpu.memref_slice %arg8[%run_scoped3A, %dma_start3A_576, %dma_start3A_577] : memref<2x128x128xf32, #tpu.memory_space<vmem>> -> memref<1x128x128xf32, #tpu.memory_space<vmem>>
      %dma_start3A_579 = tpu.memref_squeeze %dma_start3A_578 : memref<1x128x128xf32, #tpu.memory_space<vmem>> -> memref<128x128xf32, #tpu.memory_space<vmem>>
      tpu.enqueue_dma source(%dma_start3A_579 : memref<128x128xf32, #tpu.memory_space<vmem>>) target(%dma_start3A_575 : memref<128x128xf32, #tpu.memory_space<vmem_shared>>) target_semaphore(%run_scoped3A_567 : memref<!tpu.dma_semaphore, #tpu.memory_space<semaphore_mem>>)
      %dma_wait3A_580 = arith.constant 0 : i32
      %dma_wait3A_581 = arith.constant 0 : i32
      %dma_wait3A_582 = tpu.memref_slice %arg8[%run_scoped3A, %dma_wait3A_580, %dma_wait3A_581] : memref<2x128x128xf32, #tpu.memory_space<vmem>> -> memref<1x128x128xf32, #tpu.memory_space<vmem>>
      %dma_wait3A_583 = tpu.memref_squeeze %dma_wait3A_582 : memref<1x128x128xf32, #tpu.memory_space<vmem>> -> memref<128x128xf32, #tpu.memory_space<vmem>>
      %dma_wait3A_584 = arith.constant 0 : i32
      %dma_wait3A_585 = tpu.memref_slice %arg9[%add3A_47, %dma_wait3A_584] : memref<10240x128xf32, #tpu.memory_space<vmem_shared>> -> memref<128x128xf32, #tpu.memory_space<vmem_shared>>
      %dma_wait3A_586 = arith.constant 0 : i32
      %dma_wait3A_587 = tpu.memref_slice %arg9[%add3A_47, %dma_wait3A_586] : memref<10240x128xf32, #tpu.memory_space<vmem_shared>> -> memref<128x128xf32, #tpu.memory_space<vmem_shared>>
      %dma_wait3A_588 = arith.constant 0 : i32
      %dma_wait3A_589 = arith.constant 0 : i32
      %dma_wait3A_590 = tpu.memref_slice %arg8[%run_scoped3A, %dma_wait3A_588, %dma_wait3A_589] : memref<2x128x128xf32, #tpu.memory_space<vmem>> -> memref<1x128x128xf32, #tpu.memory_space<vmem>>
      %dma_wait3A_591 = tpu.memref_squeeze %dma_wait3A_590 : memref<1x128x128xf32, #tpu.memory_space<vmem>> -> memref<128x128xf32, #tpu.memory_space<vmem>>
      tpu.wait_dma2 semaphore(%run_scoped3A_567 : memref<!tpu.dma_semaphore, #tpu.memory_space<semaphore_mem>>) src(%dma_wait3A_591 : memref<128x128xf32, #tpu.memory_space<vmem>>) dst(%dma_wait3A_587 : memref<128x128xf32, #tpu.memory_space<vmem_shared>>)
      tpu.yield
    }) : () -> ()
    %add3A_48 = arith.constant 128 : i32
    %add3A_49 = arith.addi %mul3A_0, %add3A_48 : i32
    %run_scoped3A_50 = arith.constant 0 : i32
    "tpu.region"() ({
      %run_scoped3A_567 = tpu.sem_alloc : memref<!tpu.dma_semaphore, #tpu.memory_space<semaphore_mem>>
      %dma_start3A_568 = arith.constant 0 : i32
      %dma_start3A_569 = arith.constant 0 : i32
      %dma_start3A_570 = tpu.memref_slice %arg8[%run_scoped3A_50, %dma_start3A_568, %dma_start3A_569] : memref<2x128x128xf32, #tpu.memory_space<vmem>> -> memref<1x128x128xf32, #tpu.memory_space<vmem>>
      %dma_start3A_571 = tpu.memref_squeeze %dma_start3A_570 : memref<1x128x128xf32, #tpu.memory_space<vmem>> -> memref<128x128xf32, #tpu.memory_space<vmem>>
      %dma_start3A_572 = arith.constant 0 : i32
      %dma_start3A_573 = tpu.memref_slice %arg9[%add3A_49, %dma_start3A_572] : memref<10240x128xf32, #tpu.memory_space<vmem_shared>> -> memref<128x128xf32, #tpu.memory_space<vmem_shared>>
      %dma_start3A_574 = arith.constant 0 : i32
      %dma_start3A_575 = tpu.memref_slice %arg9[%add3A_49, %dma_start3A_574] : memref<10240x128xf32, #tpu.memory_space<vmem_shared>> -> memref<128x128xf32, #tpu.memory_space<vmem_shared>>
      %dma_start3A_576 = arith.constant 0 : i32
      %dma_start3A_577 = arith.constant 0 : i32
      %dma_start3A_578 = tpu.memref_slice %arg8[%run_scoped3A_50, %dma_start3A_576, %dma_start3A_577] : memref<2x128x128xf32, #tpu.memory_space<vmem>> -> memref<1x128x128xf32, #tpu.memory_space<vmem>>
      %dma_start3A_579 = tpu.memref_squeeze %dma_start3A_578 : memref<1x128x128xf32, #tpu.memory_space<vmem>> -> memref<128x128xf32, #tpu.memory_space<vmem>>
      tpu.enqueue_dma source(%dma_start3A_579 : memref<128x128xf32, #tpu.memory_space<vmem>>) target(%dma_start3A_575 : memref<128x128xf32, #tpu.memory_space<vmem_shared>>) target_semaphore(%run_scoped3A_567 : memref<!tpu.dma_semaphore, #tpu.memory_space<semaphore_mem>>)
      %dma_wait3A_580 = arith.constant 0 : i32
      %dma_wait3A_581 = arith.constant 0 : i32
      %dma_wait3A_582 = tpu.memref_slice %arg8[%run_scoped3A_50, %dma_wait3A_580, %dma_wait3A_581] : memref<2x128x128xf32, #tpu.memory_space<vmem>> -> memref<1x128x128xf32, #tpu.memory_space<vmem>>
      %dma_wait3A_583 = tpu.memref_squeeze %dma_wait3A_582 : memref<1x128x128xf32, #tpu.memory_space<vmem>> -> memref<128x128xf32, #tpu.memory_space<vmem>>
      %dma_wait3A_584 = arith.constant 0 : i32
      %dma_wait3A_585 = tpu.memref_slice %arg9[%add3A_49, %dma_wait3A_584] : memref<10240x128xf32, #tpu.memory_space<vmem_shared>> -> memref<128x128xf32, #tpu.memory_space<vmem_shared>>
      %dma_wait3A_586 = arith.constant 0 : i32
      %dma_wait3A_587 = tpu.memref_slice %arg9[%add3A_49, %dma_wait3A_586] : memref<10240x128xf32, #tpu.memory_space<vmem_shared>> -> memref<128x128xf32, #tpu.memory_space<vmem_shared>>
      %dma_wait3A_588 = arith.constant 0 : i32
      %dma_wait3A_589 = arith.constant 0 : i32
      %dma_wait3A_590 = tpu.memref_slice %arg8[%run_scoped3A_50, %dma_wait3A_588, %dma_wait3A_589] : memref<2x128x128xf32, #tpu.memory_space<vmem>> -> memref<1x128x128xf32, #tpu.memory_space<vmem>>
      %dma_wait3A_591 = tpu.memref_squeeze %dma_wait3A_590 : memref<1x128x128xf32, #tpu.memory_space<vmem>> -> memref<128x128xf32, #tpu.memory_space<vmem>>
      tpu.wait_dma2 semaphore(%run_scoped3A_567 : memref<!tpu.dma_semaphore, #tpu.memory_space<semaphore_mem>>) src(%dma_wait3A_591 : memref<128x128xf32, #tpu.memory_space<vmem>>) dst(%dma_wait3A_587 : memref<128x128xf32, #tpu.memory_space<vmem_shared>>)
      tpu.yield
    }) : () -> ()
    %add3A_51 = arith.constant 256 : i32
    %add3A_52 = arith.addi %mul3A_0, %add3A_51 : i32
    %run_scoped3A_53 = arith.constant 0 : i32
    "tpu.region"() ({
      %run_scoped3A_567 = tpu.sem_alloc : memref<!tpu.dma_semaphore, #tpu.memory_space<semaphore_mem>>
      %dma_start3A_568 = arith.constant 0 : i32
      %dma_start3A_569 = arith.constant 0 : i32
      %dma_start3A_570 = tpu.memref_slice %arg8[%run_scoped3A_53, %dma_start3A_568, %dma_start3A_569] : memref<2x128x128xf32, #tpu.memory_space<vmem>> -> memref<1x128x128xf32, #tpu.memory_space<vmem>>
      %dma_start3A_571 = tpu.memref_squeeze %dma_start3A_570 : memref<1x128x128xf32, #tpu.memory_space<vmem>> -> memref<128x128xf32, #tpu.memory_space<vmem>>
      %dma_start3A_572 = arith.constant 0 : i32
      %dma_start3A_573 = tpu.memref_slice %arg9[%add3A_52, %dma_start3A_572] : memref<10240x128xf32, #tpu.memory_space<vmem_shared>> -> memref<128x128xf32, #tpu.memory_space<vmem_shared>>
      %dma_start3A_574 = arith.constant 0 : i32
      %dma_start3A_575 = tpu.memref_slice %arg9[%add3A_52, %dma_start3A_574] : memref<10240x128xf32, #tpu.memory_space<vmem_shared>> -> memref<128x128xf32, #tpu.memory_space<vmem_shared>>
      %dma_start3A_576 = arith.constant 0 : i32
      %dma_start3A_577 = arith.constant 0 : i32
      %dma_start3A_578 = tpu.memref_slice %arg8[%run_scoped3A_53, %dma_start3A_576, %dma_start3A_577] : memref<2x128x128xf32, #tpu.memory_space<vmem>> -> memref<1x128x128xf32, #tpu.memory_space<vmem>>
      %dma_start3A_579 = tpu.memref_squeeze %dma_start3A_578 : memref<1x128x128xf32, #tpu.memory_space<vmem>> -> memref<128x128xf32, #tpu.memory_space<vmem>>
      tpu.enqueue_dma source(%dma_start3A_579 : memref<128x128xf32, #tpu.memory_space<vmem>>) target(%dma_start3A_575 : memref<128x128xf32, #tpu.memory_space<vmem_shared>>) target_semaphore(%run_scoped3A_567 : memref<!tpu.dma_semaphore, #tpu.memory_space<semaphore_mem>>)
      %dma_wait3A_580 = arith.constant 0 : i32
      %dma_wait3A_581 = arith.constant 0 : i32
      %dma_wait3A_582 = tpu.memref_slice %arg8[%run_scoped3A_53, %dma_wait3A_580, %dma_wait3A_581] : memref<2x128x128xf32, #tpu.memory_space<vmem>> -> memref<1x128x128xf32, #tpu.memory_space<vmem>>
      %dma_wait3A_583 = tpu.memref_squeeze %dma_wait3A_582 : memref<1x128x128xf32, #tpu.memory_space<vmem>> -> memref<128x128xf32, #tpu.memory_space<vmem>>
      %dma_wait3A_584 = arith.constant 0 : i32
      %dma_wait3A_585 = tpu.memref_slice %arg9[%add3A_52, %dma_wait3A_584] : memref<10240x128xf32, #tpu.memory_space<vmem_shared>> -> memref<128x128xf32, #tpu.memory_space<vmem_shared>>
      %dma_wait3A_586 = arith.constant 0 : i32
      %dma_wait3A_587 = tpu.memref_slice %arg9[%add3A_52, %dma_wait3A_586] : memref<10240x128xf32, #tpu.memory_space<vmem_shared>> -> memref<128x128xf32, #tpu.memory_space<vmem_shared>>
      %dma_wait3A_588 = arith.constant 0 : i32
      %dma_wait3A_589 = arith.constant 0 : i32
      %dma_wait3A_590 = tpu.memref_slice %arg8[%run_scoped3A_53, %dma_wait3A_588, %dma_wait3A_589] : memref<2x128x128xf32, #tpu.memory_space<vmem>> -> memref<1x128x128xf32, #tpu.memory_space<vmem>>
      %dma_wait3A_591 = tpu.memref_squeeze %dma_wait3A_590 : memref<1x128x128xf32, #tpu.memory_space<vmem>> -> memref<128x128xf32, #tpu.memory_space<vmem>>
      tpu.wait_dma2 semaphore(%run_scoped3A_567 : memref<!tpu.dma_semaphore, #tpu.memory_space<semaphore_mem>>) src(%dma_wait3A_591 : memref<128x128xf32, #tpu.memory_space<vmem>>) dst(%dma_wait3A_587 : memref<128x128xf32, #tpu.memory_space<vmem_shared>>)
      tpu.yield
    }) : () -> ()
    %add3A_54 = arith.constant 384 : i32
    %add3A_55 = arith.addi %mul3A_0, %add3A_54 : i32
    %run_scoped3A_56 = arith.constant 0 : i32
    "tpu.region"() ({
      %run_scoped3A_567 = tpu.sem_alloc : memref<!tpu.dma_semaphore, #tpu.memory_space<semaphore_mem>>
      %dma_start3A_568 = arith.constant 0 : i32
      %dma_start3A_569 = arith.constant 0 : i32
      %dma_start3A_570 = tpu.memref_slice %arg8[%run_scoped3A_56, %dma_start3A_568, %dma_start3A_569] : memref<2x128x128xf32, #tpu.memory_space<vmem>> -> memref<1x128x128xf32, #tpu.memory_space<vmem>>
      %dma_start3A_571 = tpu.memref_squeeze %dma_start3A_570 : memref<1x128x128xf32, #tpu.memory_space<vmem>> -> memref<128x128xf32, #tpu.memory_space<vmem>>
      %dma_start3A_572 = arith.constant 0 : i32
      %dma_start3A_573 = tpu.memref_slice %arg9[%add3A_55, %dma_start3A_572] : memref<10240x128xf32, #tpu.memory_space<vmem_shared>> -> memref<128x128xf32, #tpu.memory_space<vmem_shared>>
      %dma_start3A_574 = arith.constant 0 : i32
      %dma_start3A_575 = tpu.memref_slice %arg9[%add3A_55, %dma_start3A_574] : memref<10240x128xf32, #tpu.memory_space<vmem_shared>> -> memref<128x128xf32, #tpu.memory_space<vmem_shared>>
      %dma_start3A_576 = arith.constant 0 : i32
      %dma_start3A_577 = arith.constant 0 : i32
      %dma_start3A_578 = tpu.memref_slice %arg8[%run_scoped3A_56, %dma_start3A_576, %dma_start3A_577] : memref<2x128x128xf32, #tpu.memory_space<vmem>> -> memref<1x128x128xf32, #tpu.memory_space<vmem>>
      %dma_start3A_579 = tpu.memref_squeeze %dma_start3A_578 : memref<1x128x128xf32, #tpu.memory_space<vmem>> -> memref<128x128xf32, #tpu.memory_space<vmem>>
      tpu.enqueue_dma source(%dma_start3A_579 : memref<128x128xf32, #tpu.memory_space<vmem>>) target(%dma_start3A_575 : memref<128x128xf32, #tpu.memory_space<vmem_shared>>) target_semaphore(%run_scoped3A_567 : memref<!tpu.dma_semaphore, #tpu.memory_space<semaphore_mem>>)
      %dma_wait3A_580 = arith.constant 0 : i32
      %dma_wait3A_581 = arith.constant 0 : i32
      %dma_wait3A_582 = tpu.memref_slice %arg8[%run_scoped3A_56, %dma_wait3A_580, %dma_wait3A_581] : memref<2x128x128xf32, #tpu.memory_space<vmem>> -> memref<1x128x128xf32, #tpu.memory_space<vmem>>
      %dma_wait3A_583 = tpu.memref_squeeze %dma_wait3A_582 : memref<1x128x128xf32, #tpu.memory_space<vmem>> -> memref<128x128xf32, #tpu.memory_space<vmem>>
      %dma_wait3A_584 = arith.constant 0 : i32
      %dma_wait3A_585 = tpu.memref_slice %arg9[%add3A_55, %dma_wait3A_584] : memref<10240x128xf32, #tpu.memory_space<vmem_shared>> -> memref<128x128xf32, #tpu.memory_space<vmem_shared>>
      %dma_wait3A_586 = arith.constant 0 : i32
      %dma_wait3A_587 = tpu.memref_slice %arg9[%add3A_55, %dma_wait3A_586] : memref<10240x128xf32, #tpu.memory_space<vmem_shared>> -> memref<128x128xf32, #tpu.memory_space<vmem_shared>>
      %dma_wait3A_588 = arith.constant 0 : i32
      %dma_wait3A_589 = arith.constant 0 : i32
      %dma_wait3A_590 = tpu.memref_slice %arg8[%run_scoped3A_56, %dma_wait3A_588, %dma_wait3A_589] : memref<2x128x128xf32, #tpu.memory_space<vmem>> -> memref<1x128x128xf32, #tpu.memory_space<vmem>>
      %dma_wait3A_591 = tpu.memref_squeeze %dma_wait3A_590 : memref<1x128x128xf32, #tpu.memory_space<vmem>> -> memref<128x128xf32, #tpu.memory_space<vmem>>
      tpu.wait_dma2 semaphore(%run_scoped3A_567 : memref<!tpu.dma_semaphore, #tpu.memory_space<semaphore_mem>>) src(%dma_wait3A_591 : memref<128x128xf32, #tpu.memory_space<vmem>>) dst(%dma_wait3A_587 : memref<128x128xf32, #tpu.memory_space<vmem_shared>>)
      tpu.yield
    }) : () -> ()
    %add3A_57 = arith.constant 512 : i32
    %add3A_58 = arith.addi %mul3A_0, %add3A_57 : i32
    %run_scoped3A_59 = arith.constant 0 : i32
    "tpu.region"() ({
      %run_scoped3A_567 = tpu.sem_alloc : memref<!tpu.dma_semaphore, #tpu.memory_space<semaphore_mem>>
      %dma_start3A_568 = arith.constant 0 : i32
      %dma_start3A_569 = arith.constant 0 : i32
      %dma_start3A_570 = tpu.memref_slice %arg8[%run_scoped3A_59, %dma_start3A_568, %dma_start3A_569] : memref<2x128x128xf32, #tpu.memory_space<vmem>> -> memref<1x128x128xf32, #tpu.memory_space<vmem>>
      %dma_start3A_571 = tpu.memref_squeeze %dma_start3A_570 : memref<1x128x128xf32, #tpu.memory_space<vmem>> -> memref<128x128xf32, #tpu.memory_space<vmem>>
      %dma_start3A_572 = arith.constant 0 : i32
      %dma_start3A_573 = tpu.memref_slice %arg9[%add3A_58, %dma_start3A_572] : memref<10240x128xf32, #tpu.memory_space<vmem_shared>> -> memref<128x128xf32, #tpu.memory_space<vmem_shared>>
      %dma_start3A_574 = arith.constant 0 : i32
      %dma_start3A_575 = tpu.memref_slice %arg9[%add3A_58, %dma_start3A_574] : memref<10240x128xf32, #tpu.memory_space<vmem_shared>> -> memref<128x128xf32, #tpu.memory_space<vmem_shared>>
      %dma_start3A_576 = arith.constant 0 : i32
      %dma_start3A_577 = arith.constant 0 : i32
      %dma_start3A_578 = tpu.memref_slice %arg8[%run_scoped3A_59, %dma_start3A_576, %dma_start3A_577] : memref<2x128x128xf32, #tpu.memory_space<vmem>> -> memref<1x128x128xf32, #tpu.memory_space<vmem>>
      %dma_start3A_579 = tpu.memref_squeeze %dma_start3A_578 : memref<1x128x128xf32, #tpu.memory_space<vmem>> -> memref<128x128xf32, #tpu.memory_space<vmem>>
      tpu.enqueue_dma source(%dma_start3A_579 : memref<128x128xf32, #tpu.memory_space<vmem>>) target(%dma_start3A_575 : memref<128x128xf32, #tpu.memory_space<vmem_shared>>) target_semaphore(%run_scoped3A_567 : memref<!tpu.dma_semaphore, #tpu.memory_space<semaphore_mem>>)
      %dma_wait3A_580 = arith.constant 0 : i32
      %dma_wait3A_581 = arith.constant 0 : i32
      %dma_wait3A_582 = tpu.memref_slice %arg8[%run_scoped3A_59, %dma_wait3A_580, %dma_wait3A_581] : memref<2x128x128xf32, #tpu.memory_space<vmem>> -> memref<1x128x128xf32, #tpu.memory_space<vmem>>
      %dma_wait3A_583 = tpu.memref_squeeze %dma_wait3A_582 : memref<1x128x128xf32, #tpu.memory_space<vmem>> -> memref<128x128xf32, #tpu.memory_space<vmem>>
      %dma_wait3A_584 = arith.constant 0 : i32
      %dma_wait3A_585 = tpu.memref_slice %arg9[%add3A_58, %dma_wait3A_584] : memref<10240x128xf32, #tpu.memory_space<vmem_shared>> -> memref<128x128xf32, #tpu.memory_space<vmem_shared>>
      %dma_wait3A_586 = arith.constant 0 : i32
      %dma_wait3A_587 = tpu.memref_slice %arg9[%add3A_58, %dma_wait3A_586] : memref<10240x128xf32, #tpu.memory_space<vmem_shared>> -> memref<128x128xf32, #tpu.memory_space<vmem_shared>>
      %dma_wait3A_588 = arith.constant 0 : i32
      %dma_wait3A_589 = arith.constant 0 : i32
      %dma_wait3A_590 = tpu.memref_slice %arg8[%run_scoped3A_59, %dma_wait3A_588, %dma_wait3A_589] : memref<2x128x128xf32, #tpu.memory_space<vmem>> -> memref<1x128x128xf32, #tpu.memory_space<vmem>>
      %dma_wait3A_591 = tpu.memref_squeeze %dma_wait3A_590 : memref<1x128x128xf32, #tpu.memory_space<vmem>> -> memref<128x128xf32, #tpu.memory_space<vmem>>
      tpu.wait_dma2 semaphore(%run_scoped3A_567 : memref<!tpu.dma_semaphore, #tpu.memory_space<semaphore_mem>>) src(%dma_wait3A_591 : memref<128x128xf32, #tpu.memory_space<vmem>>) dst(%dma_wait3A_587 : memref<128x128xf32, #tpu.memory_space<vmem_shared>>)
      tpu.yield
    }) : () -> ()
    %barrier3A = arith.constant 0 : index
    tpu.barrier barrier_id(%barrier3A)
    %broadcast_in_dim3A_60 = arith.constant 16383 : i32
    %broadcast_in_dim3A_61 = vector.broadcast %broadcast_in_dim3A_60 : i32 to vector<16xi32>
    %add3A_62 = arith.constant 0 : i32
    %add3A_63 = arith.addi %select_n3A_8, %add3A_62 : i32
    %dma_wait3A = arith.constant 0 : i32
    %dma_wait3A_64 = arith.constant 0 : i32
    %dma_wait3A_65 = tpu.memref_slice %arg5[%dma_wait3A, %dma_wait3A_64] : memref<2x128xi32, #tpu.memory_space<vmem>> -> memref<1x128xi32, #tpu.memory_space<vmem>>
    %dma_wait3A_66 = tpu.memref_squeeze %dma_wait3A_65 : memref<1x128xi32, #tpu.memory_space<vmem>> -> memref<128xi32, #tpu.memory_space<vmem>>
    %dma_wait3A_67 = arith.constant 0 : i32
    %dma_wait3A_68 = tpu.memref_slice %arg2[%add3A_63, %dma_wait3A_67] : memref<2528x128xi32, #tpu.memory_space<hbm>> -> memref<1x128xi32, #tpu.memory_space<hbm>>
    %dma_wait3A_69 = tpu.memref_squeeze %dma_wait3A_68 : memref<1x128xi32, #tpu.memory_space<hbm>> -> memref<128xi32, #tpu.memory_space<hbm>>
    %dma_wait3A_70 = arith.constant 0 : i32
    %dma_wait3A_71 = tpu.memref_slice %arg5[%dma_wait3A, %dma_wait3A_70] : memref<2x128xi32, #tpu.memory_space<vmem>> -> memref<1x128xi32, #tpu.memory_space<vmem>>
    %dma_wait3A_72 = tpu.memref_squeeze %dma_wait3A_71 : memref<1x128xi32, #tpu.memory_space<vmem>> -> memref<128xi32, #tpu.memory_space<vmem>>
    %dma_wait3A_73 = arith.constant 0 : i32
    %dma_wait3A_74 = tpu.memref_slice %arg2[%add3A_63, %dma_wait3A_73] : memref<2528x128xi32, #tpu.memory_space<hbm>> -> memref<1x128xi32, #tpu.memory_space<hbm>>
    %dma_wait3A_75 = tpu.memref_squeeze %dma_wait3A_74 : memref<1x128xi32, #tpu.memory_space<hbm>> -> memref<128xi32, #tpu.memory_space<hbm>>
    tpu.wait_dma2 semaphore(%arg10 : memref<!tpu.dma_semaphore, #tpu.memory_space<semaphore_mem>>) src(%dma_wait3A_75 : memref<128xi32, #tpu.memory_space<hbm>>) dst(%dma_wait3A_72 : memref<128xi32, #tpu.memory_space<vmem>>)
    %get3A = arith.constant 0 : i32
    %get3A_76 = arith.index_cast %get3A : i32 to index
    %get3A_77 = arith.constant 0 : index
    %get3A_78 = tpu.vector_load %arg5[%get3A_76, %get3A_77] {strides = array<i32>} : memref<2x128xi32, #tpu.memory_space<vmem>>, vector<1x16xi32>,
    %get3A_79 = vector.shape_cast %get3A_78 : vector<1x16xi32> to vector<16xi32>
    %shift_right_logical3A = arith.constant 14 : i32
    %shift_right_logical3A_80 = vector.broadcast %shift_right_logical3A : i32 to vector<16xi32>
    %shift_right_logical3A_81 = arith.shrui %get3A_79, %shift_right_logical3A_80 : vector<16xi32>
    %swap3A = arith.constant 0 : i32
    %swap3A_82 = arith.index_cast %swap3A : i32 to index
    %swap3A_83 = arith.constant 0 : index
    %swap3A_84 = tpu.vector_load %arg6[%swap3A_82, %swap3A_83] {strides = array<i32>} : memref<2x128xi32, #tpu.memory_space<vmem>>, vector<1x16xi32>,
    %swap3A_85 = vector.shape_cast %swap3A_84 : vector<1x16xi32> to vector<16xi32>
    %swap3A_86 = vector.shape_cast %shift_right_logical3A_81 : vector<16xi32> to vector<1x16xi32>
    tpu.vector_store %arg6[%swap3A_82, %swap3A_83], %swap3A_86 {strides = array<i32>} : memref<2x128xi32, #tpu.memory_space<vmem>>, vector<1x16xi32>,
    %and3A = arith.andi %get3A_79, %broadcast_in_dim3A_61 : vector<16xi32>
    %swap3A_87 = arith.constant 0 : i32
    %swap3A_88 = arith.index_cast %swap3A_87 : i32 to index
    %swap3A_89 = arith.constant 0 : index
    %swap3A_90 = tpu.vector_load %arg7[%swap3A_88, %swap3A_89] {strides = array<i32>} : memref<2x128xi32, #tpu.memory_space<vmem>>, vector<1x16xi32>,
    %swap3A_91 = vector.shape_cast %swap3A_90 : vector<1x16xi32> to vector<16xi32>
    %swap3A_92 = vector.shape_cast %and3A : vector<16xi32> to vector<1x16xi32>
    tpu.vector_store %arg7[%swap3A_88, %swap3A_89], %swap3A_92 {strides = array<i32>} : memref<2x128xi32, #tpu.memory_space<vmem>>, vector<1x16xi32>,
    %get3A_93 = arith.constant 0 : i32
    %get3A_94 = arith.index_cast %get3A_93 : i32 to index
    %get3A_95 = arith.constant 16 : index
    %get3A_96 = tpu.vector_load %arg5[%get3A_94, %get3A_95] {strides = array<i32>} : memref<2x128xi32, #tpu.memory_space<vmem>>, vector<1x16xi32>,
    %get3A_97 = vector.shape_cast %get3A_96 : vector<1x16xi32> to vector<16xi32>
    %shift_right_logical3A_98 = arith.constant 14 : i32
    %shift_right_logical3A_99 = vector.broadcast %shift_right_logical3A_98 : i32 to vector<16xi32>
    %shift_right_logical3A_100 = arith.shrui %get3A_97, %shift_right_logical3A_99 : vector<16xi32>
    %swap3A_101 = arith.constant 0 : i32
    %swap3A_102 = arith.index_cast %swap3A_101 : i32 to index
    %swap3A_103 = arith.constant 16 : index
    %swap3A_104 = tpu.vector_load %arg6[%swap3A_102, %swap3A_103] {strides = array<i32>} : memref<2x128xi32, #tpu.memory_space<vmem>>, vector<1x16xi32>,
    %swap3A_105 = vector.shape_cast %swap3A_104 : vector<1x16xi32> to vector<16xi32>
    %swap3A_106 = vector.shape_cast %shift_right_logical3A_100 : vector<16xi32> to vector<1x16xi32>
    tpu.vector_store %arg6[%swap3A_102, %swap3A_103], %swap3A_106 {strides = array<i32>} : memref<2x128xi32, #tpu.memory_space<vmem>>, vector<1x16xi32>,
    %and3A_107 = arith.andi %get3A_97, %broadcast_in_dim3A_61 : vector<16xi32>
    %swap3A_108 = arith.constant 0 : i32
    %swap3A_109 = arith.index_cast %swap3A_108 : i32 to index
    %swap3A_110 = arith.constant 16 : index
    %swap3A_111 = tpu.vector_load %arg7[%swap3A_109, %swap3A_110] {strides = array<i32>} : memref<2x128xi32, #tpu.memory_space<vmem>>, vector<1x16xi32>,
    %swap3A_112 = vector.shape_cast %swap3A_111 : vector<1x16xi32> to vector<16xi32>
    %swap3A_113 = vector.shape_cast %and3A_107 : vector<16xi32> to vector<1x16xi32>
    tpu.vector_store %arg7[%swap3A_109, %swap3A_110], %swap3A_113 {strides = array<i32>} : memref<2x128xi32, #tpu.memory_space<vmem>>, vector<1x16xi32>,
    %get3A_114 = arith.constant 0 : i32
    %get3A_115 = arith.index_cast %get3A_114 : i32 to index
    %get3A_116 = arith.constant 32 : index
    %get3A_117 = tpu.vector_load %arg5[%get3A_115, %get3A_116] {strides = array<i32>} : memref<2x128xi32, #tpu.memory_space<vmem>>, vector<1x16xi32>,
    %get3A_118 = vector.shape_cast %get3A_117 : vector<1x16xi32> to vector<16xi32>
    %shift_right_logical3A_119 = arith.constant 14 : i32
    %shift_right_logical3A_120 = vector.broadcast %shift_right_logical3A_119 : i32 to vector<16xi32>
    %shift_right_logical3A_121 = arith.shrui %get3A_118, %shift_right_logical3A_120 : vector<16xi32>
    %swap3A_122 = arith.constant 0 : i32
    %swap3A_123 = arith.index_cast %swap3A_122 : i32 to index
    %swap3A_124 = arith.constant 32 : index
    %swap3A_125 = tpu.vector_load %arg6[%swap3A_123, %swap3A_124] {strides = array<i32>} : memref<2x128xi32, #tpu.memory_space<vmem>>, vector<1x16xi32>,
    %swap3A_126 = vector.shape_cast %swap3A_125 : vector<1x16xi32> to vector<16xi32>
    %swap3A_127 = vector.shape_cast %shift_right_logical3A_121 : vector<16xi32> to vector<1x16xi32>
    tpu.vector_store %arg6[%swap3A_123, %swap3A_124], %swap3A_127 {strides = array<i32>} : memref<2x128xi32, #tpu.memory_space<vmem>>, vector<1x16xi32>,
    %and3A_128 = arith.andi %get3A_118, %broadcast_in_dim3A_61 : vector<16xi32>
    %swap3A_129 = arith.constant 0 : i32
    %swap3A_130 = arith.index_cast %swap3A_129 : i32 to index
    %swap3A_131 = arith.constant 32 : index
    %swap3A_132 = tpu.vector_load %arg7[%swap3A_130, %swap3A_131] {strides = array<i32>} : memref<2x128xi32, #tpu.memory_space<vmem>>, vector<1x16xi32>,
    %swap3A_133 = vector.shape_cast %swap3A_132 : vector<1x16xi32> to vector<16xi32>
    %swap3A_134 = vector.shape_cast %and3A_128 : vector<16xi32> to vector<1x16xi32>
    tpu.vector_store %arg7[%swap3A_130, %swap3A_131], %swap3A_134 {strides = array<i32>} : memref<2x128xi32, #tpu.memory_space<vmem>>, vector<1x16xi32>,
    %get3A_135 = arith.constant 0 : i32
    %get3A_136 = arith.index_cast %get3A_135 : i32 to index
    %get3A_137 = arith.constant 48 : index
    %get3A_138 = tpu.vector_load %arg5[%get3A_136, %get3A_137] {strides = array<i32>} : memref<2x128xi32, #tpu.memory_space<vmem>>, vector<1x16xi32>,
    %get3A_139 = vector.shape_cast %get3A_138 : vector<1x16xi32> to vector<16xi32>
    %shift_right_logical3A_140 = arith.constant 14 : i32
    %shift_right_logical3A_141 = vector.broadcast %shift_right_logical3A_140 : i32 to vector<16xi32>
    %shift_right_logical3A_142 = arith.shrui %get3A_139, %shift_right_logical3A_141 : vector<16xi32>
    %swap3A_143 = arith.constant 0 : i32
    %swap3A_144 = arith.index_cast %swap3A_143 : i32 to index
    %swap3A_145 = arith.constant 48 : index
    %swap3A_146 = tpu.vector_load %arg6[%swap3A_144, %swap3A_145] {strides = array<i32>} : memref<2x128xi32, #tpu.memory_space<vmem>>, vector<1x16xi32>,
    %swap3A_147 = vector.shape_cast %swap3A_146 : vector<1x16xi32> to vector<16xi32>
    %swap3A_148 = vector.shape_cast %shift_right_logical3A_142 : vector<16xi32> to vector<1x16xi32>
    tpu.vector_store %arg6[%swap3A_144, %swap3A_145], %swap3A_148 {strides = array<i32>} : memref<2x128xi32, #tpu.memory_space<vmem>>, vector<1x16xi32>,
    %and3A_149 = arith.andi %get3A_139, %broadcast_in_dim3A_61 : vector<16xi32>
    %swap3A_150 = arith.constant 0 : i32
    %swap3A_151 = arith.index_cast %swap3A_150 : i32 to index
    %swap3A_152 = arith.constant 48 : index
    %swap3A_153 = tpu.vector_load %arg7[%swap3A_151, %swap3A_152] {strides = array<i32>} : memref<2x128xi32, #tpu.memory_space<vmem>>, vector<1x16xi32>,
    %swap3A_154 = vector.shape_cast %swap3A_153 : vector<1x16xi32> to vector<16xi32>
    %swap3A_155 = vector.shape_cast %and3A_149 : vector<16xi32> to vector<1x16xi32>
    tpu.vector_store %arg7[%swap3A_151, %swap3A_152], %swap3A_155 {strides = array<i32>} : memref<2x128xi32, #tpu.memory_space<vmem>>, vector<1x16xi32>,
    %get3A_156 = arith.constant 0 : i32
    %get3A_157 = arith.index_cast %get3A_156 : i32 to index
    %get3A_158 = arith.constant 64 : index
    %get3A_159 = tpu.vector_load %arg5[%get3A_157, %get3A_158] {strides = array<i32>} : memref<2x128xi32, #tpu.memory_space<vmem>>, vector<1x16xi32>,
    %get3A_160 = vector.shape_cast %get3A_159 : vector<1x16xi32> to vector<16xi32>
    %shift_right_logical3A_161 = arith.constant 14 : i32
    %shift_right_logical3A_162 = vector.broadcast %shift_right_logical3A_161 : i32 to vector<16xi32>
    %shift_right_logical3A_163 = arith.shrui %get3A_160, %shift_right_logical3A_162 : vector<16xi32>
    %swap3A_164 = arith.constant 0 : i32
    %swap3A_165 = arith.index_cast %swap3A_164 : i32 to index
    %swap3A_166 = arith.constant 64 : index
    %swap3A_167 = tpu.vector_load %arg6[%swap3A_165, %swap3A_166] {strides = array<i32>} : memref<2x128xi32, #tpu.memory_space<vmem>>, vector<1x16xi32>,
    %swap3A_168 = vector.shape_cast %swap3A_167 : vector<1x16xi32> to vector<16xi32>
    %swap3A_169 = vector.shape_cast %shift_right_logical3A_163 : vector<16xi32> to vector<1x16xi32>
    tpu.vector_store %arg6[%swap3A_165, %swap3A_166], %swap3A_169 {strides = array<i32>} : memref<2x128xi32, #tpu.memory_space<vmem>>, vector<1x16xi32>,
    %and3A_170 = arith.andi %get3A_160, %broadcast_in_dim3A_61 : vector<16xi32>
    %swap3A_171 = arith.constant 0 : i32
    %swap3A_172 = arith.index_cast %swap3A_171 : i32 to index
    %swap3A_173 = arith.constant 64 : index
    %swap3A_174 = tpu.vector_load %arg7[%swap3A_172, %swap3A_173] {strides = array<i32>} : memref<2x128xi32, #tpu.memory_space<vmem>>, vector<1x16xi32>,
    %swap3A_175 = vector.shape_cast %swap3A_174 : vector<1x16xi32> to vector<16xi32>
    %swap3A_176 = vector.shape_cast %and3A_170 : vector<16xi32> to vector<1x16xi32>
    tpu.vector_store %arg7[%swap3A_172, %swap3A_173], %swap3A_176 {strides = array<i32>} : memref<2x128xi32, #tpu.memory_space<vmem>>, vector<1x16xi32>,
    %get3A_177 = arith.constant 0 : i32
    %get3A_178 = arith.index_cast %get3A_177 : i32 to index
    %get3A_179 = arith.constant 80 : index
    %get3A_180 = tpu.vector_load %arg5[%get3A_178, %get3A_179] {strides = array<i32>} : memref<2x128xi32, #tpu.memory_space<vmem>>, vector<1x16xi32>,
    %get3A_181 = vector.shape_cast %get3A_180 : vector<1x16xi32> to vector<16xi32>
    %shift_right_logical3A_182 = arith.constant 14 : i32
    %shift_right_logical3A_183 = vector.broadcast %shift_right_logical3A_182 : i32 to vector<16xi32>
    %shift_right_logical3A_184 = arith.shrui %get3A_181, %shift_right_logical3A_183 : vector<16xi32>
    %swap3A_185 = arith.constant 0 : i32
    %swap3A_186 = arith.index_cast %swap3A_185 : i32 to index
    %swap3A_187 = arith.constant 80 : index
    %swap3A_188 = tpu.vector_load %arg6[%swap3A_186, %swap3A_187] {strides = array<i32>} : memref<2x128xi32, #tpu.memory_space<vmem>>, vector<1x16xi32>,
    %swap3A_189 = vector.shape_cast %swap3A_188 : vector<1x16xi32> to vector<16xi32>
    %swap3A_190 = vector.shape_cast %shift_right_logical3A_184 : vector<16xi32> to vector<1x16xi32>
    tpu.vector_store %arg6[%swap3A_186, %swap3A_187], %swap3A_190 {strides = array<i32>} : memref<2x128xi32, #tpu.memory_space<vmem>>, vector<1x16xi32>,
    %and3A_191 = arith.andi %get3A_181, %broadcast_in_dim3A_61 : vector<16xi32>
    %swap3A_192 = arith.constant 0 : i32
    %swap3A_193 = arith.index_cast %swap3A_192 : i32 to index
    %swap3A_194 = arith.constant 80 : index
    %swap3A_195 = tpu.vector_load %arg7[%swap3A_193, %swap3A_194] {strides = array<i32>} : memref<2x128xi32, #tpu.memory_space<vmem>>, vector<1x16xi32>,
    %swap3A_196 = vector.shape_cast %swap3A_195 : vector<1x16xi32> to vector<16xi32>
    %swap3A_197 = vector.shape_cast %and3A_191 : vector<16xi32> to vector<1x16xi32>
    tpu.vector_store %arg7[%swap3A_193, %swap3A_194], %swap3A_197 {strides = array<i32>} : memref<2x128xi32, #tpu.memory_space<vmem>>, vector<1x16xi32>,
    %get3A_198 = arith.constant 0 : i32
    %get3A_199 = arith.index_cast %get3A_198 : i32 to index
    %get3A_200 = arith.constant 96 : index
    %get3A_201 = tpu.vector_load %arg5[%get3A_199, %get3A_200] {strides = array<i32>} : memref<2x128xi32, #tpu.memory_space<vmem>>, vector<1x16xi32>,
    %get3A_202 = vector.shape_cast %get3A_201 : vector<1x16xi32> to vector<16xi32>
    %shift_right_logical3A_203 = arith.constant 14 : i32
    %shift_right_logical3A_204 = vector.broadcast %shift_right_logical3A_203 : i32 to vector<16xi32>
    %shift_right_logical3A_205 = arith.shrui %get3A_202, %shift_right_logical3A_204 : vector<16xi32>
    %swap3A_206 = arith.constant 0 : i32
    %swap3A_207 = arith.index_cast %swap3A_206 : i32 to index
    %swap3A_208 = arith.constant 96 : index
    %swap3A_209 = tpu.vector_load %arg6[%swap3A_207, %swap3A_208] {strides = array<i32>} : memref<2x128xi32, #tpu.memory_space<vmem>>, vector<1x16xi32>,
    %swap3A_210 = vector.shape_cast %swap3A_209 : vector<1x16xi32> to vector<16xi32>
    %swap3A_211 = vector.shape_cast %shift_right_logical3A_205 : vector<16xi32> to vector<1x16xi32>
    tpu.vector_store %arg6[%swap3A_207, %swap3A_208], %swap3A_211 {strides = array<i32>} : memref<2x128xi32, #tpu.memory_space<vmem>>, vector<1x16xi32>,
    %and3A_212 = arith.andi %get3A_202, %broadcast_in_dim3A_61 : vector<16xi32>
    %swap3A_213 = arith.constant 0 : i32
    %swap3A_214 = arith.index_cast %swap3A_213 : i32 to index
    %swap3A_215 = arith.constant 96 : index
    %swap3A_216 = tpu.vector_load %arg7[%swap3A_214, %swap3A_215] {strides = array<i32>} : memref<2x128xi32, #tpu.memory_space<vmem>>, vector<1x16xi32>,
    %swap3A_217 = vector.shape_cast %swap3A_216 : vector<1x16xi32> to vector<16xi32>
    %swap3A_218 = vector.shape_cast %and3A_212 : vector<16xi32> to vector<1x16xi32>
    tpu.vector_store %arg7[%swap3A_214, %swap3A_215], %swap3A_218 {strides = array<i32>} : memref<2x128xi32, #tpu.memory_space<vmem>>, vector<1x16xi32>,
    %get3A_219 = arith.constant 0 : i32
    %get3A_220 = arith.index_cast %get3A_219 : i32 to index
    %get3A_221 = arith.constant 112 : index
    %get3A_222 = tpu.vector_load %arg5[%get3A_220, %get3A_221] {strides = array<i32>} : memref<2x128xi32, #tpu.memory_space<vmem>>, vector<1x16xi32>,
    %get3A_223 = vector.shape_cast %get3A_222 : vector<1x16xi32> to vector<16xi32>
    %shift_right_logical3A_224 = arith.constant 14 : i32
    %shift_right_logical3A_225 = vector.broadcast %shift_right_logical3A_224 : i32 to vector<16xi32>
    %shift_right_logical3A_226 = arith.shrui %get3A_223, %shift_right_logical3A_225 : vector<16xi32>
    %swap3A_227 = arith.constant 0 : i32
    %swap3A_228 = arith.index_cast %swap3A_227 : i32 to index
    %swap3A_229 = arith.constant 112 : index
    %swap3A_230 = tpu.vector_load %arg6[%swap3A_228, %swap3A_229] {strides = array<i32>} : memref<2x128xi32, #tpu.memory_space<vmem>>, vector<1x16xi32>,
    %swap3A_231 = vector.shape_cast %swap3A_230 : vector<1x16xi32> to vector<16xi32>
    %swap3A_232 = vector.shape_cast %shift_right_logical3A_226 : vector<16xi32> to vector<1x16xi32>
    tpu.vector_store %arg6[%swap3A_228, %swap3A_229], %swap3A_232 {strides = array<i32>} : memref<2x128xi32, #tpu.memory_space<vmem>>, vector<1x16xi32>,
    %and3A_233 = arith.andi %get3A_223, %broadcast_in_dim3A_61 : vector<16xi32>
    %swap3A_234 = arith.constant 0 : i32
    %swap3A_235 = arith.index_cast %swap3A_234 : i32 to index
    %swap3A_236 = arith.constant 112 : index
    %swap3A_237 = tpu.vector_load %arg7[%swap3A_235, %swap3A_236] {strides = array<i32>} : memref<2x128xi32, #tpu.memory_space<vmem>>, vector<1x16xi32>,
    %swap3A_238 = vector.shape_cast %swap3A_237 : vector<1x16xi32> to vector<16xi32>
    %swap3A_239 = vector.shape_cast %and3A_233 : vector<16xi32> to vector<1x16xi32>
    tpu.vector_store %arg7[%swap3A_235, %swap3A_236], %swap3A_239 {strides = array<i32>} : memref<2x128xi32, #tpu.memory_space<vmem>>, vector<1x16xi32>,
    %add3A_240 = arith.constant 0 : i32
    %add3A_241 = arith.addi %select_n3A_8, %add3A_240 : i32
    %add3A_242 = arith.constant 2 : i32
    %add3A_243 = arith.addi %add3A_241, %add3A_242 : i32
    %dma_start3A_244 = arith.constant 0 : i32
    %dma_start3A_245 = arith.constant 0 : i32
    %dma_start3A_246 = tpu.memref_slice %arg5[%dma_start3A_244, %dma_start3A_245] : memref<2x128xi32, #tpu.memory_space<vmem>> -> memref<1x128xi32, #tpu.memory_space<vmem>>
    %dma_start3A_247 = tpu.memref_squeeze %dma_start3A_246 : memref<1x128xi32, #tpu.memory_space<vmem>> -> memref<128xi32, #tpu.memory_space<vmem>>
    %dma_start3A_248 = arith.constant 0 : i32
    %dma_start3A_249 = tpu.memref_slice %arg2[%add3A_243, %dma_start3A_248] : memref<2528x128xi32, #tpu.memory_space<hbm>> -> memref<1x128xi32, #tpu.memory_space<hbm>>
    %dma_start3A_250 = tpu.memref_squeeze %dma_start3A_249 : memref<1x128xi32, #tpu.memory_space<hbm>> -> memref<128xi32, #tpu.memory_space<hbm>>
    %dma_start3A_251 = arith.constant 0 : i32
    %dma_start3A_252 = tpu.memref_slice %arg5[%dma_start3A_244, %dma_start3A_251] : memref<2x128xi32, #tpu.memory_space<vmem>> -> memref<1x128xi32, #tpu.memory_space<vmem>>
    %dma_start3A_253 = tpu.memref_squeeze %dma_start3A_252 : memref<1x128xi32, #tpu.memory_space<vmem>> -> memref<128xi32, #tpu.memory_space<vmem>>
    %dma_start3A_254 = arith.constant 0 : i32
    %dma_start3A_255 = tpu.memref_slice %arg2[%add3A_243, %dma_start3A_254] : memref<2528x128xi32, #tpu.memory_space<hbm>> -> memref<1x128xi32, #tpu.memory_space<hbm>>
    %dma_start3A_256 = tpu.memref_squeeze %dma_start3A_255 : memref<1x128xi32, #tpu.memory_space<hbm>> -> memref<128xi32, #tpu.memory_space<hbm>>
    tpu.enqueue_dma source(%dma_start3A_256 : memref<128xi32, #tpu.memory_space<hbm>>) target(%dma_start3A_253 : memref<128xi32, #tpu.memory_space<vmem>>) target_semaphore(%arg10 : memref<!tpu.dma_semaphore, #tpu.memory_space<semaphore_mem>>)
    %dma_start3A_257 = arith.constant 0 : i32
    %dma_start3A_258 = arith.constant 0 : i32
    %dma_start3A_259 = arith.constant 0 : i32
    %dma_start3A_260 = arith.constant 0 : i32
    %dma_start3A_261 = tpu.memref_slice %arg8[%dma_start3A_258, %dma_start3A_259, %dma_start3A_260] : memref<2x128x128xf32, #tpu.memory_space<vmem>> -> memref<1x128x128xf32, #tpu.memory_space<vmem>>
    %dma_start3A_262 = tpu.memref_squeeze %dma_start3A_261 : memref<1x128x128xf32, #tpu.memory_space<vmem>> -> memref<128x128xf32, #tpu.memory_space<vmem>>
    %dma_start3A_263 = arith.constant 0 : i32
    %dma_start3A_264 = tpu.memref_slice %arg6[%dma_start3A_257, %dma_start3A_263] : memref<2x128xi32, #tpu.memory_space<vmem>> -> memref<1x128xi32, #tpu.memory_space<vmem>>
    %dma_start3A_265 = tpu.memref_squeeze %dma_start3A_264 : memref<1x128xi32, #tpu.memory_space<vmem>> -> memref<128xi32, #tpu.memory_space<vmem>>
    %dma_start3A_266 = arith.constant 0 : i32
    %dma_start3A_267 = arith.constant 0 : i32
    %dma_start3A_268 = tpu.memref_slice %arg3[%dma_start3A_266, %dma_start3A_267] : memref<80000x128xf32, #tpu.memory_space<hbm>> -> memref<80000x128xf32, #tpu.memory_space<hbm>>
    tpu.enqueue_indirect_dma source(%dma_start3A_268 : memref<80000x128xf32, #tpu.memory_space<hbm>>) target(%dma_start3A_262 : memref<128x128xf32, #tpu.memory_space<vmem>>) offsets(%dma_start3A_265 : memref<128xi32, #tpu.memory_space<vmem>>) semaphore(%arg12 : memref<!tpu.dma_semaphore, #tpu.memory_space<semaphore_mem>>)
    %add3A_269 = arith.constant 1 : i32
    %add3A_270 = arith.addi %select_n3A_8, %add3A_269 : i32
    %dma_wait3A_271 = arith.constant 1 : i32
    %dma_wait3A_272 = arith.constant 0 : i32
    %dma_wait3A_273 = tpu.memref_slice %arg5[%dma_wait3A_271, %dma_wait3A_272] : memref<2x128xi32, #tpu.memory_space<vmem>> -> memref<1x128xi32, #tpu.memory_space<vmem>>
    %dma_wait3A_274 = tpu.memref_squeeze %dma_wait3A_273 : memref<1x128xi32, #tpu.memory_space<vmem>> -> memref<128xi32, #tpu.memory_space<vmem>>
    %dma_wait3A_275 = arith.constant 0 : i32
    %dma_wait3A_276 = tpu.memref_slice %arg2[%add3A_270, %dma_wait3A_275] : memref<2528x128xi32, #tpu.memory_space<hbm>> -> memref<1x128xi32, #tpu.memory_space<hbm>>
    %dma_wait3A_277 = tpu.memref_squeeze %dma_wait3A_276 : memref<1x128xi32, #tpu.memory_space<hbm>> -> memref<128xi32, #tpu.memory_space<hbm>>
    %dma_wait3A_278 = arith.constant 0 : i32
    %dma_wait3A_279 = tpu.memref_slice %arg5[%dma_wait3A_271, %dma_wait3A_278] : memref<2x128xi32, #tpu.memory_space<vmem>> -> memref<1x128xi32, #tpu.memory_space<vmem>>
    %dma_wait3A_280 = tpu.memref_squeeze %dma_wait3A_279 : memref<1x128xi32, #tpu.memory_space<vmem>> -> memref<128xi32, #tpu.memory_space<vmem>>
    %dma_wait3A_281 = arith.constant 0 : i32
    %dma_wait3A_282 = tpu.memref_slice %arg2[%add3A_270, %dma_wait3A_281] : memref<2528x128xi32, #tpu.memory_space<hbm>> -> memref<1x128xi32, #tpu.memory_space<hbm>>
    %dma_wait3A_283 = tpu.memref_squeeze %dma_wait3A_282 : memref<1x128xi32, #tpu.memory_space<hbm>> -> memref<128xi32, #tpu.memory_space<hbm>>
    tpu.wait_dma2 semaphore(%arg11 : memref<!tpu.dma_semaphore, #tpu.memory_space<semaphore_mem>>) src(%dma_wait3A_283 : memref<128xi32, #tpu.memory_space<hbm>>) dst(%dma_wait3A_280 : memref<128xi32, #tpu.memory_space<vmem>>)
    %get3A_284 = arith.constant 1 : i32
    %get3A_285 = arith.index_cast %get3A_284 : i32 to index
    %get3A_286 = arith.constant 0 : index
    %get3A_287 = tpu.vector_load %arg5[%get3A_285, %get3A_286] {strides = array<i32>} : memref<2x128xi32, #tpu.memory_space<vmem>>, vector<1x16xi32>,
    %get3A_288 = vector.shape_cast %get3A_287 : vector<1x16xi32> to vector<16xi32>
    %shift_right_logical3A_289 = arith.constant 14 : i32
    %shift_right_logical3A_290 = vector.broadcast %shift_right_logical3A_289 : i32 to vector<16xi32>
    %shift_right_logical3A_291 = arith.shrui %get3A_288, %shift_right_logical3A_290 : vector<16xi32>
    %swap3A_292 = arith.constant 1 : i32
    %swap3A_293 = arith.index_cast %swap3A_292 : i32 to index
    %swap3A_294 = arith.constant 0 : index
    %swap3A_295 = tpu.vector_load %arg6[%swap3A_293, %swap3A_294] {strides = array<i32>} : memref<2x128xi32, #tpu.memory_space<vmem>>, vector<1x16xi32>,
    %swap3A_296 = vector.shape_cast %swap3A_295 : vector<1x16xi32> to vector<16xi32>
    %swap3A_297 = vector.shape_cast %shift_right_logical3A_291 : vector<16xi32> to vector<1x16xi32>
    tpu.vector_store %arg6[%swap3A_293, %swap3A_294], %swap3A_297 {strides = array<i32>} : memref<2x128xi32, #tpu.memory_space<vmem>>, vector<1x16xi32>,
    %and3A_298 = arith.andi %get3A_288, %broadcast_in_dim3A_61 : vector<16xi32>
    %swap3A_299 = arith.constant 1 : i32
    %swap3A_300 = arith.index_cast %swap3A_299 : i32 to index
    %swap3A_301 = arith.constant 0 : index
    %swap3A_302 = tpu.vector_load %arg7[%swap3A_300, %swap3A_301] {strides = array<i32>} : memref<2x128xi32, #tpu.memory_space<vmem>>, vector<1x16xi32>,
    %swap3A_303 = vector.shape_cast %swap3A_302 : vector<1x16xi32> to vector<16xi32>
    %swap3A_304 = vector.shape_cast %and3A_298 : vector<16xi32> to vector<1x16xi32>
    tpu.vector_store %arg7[%swap3A_300, %swap3A_301], %swap3A_304 {strides = array<i32>} : memref<2x128xi32, #tpu.memory_space<vmem>>, vector<1x16xi32>,
    %get3A_305 = arith.constant 1 : i32
    %get3A_306 = arith.index_cast %get3A_305 : i32 to index
    %get3A_307 = arith.constant 16 : index
    %get3A_308 = tpu.vector_load %arg5[%get3A_306, %get3A_307] {strides = array<i32>} : memref<2x128xi32, #tpu.memory_space<vmem>>, vector<1x16xi32>,
    %get3A_309 = vector.shape_cast %get3A_308 : vector<1x16xi32> to vector<16xi32>
    %shift_right_logical3A_310 = arith.constant 14 : i32
    %shift_right_logical3A_311 = vector.broadcast %shift_right_logical3A_310 : i32 to vector<16xi32>
    %shift_right_logical3A_312 = arith.shrui %get3A_309, %shift_right_logical3A_311 : vector<16xi32>
    %swap3A_313 = arith.constant 1 : i32
    %swap3A_314 = arith.index_cast %swap3A_313 : i32 to index
    %swap3A_315 = arith.constant 16 : index
    %swap3A_316 = tpu.vector_load %arg6[%swap3A_314, %swap3A_315] {strides = array<i32>} : memref<2x128xi32, #tpu.memory_space<vmem>>, vector<1x16xi32>,
    %swap3A_317 = vector.shape_cast %swap3A_316 : vector<1x16xi32> to vector<16xi32>
    %swap3A_318 = vector.shape_cast %shift_right_logical3A_312 : vector<16xi32> to vector<1x16xi32>
    tpu.vector_store %arg6[%swap3A_314, %swap3A_315], %swap3A_318 {strides = array<i32>} : memref<2x128xi32, #tpu.memory_space<vmem>>, vector<1x16xi32>,
    %and3A_319 = arith.andi %get3A_309, %broadcast_in_dim3A_61 : vector<16xi32>
    %swap3A_320 = arith.constant 1 : i32
    %swap3A_321 = arith.index_cast %swap3A_320 : i32 to index
    %swap3A_322 = arith.constant 16 : index
    %swap3A_323 = tpu.vector_load %arg7[%swap3A_321, %swap3A_322] {strides = array<i32>} : memref<2x128xi32, #tpu.memory_space<vmem>>, vector<1x16xi32>,
    %swap3A_324 = vector.shape_cast %swap3A_323 : vector<1x16xi32> to vector<16xi32>
    %swap3A_325 = vector.shape_cast %and3A_319 : vector<16xi32> to vector<1x16xi32>
    tpu.vector_store %arg7[%swap3A_321, %swap3A_322], %swap3A_325 {strides = array<i32>} : memref<2x128xi32, #tpu.memory_space<vmem>>, vector<1x16xi32>,
    %get3A_326 = arith.constant 1 : i32
    %get3A_327 = arith.index_cast %get3A_326 : i32 to index
    %get3A_328 = arith.constant 32 : index
    %get3A_329 = tpu.vector_load %arg5[%get3A_327, %get3A_328] {strides = array<i32>} : memref<2x128xi32, #tpu.memory_space<vmem>>, vector<1x16xi32>,
    %get3A_330 = vector.shape_cast %get3A_329 : vector<1x16xi32> to vector<16xi32>
    %shift_right_logical3A_331 = arith.constant 14 : i32
    %shift_right_logical3A_332 = vector.broadcast %shift_right_logical3A_331 : i32 to vector<16xi32>
    %shift_right_logical3A_333 = arith.shrui %get3A_330, %shift_right_logical3A_332 : vector<16xi32>
    %swap3A_334 = arith.constant 1 : i32
    %swap3A_335 = arith.index_cast %swap3A_334 : i32 to index
    %swap3A_336 = arith.constant 32 : index
    %swap3A_337 = tpu.vector_load %arg6[%swap3A_335, %swap3A_336] {strides = array<i32>} : memref<2x128xi32, #tpu.memory_space<vmem>>, vector<1x16xi32>,
    %swap3A_338 = vector.shape_cast %swap3A_337 : vector<1x16xi32> to vector<16xi32>
    %swap3A_339 = vector.shape_cast %shift_right_logical3A_333 : vector<16xi32> to vector<1x16xi32>
    tpu.vector_store %arg6[%swap3A_335, %swap3A_336], %swap3A_339 {strides = array<i32>} : memref<2x128xi32, #tpu.memory_space<vmem>>, vector<1x16xi32>,
    %and3A_340 = arith.andi %get3A_330, %broadcast_in_dim3A_61 : vector<16xi32>
    %swap3A_341 = arith.constant 1 : i32
    %swap3A_342 = arith.index_cast %swap3A_341 : i32 to index
    %swap3A_343 = arith.constant 32 : index
    %swap3A_344 = tpu.vector_load %arg7[%swap3A_342, %swap3A_343] {strides = array<i32>} : memref<2x128xi32, #tpu.memory_space<vmem>>, vector<1x16xi32>,
    %swap3A_345 = vector.shape_cast %swap3A_344 : vector<1x16xi32> to vector<16xi32>
    %swap3A_346 = vector.shape_cast %and3A_340 : vector<16xi32> to vector<1x16xi32>
    tpu.vector_store %arg7[%swap3A_342, %swap3A_343], %swap3A_346 {strides = array<i32>} : memref<2x128xi32, #tpu.memory_space<vmem>>, vector<1x16xi32>,
    %get3A_347 = arith.constant 1 : i32
    %get3A_348 = arith.index_cast %get3A_347 : i32 to index
    %get3A_349 = arith.constant 48 : index
    %get3A_350 = tpu.vector_load %arg5[%get3A_348, %get3A_349] {strides = array<i32>} : memref<2x128xi32, #tpu.memory_space<vmem>>, vector<1x16xi32>,
    %get3A_351 = vector.shape_cast %get3A_350 : vector<1x16xi32> to vector<16xi32>
    %shift_right_logical3A_352 = arith.constant 14 : i32
    %shift_right_logical3A_353 = vector.broadcast %shift_right_logical3A_352 : i32 to vector<16xi32>
    %shift_right_logical3A_354 = arith.shrui %get3A_351, %shift_right_logical3A_353 : vector<16xi32>
    %swap3A_355 = arith.constant 1 : i32
    %swap3A_356 = arith.index_cast %swap3A_355 : i32 to index
    %swap3A_357 = arith.constant 48 : index
    %swap3A_358 = tpu.vector_load %arg6[%swap3A_356, %swap3A_357] {strides = array<i32>} : memref<2x128xi32, #tpu.memory_space<vmem>>, vector<1x16xi32>,
    %swap3A_359 = vector.shape_cast %swap3A_358 : vector<1x16xi32> to vector<16xi32>
    %swap3A_360 = vector.shape_cast %shift_right_logical3A_354 : vector<16xi32> to vector<1x16xi32>
    tpu.vector_store %arg6[%swap3A_356, %swap3A_357], %swap3A_360 {strides = array<i32>} : memref<2x128xi32, #tpu.memory_space<vmem>>, vector<1x16xi32>,
    %and3A_361 = arith.andi %get3A_351, %broadcast_in_dim3A_61 : vector<16xi32>
    %swap3A_362 = arith.constant 1 : i32
    %swap3A_363 = arith.index_cast %swap3A_362 : i32 to index
    %swap3A_364 = arith.constant 48 : index
    %swap3A_365 = tpu.vector_load %arg7[%swap3A_363, %swap3A_364] {strides = array<i32>} : memref<2x128xi32, #tpu.memory_space<vmem>>, vector<1x16xi32>,
    %swap3A_366 = vector.shape_cast %swap3A_365 : vector<1x16xi32> to vector<16xi32>
    %swap3A_367 = vector.shape_cast %and3A_361 : vector<16xi32> to vector<1x16xi32>
    tpu.vector_store %arg7[%swap3A_363, %swap3A_364], %swap3A_367 {strides = array<i32>} : memref<2x128xi32, #tpu.memory_space<vmem>>, vector<1x16xi32>,
    %get3A_368 = arith.constant 1 : i32
    %get3A_369 = arith.index_cast %get3A_368 : i32 to index
    %get3A_370 = arith.constant 64 : index
    %get3A_371 = tpu.vector_load %arg5[%get3A_369, %get3A_370] {strides = array<i32>} : memref<2x128xi32, #tpu.memory_space<vmem>>, vector<1x16xi32>,
    %get3A_372 = vector.shape_cast %get3A_371 : vector<1x16xi32> to vector<16xi32>
    %shift_right_logical3A_373 = arith.constant 14 : i32
    %shift_right_logical3A_374 = vector.broadcast %shift_right_logical3A_373 : i32 to vector<16xi32>
    %shift_right_logical3A_375 = arith.shrui %get3A_372, %shift_right_logical3A_374 : vector<16xi32>
    %swap3A_376 = arith.constant 1 : i32
    %swap3A_377 = arith.index_cast %swap3A_376 : i32 to index
    %swap3A_378 = arith.constant 64 : index
    %swap3A_379 = tpu.vector_load %arg6[%swap3A_377, %swap3A_378] {strides = array<i32>} : memref<2x128xi32, #tpu.memory_space<vmem>>, vector<1x16xi32>,
    %swap3A_380 = vector.shape_cast %swap3A_379 : vector<1x16xi32> to vector<16xi32>
    %swap3A_381 = vector.shape_cast %shift_right_logical3A_375 : vector<16xi32> to vector<1x16xi32>
    tpu.vector_store %arg6[%swap3A_377, %swap3A_378], %swap3A_381 {strides = array<i32>} : memref<2x128xi32, #tpu.memory_space<vmem>>, vector<1x16xi32>,
    %and3A_382 = arith.andi %get3A_372, %broadcast_in_dim3A_61 : vector<16xi32>
    %swap3A_383 = arith.constant 1 : i32
    %swap3A_384 = arith.index_cast %swap3A_383 : i32 to index
    %swap3A_385 = arith.constant 64 : index
    %swap3A_386 = tpu.vector_load %arg7[%swap3A_384, %swap3A_385] {strides = array<i32>} : memref<2x128xi32, #tpu.memory_space<vmem>>, vector<1x16xi32>,
    %swap3A_387 = vector.shape_cast %swap3A_386 : vector<1x16xi32> to vector<16xi32>
    %swap3A_388 = vector.shape_cast %and3A_382 : vector<16xi32> to vector<1x16xi32>
    tpu.vector_store %arg7[%swap3A_384, %swap3A_385], %swap3A_388 {strides = array<i32>} : memref<2x128xi32, #tpu.memory_space<vmem>>, vector<1x16xi32>,
    %get3A_389 = arith.constant 1 : i32
    %get3A_390 = arith.index_cast %get3A_389 : i32 to index
    %get3A_391 = arith.constant 80 : index
    %get3A_392 = tpu.vector_load %arg5[%get3A_390, %get3A_391] {strides = array<i32>} : memref<2x128xi32, #tpu.memory_space<vmem>>, vector<1x16xi32>,
    %get3A_393 = vector.shape_cast %get3A_392 : vector<1x16xi32> to vector<16xi32>
    %shift_right_logical3A_394 = arith.constant 14 : i32
    %shift_right_logical3A_395 = vector.broadcast %shift_right_logical3A_394 : i32 to vector<16xi32>
    %shift_right_logical3A_396 = arith.shrui %get3A_393, %shift_right_logical3A_395 : vector<16xi32>
    %swap3A_397 = arith.constant 1 : i32
    %swap3A_398 = arith.index_cast %swap3A_397 : i32 to index
    %swap3A_399 = arith.constant 80 : index
    %swap3A_400 = tpu.vector_load %arg6[%swap3A_398, %swap3A_399] {strides = array<i32>} : memref<2x128xi32, #tpu.memory_space<vmem>>, vector<1x16xi32>,
    %swap3A_401 = vector.shape_cast %swap3A_400 : vector<1x16xi32> to vector<16xi32>
    %swap3A_402 = vector.shape_cast %shift_right_logical3A_396 : vector<16xi32> to vector<1x16xi32>
    tpu.vector_store %arg6[%swap3A_398, %swap3A_399], %swap3A_402 {strides = array<i32>} : memref<2x128xi32, #tpu.memory_space<vmem>>, vector<1x16xi32>,
    %and3A_403 = arith.andi %get3A_393, %broadcast_in_dim3A_61 : vector<16xi32>
    %swap3A_404 = arith.constant 1 : i32
    %swap3A_405 = arith.index_cast %swap3A_404 : i32 to index
    %swap3A_406 = arith.constant 80 : index
    %swap3A_407 = tpu.vector_load %arg7[%swap3A_405, %swap3A_406] {strides = array<i32>} : memref<2x128xi32, #tpu.memory_space<vmem>>, vector<1x16xi32>,
    %swap3A_408 = vector.shape_cast %swap3A_407 : vector<1x16xi32> to vector<16xi32>
    %swap3A_409 = vector.shape_cast %and3A_403 : vector<16xi32> to vector<1x16xi32>
    tpu.vector_store %arg7[%swap3A_405, %swap3A_406], %swap3A_409 {strides = array<i32>} : memref<2x128xi32, #tpu.memory_space<vmem>>, vector<1x16xi32>,
    %get3A_410 = arith.constant 1 : i32
    %get3A_411 = arith.index_cast %get3A_410 : i32 to index
    %get3A_412 = arith.constant 96 : index
    %get3A_413 = tpu.vector_load %arg5[%get3A_411, %get3A_412] {strides = array<i32>} : memref<2x128xi32, #tpu.memory_space<vmem>>, vector<1x16xi32>,
    %get3A_414 = vector.shape_cast %get3A_413 : vector<1x16xi32> to vector<16xi32>
    %shift_right_logical3A_415 = arith.constant 14 : i32
    %shift_right_logical3A_416 = vector.broadcast %shift_right_logical3A_415 : i32 to vector<16xi32>
    %shift_right_logical3A_417 = arith.shrui %get3A_414, %shift_right_logical3A_416 : vector<16xi32>
    %swap3A_418 = arith.constant 1 : i32
    %swap3A_419 = arith.index_cast %swap3A_418 : i32 to index
    %swap3A_420 = arith.constant 96 : index
    %swap3A_421 = tpu.vector_load %arg6[%swap3A_419, %swap3A_420] {strides = array<i32>} : memref<2x128xi32, #tpu.memory_space<vmem>>, vector<1x16xi32>,
    %swap3A_422 = vector.shape_cast %swap3A_421 : vector<1x16xi32> to vector<16xi32>
    %swap3A_423 = vector.shape_cast %shift_right_logical3A_417 : vector<16xi32> to vector<1x16xi32>
    tpu.vector_store %arg6[%swap3A_419, %swap3A_420], %swap3A_423 {strides = array<i32>} : memref<2x128xi32, #tpu.memory_space<vmem>>, vector<1x16xi32>,
    %and3A_424 = arith.andi %get3A_414, %broadcast_in_dim3A_61 : vector<16xi32>
    %swap3A_425 = arith.constant 1 : i32
    %swap3A_426 = arith.index_cast %swap3A_425 : i32 to index
    %swap3A_427 = arith.constant 96 : index
    %swap3A_428 = tpu.vector_load %arg7[%swap3A_426, %swap3A_427] {strides = array<i32>} : memref<2x128xi32, #tpu.memory_space<vmem>>, vector<1x16xi32>,
    %swap3A_429 = vector.shape_cast %swap3A_428 : vector<1x16xi32> to vector<16xi32>
    %swap3A_430 = vector.shape_cast %and3A_424 : vector<16xi32> to vector<1x16xi32>
    tpu.vector_store %arg7[%swap3A_426, %swap3A_427], %swap3A_430 {strides = array<i32>} : memref<2x128xi32, #tpu.memory_space<vmem>>, vector<1x16xi32>,
    %get3A_431 = arith.constant 1 : i32
    %get3A_432 = arith.index_cast %get3A_431 : i32 to index
    %get3A_433 = arith.constant 112 : index
    %get3A_434 = tpu.vector_load %arg5[%get3A_432, %get3A_433] {strides = array<i32>} : memref<2x128xi32, #tpu.memory_space<vmem>>, vector<1x16xi32>,
    %get3A_435 = vector.shape_cast %get3A_434 : vector<1x16xi32> to vector<16xi32>
    %shift_right_logical3A_436 = arith.constant 14 : i32
    %shift_right_logical3A_437 = vector.broadcast %shift_right_logical3A_436 : i32 to vector<16xi32>
    %shift_right_logical3A_438 = arith.shrui %get3A_435, %shift_right_logical3A_437 : vector<16xi32>
    %swap3A_439 = arith.constant 1 : i32
    %swap3A_440 = arith.index_cast %swap3A_439 : i32 to index
    %swap3A_441 = arith.constant 112 : index
    %swap3A_442 = tpu.vector_load %arg6[%swap3A_440, %swap3A_441] {strides = array<i32>} : memref<2x128xi32, #tpu.memory_space<vmem>>, vector<1x16xi32>,
    %swap3A_443 = vector.shape_cast %swap3A_442 : vector<1x16xi32> to vector<16xi32>
    %swap3A_444 = vector.shape_cast %shift_right_logical3A_438 : vector<16xi32> to vector<1x16xi32>
    tpu.vector_store %arg6[%swap3A_440, %swap3A_441], %swap3A_444 {strides = array<i32>} : memref<2x128xi32, #tpu.memory_space<vmem>>, vector<1x16xi32>,
    %and3A_445 = arith.andi %get3A_435, %broadcast_in_dim3A_61 : vector<16xi32>
    %swap3A_446 = arith.constant 1 : i32
    %swap3A_447 = arith.index_cast %swap3A_446 : i32 to index
    %swap3A_448 = arith.constant 112 : index
    %swap3A_449 = tpu.vector_load %arg7[%swap3A_447, %swap3A_448] {strides = array<i32>} : memref<2x128xi32, #tpu.memory_space<vmem>>, vector<1x16xi32>,
    %swap3A_450 = vector.shape_cast %swap3A_449 : vector<1x16xi32> to vector<16xi32>
    %swap3A_451 = vector.shape_cast %and3A_445 : vector<16xi32> to vector<1x16xi32>
    tpu.vector_store %arg7[%swap3A_447, %swap3A_448], %swap3A_451 {strides = array<i32>} : memref<2x128xi32, #tpu.memory_space<vmem>>, vector<1x16xi32>,
    %add3A_452 = arith.constant 1 : i32
    %add3A_453 = arith.addi %select_n3A_8, %add3A_452 : i32
    %add3A_454 = arith.constant 2 : i32
    %add3A_455 = arith.addi %add3A_453, %add3A_454 : i32
    %dma_start3A_456 = arith.constant 1 : i32
    %dma_start3A_457 = arith.constant 0 : i32
    %dma_start3A_458 = tpu.memref_slice %arg5[%dma_start3A_456, %dma_start3A_457] : memref<2x128xi32, #tpu.memory_space<vmem>> -> memref<1x128xi32, #tpu.memory_space<vmem>>
    %dma_start3A_459 = tpu.memref_squeeze %dma_start3A_458 : memref<1x128xi32, #tpu.memory_space<vmem>> -> memref<128xi32, #tpu.memory_space<vmem>>
    %dma_start3A_460 = arith.constant 0 : i32
    %dma_start3A_461 = tpu.memref_slice %arg2[%add3A_455, %dma_start3A_460] : memref<2528x128xi32, #tpu.memory_space<hbm>> -> memref<1x128xi32, #tpu.memory_space<hbm>>
    %dma_start3A_462 = tpu.memref_squeeze %dma_start3A_461 : memref<1x128xi32, #tpu.memory_space<hbm>> -> memref<128xi32, #tpu.memory_space<hbm>>
    %dma_start3A_463 = arith.constant 0 : i32
    %dma_start3A_464 = tpu.memref_slice %arg5[%dma_start3A_456, %dma_start3A_463] : memref<2x128xi32, #tpu.memory_space<vmem>> -> memref<1x128xi32, #tpu.memory_space<vmem>>
    %dma_start3A_465 = tpu.memref_squeeze %dma_start3A_464 : memref<1x128xi32, #tpu.memory_space<vmem>> -> memref<128xi32, #tpu.memory_space<vmem>>
    %dma_start3A_466 = arith.constant 0 : i32
    %dma_start3A_467 = tpu.memref_slice %arg2[%add3A_455, %dma_start3A_466] : memref<2528x128xi32, #tpu.memory_space<hbm>> -> memref<1x128xi32, #tpu.memory_space<hbm>>
    %dma_start3A_468 = tpu.memref_squeeze %dma_start3A_467 : memref<1x128xi32, #tpu.memory_space<hbm>> -> memref<128xi32, #tpu.memory_space<hbm>>
    tpu.enqueue_dma source(%dma_start3A_468 : memref<128xi32, #tpu.memory_space<hbm>>) target(%dma_start3A_465 : memref<128xi32, #tpu.memory_space<vmem>>) target_semaphore(%arg11 : memref<!tpu.dma_semaphore, #tpu.memory_space<semaphore_mem>>)
    %dma_start3A_469 = arith.constant 1 : i32
    %dma_start3A_470 = arith.constant 1 : i32
    %dma_start3A_471 = arith.constant 0 : i32
    %dma_start3A_472 = arith.constant 0 : i32
    %dma_start3A_473 = tpu.memref_slice %arg8[%dma_start3A_470, %dma_start3A_471, %dma_start3A_472] : memref<2x128x128xf32, #tpu.memory_space<vmem>> -> memref<1x128x128xf32, #tpu.memory_space<vmem>>
    %dma_start3A_474 = tpu.memref_squeeze %dma_start3A_473 : memref<1x128x128xf32, #tpu.memory_space<vmem>> -> memref<128x128xf32, #tpu.memory_space<vmem>>
    %dma_start3A_475 = arith.constant 0 : i32
    %dma_start3A_476 = tpu.memref_slice %arg6[%dma_start3A_469, %dma_start3A_475] : memref<2x128xi32, #tpu.memory_space<vmem>> -> memref<1x128xi32, #tpu.memory_space<vmem>>
    %dma_start3A_477 = tpu.memref_squeeze %dma_start3A_476 : memref<1x128xi32, #tpu.memory_space<vmem>> -> memref<128xi32, #tpu.memory_space<vmem>>
    %dma_start3A_478 = arith.constant 0 : i32
    %dma_start3A_479 = arith.constant 0 : i32
    %dma_start3A_480 = tpu.memref_slice %arg3[%dma_start3A_478, %dma_start3A_479] : memref<80000x128xf32, #tpu.memory_space<hbm>> -> memref<80000x128xf32, #tpu.memory_space<hbm>>
    tpu.enqueue_indirect_dma source(%dma_start3A_480 : memref<80000x128xf32, #tpu.memory_space<hbm>>) target(%dma_start3A_474 : memref<128x128xf32, #tpu.memory_space<vmem>>) offsets(%dma_start3A_477 : memref<128xi32, #tpu.memory_space<vmem>>) semaphore(%arg13 : memref<!tpu.dma_semaphore, #tpu.memory_space<semaphore_mem>>)
    %jit3A_481 = arith.constant 2 : i32
    %div3A = arith.divsi %select_n3A, %jit3A_481 : i32
    %sign3A = arith.constant 0 : i32
    %sign3A_482 = arith.cmpi sgt, %select_n3A, %sign3A : i32
    %sign3A_483 = arith.extui %sign3A_482 : i1 to i32
    %sign3A_484 = arith.constant 0 : i32
    %sign3A_485 = arith.cmpi slt, %select_n3A, %sign3A_484 : i32
    %sign3A_486 = arith.extui %sign3A_485 : i1 to i32
    %sign3A_487 = arith.subi %sign3A_483, %sign3A_486 : i32
    %sign3A_488 = arith.constant 0 : i32
    %sign3A_489 = arith.cmpi sgt, %jit3A_481, %sign3A_488 : i32
    %sign3A_490 = arith.extui %sign3A_489 : i1 to i32
    %sign3A_491 = arith.constant 0 : i32
    %sign3A_492 = arith.cmpi slt, %jit3A_481, %sign3A_491 : i32
    %sign3A_493 = arith.extui %sign3A_492 : i1 to i32
    %sign3A_494 = arith.subi %sign3A_490, %sign3A_493 : i32
    %ne3A = arith.cmpi ne, %sign3A_487, %sign3A_494 : i32
    %rem3A = arith.remsi %select_n3A, %jit3A_481 : i32
    %ne3A_495 = arith.constant 0 : i32
    %ne3A_496 = arith.cmpi ne, %rem3A, %ne3A_495 : i32
    %and3A_497 = arith.andi %ne3A, %ne3A_496 : i1
    %sub3A_498 = arith.constant 1 : i32
    %sub3A_499 = arith.subi %div3A, %sub3A_498 : i32
    %select_n3A_500 = arith.select %and3A_497, %sub3A_499, %div3A : i32
    %sub3A_501 = arith.constant 1 : i32
    %sub3A_502 = arith.subi %select_n3A_500, %sub3A_501 : i32
    %while3A = arith.constant 0 : i32
    %while3A_503 = arith.constant 0 : i32
    %while3A_504 = arith.subi %sub3A_502, %while3A_503 : i32
    %while3A_505 = arith.addi %while3A_503, %while3A_504 : i32
    %while3A_506 = arith.constant 1 : i32
    %while3A_507 = arith.divsi %while3A_504, %while3A_506 : i32
    %while3A_508 = arith.muli %while3A_507, %while3A_506 : i32
    %while3A_509 = arith.addi %while3A_503, %while3A_508 : i32
    %while3A_510 = arith.constant 1 : i32
    scf.for %while3A_567 = %while3A_503 to %while3A_509 step %while3A_510  : i32 {
      %mul3A_568 = arith.constant 2 : i32
      %mul3A_569 = arith.muli %while3A_567, %mul3A_568 : i32
      %add3A_570 = arith.addi %select_n3A_8, %mul3A_569 : i32
      %dma_wait3A_571 = arith.constant 0 : i32
      %dma_wait3A_572 = arith.constant 0 : i32
      %dma_wait3A_573 = arith.constant 0 : i32
      %dma_wait3A_574 = arith.constant 0 : i32
      %dma_wait3A_575 = tpu.memref_slice %arg8[%dma_wait3A_572, %dma_wait3A_573, %dma_wait3A_574] : memref<2x128x128xf32, #tpu.memory_space<vmem>> -> memref<1x128x128xf32, #tpu.memory_space<vmem>>
      %dma_wait3A_576 = tpu.memref_squeeze %dma_wait3A_575 : memref<1x128x128xf32, #tpu.memory_space<vmem>> -> memref<128x128xf32, #tpu.memory_space<vmem>>
      %dma_wait3A_577 = arith.constant 0 : i32
      %dma_wait3A_578 = tpu.memref_slice %arg6[%dma_wait3A_571, %dma_wait3A_577] : memref<2x128xi32, #tpu.memory_space<vmem>> -> memref<1x128xi32, #tpu.memory_space<vmem>>
      %dma_wait3A_579 = tpu.memref_squeeze %dma_wait3A_578 : memref<1x128xi32, #tpu.memory_space<vmem>> -> memref<128xi32, #tpu.memory_space<vmem>>
      %dma_wait3A_580 = arith.constant 0 : i32
      %dma_wait3A_581 = arith.constant 0 : i32
      %dma_wait3A_582 = tpu.memref_slice %arg3[%dma_wait3A_580, %dma_wait3A_581] : memref<80000x128xf32, #tpu.memory_space<hbm>> -> memref<80000x128xf32, #tpu.memory_space<hbm>>
      tpu.wait_indirect_dma semaphore(%arg12 : memref<!tpu.dma_semaphore, #tpu.memory_space<semaphore_mem>>) src(%dma_wait3A_582 : memref<80000x128xf32, #tpu.memory_space<hbm>>) dst(%dma_wait3A_576 : memref<128x128xf32, #tpu.memory_space<vmem>>)
      %run_scoped3A_583 = arith.constant 0 : i32
      %run_scoped3A_584 = arith.constant 0 : i32
      "tpu.region"() ({
        %run_scoped3A_1024 = tpu.sem_alloc : memref<!tpu.dma_semaphore, #tpu.memory_space<semaphore_mem>>
        %dma_start3A_1025 = arith.constant 0 : i32
        %dma_start3A_1026 = arith.constant 0 : i32
        %dma_start3A_1027 = tpu.memref_slice %arg8[%run_scoped3A_583, %dma_start3A_1025, %dma_start3A_1026] : memref<2x128x128xf32, #tpu.memory_space<vmem>> -> memref<1x128x128xf32, #tpu.memory_space<vmem>>
        %dma_start3A_1028 = tpu.memref_squeeze %dma_start3A_1027 : memref<1x128x128xf32, #tpu.memory_space<vmem>> -> memref<128x128xf32, #tpu.memory_space<vmem>>
        %dma_start3A_1029 = arith.constant 0 : i32
        %dma_start3A_1030 = tpu.memref_slice %arg7[%run_scoped3A_584, %dma_start3A_1029] : memref<2x128xi32, #tpu.memory_space<vmem>> -> memref<1x128xi32, #tpu.memory_space<vmem>>
        %dma_start3A_1031 = tpu.memref_squeeze %dma_start3A_1030 : memref<1x128xi32, #tpu.memory_space<vmem>> -> memref<128xi32, #tpu.memory_space<vmem>>
        %dma_start3A_1032 = arith.constant 0 : i32
        %dma_start3A_1033 = arith.constant 0 : i32
        %dma_start3A_1034 = tpu.memref_slice %arg9[%dma_start3A_1032, %dma_start3A_1033] : memref<10240x128xf32, #tpu.memory_space<vmem_shared>> -> memref<10240x128xf32, #tpu.memory_space<vmem_shared>>
        tpu.enqueue_indirect_dma source(%dma_start3A_1028 : memref<128x128xf32, #tpu.memory_space<vmem>>) target(%dma_start3A_1034 : memref<10240x128xf32, #tpu.memory_space<vmem_shared>>) offsets(%dma_start3A_1031 : memref<128xi32, #tpu.memory_space<vmem>>) semaphore(%run_scoped3A_1024 : memref<!tpu.dma_semaphore, #tpu.memory_space<semaphore_mem>>) {add = true}
        %dma_wait3A_1035 = arith.constant 0 : i32
        %dma_wait3A_1036 = arith.constant 0 : i32
        %dma_wait3A_1037 = tpu.memref_slice %arg8[%run_scoped3A_583, %dma_wait3A_1035, %dma_wait3A_1036] : memref<2x128x128xf32, #tpu.memory_space<vmem>> -> memref<1x128x128xf32, #tpu.memory_space<vmem>>
        %dma_wait3A_1038 = tpu.memref_squeeze %dma_wait3A_1037 : memref<1x128x128xf32, #tpu.memory_space<vmem>> -> memref<128x128xf32, #tpu.memory_space<vmem>>
        %dma_wait3A_1039 = arith.constant 0 : i32
        %dma_wait3A_1040 = tpu.memref_slice %arg7[%run_scoped3A_584, %dma_wait3A_1039] : memref<2x128xi32, #tpu.memory_space<vmem>> -> memref<1x128xi32, #tpu.memory_space<vmem>>
        %dma_wait3A_1041 = tpu.memref_squeeze %dma_wait3A_1040 : memref<1x128xi32, #tpu.memory_space<vmem>> -> memref<128xi32, #tpu.memory_space<vmem>>
        %dma_wait3A_1042 = arith.constant 0 : i32
        %dma_wait3A_1043 = arith.constant 0 : i32
        %dma_wait3A_1044 = tpu.memref_slice %arg9[%dma_wait3A_1042, %dma_wait3A_1043] : memref<10240x128xf32, #tpu.memory_space<vmem_shared>> -> memref<10240x128xf32, #tpu.memory_space<vmem_shared>>
        tpu.wait_indirect_dma semaphore(%run_scoped3A_1024 : memref<!tpu.dma_semaphore, #tpu.memory_space<semaphore_mem>>) src(%dma_wait3A_1038 : memref<128x128xf32, #tpu.memory_space<vmem>>) dst(%dma_wait3A_1044 : memref<10240x128xf32, #tpu.memory_space<vmem_shared>>)
        tpu.yield
      }) : () -> ()
      %add3A_585 = arith.constant 2 : i32
      %add3A_586 = arith.addi %add3A_570, %add3A_585 : i32
      %add3A_587 = arith.constant 0 : i32
      %add3A_588 = arith.addi %add3A_586, %add3A_587 : i32
      %dma_wait3A_589 = arith.constant 0 : i32
      %dma_wait3A_590 = arith.constant 0 : i32
      %dma_wait3A_591 = tpu.memref_slice %arg5[%dma_wait3A_589, %dma_wait3A_590] : memref<2x128xi32, #tpu.memory_space<vmem>> -> memref<1x128xi32, #tpu.memory_space<vmem>>
      %dma_wait3A_592 = tpu.memref_squeeze %dma_wait3A_591 : memref<1x128xi32, #tpu.memory_space<vmem>> -> memref<128xi32, #tpu.memory_space<vmem>>
      %dma_wait3A_593 = arith.constant 0 : i32
      %dma_wait3A_594 = tpu.memref_slice %arg2[%add3A_588, %dma_wait3A_593] : memref<2528x128xi32, #tpu.memory_space<hbm>> -> memref<1x128xi32, #tpu.memory_space<hbm>>
      %dma_wait3A_595 = tpu.memref_squeeze %dma_wait3A_594 : memref<1x128xi32, #tpu.memory_space<hbm>> -> memref<128xi32, #tpu.memory_space<hbm>>
      %dma_wait3A_596 = arith.constant 0 : i32
      %dma_wait3A_597 = tpu.memref_slice %arg5[%dma_wait3A_589, %dma_wait3A_596] : memref<2x128xi32, #tpu.memory_space<vmem>> -> memref<1x128xi32, #tpu.memory_space<vmem>>
      %dma_wait3A_598 = tpu.memref_squeeze %dma_wait3A_597 : memref<1x128xi32, #tpu.memory_space<vmem>> -> memref<128xi32, #tpu.memory_space<vmem>>
      %dma_wait3A_599 = arith.constant 0 : i32
      %dma_wait3A_600 = tpu.memref_slice %arg2[%add3A_588, %dma_wait3A_599] : memref<2528x128xi32, #tpu.memory_space<hbm>> -> memref<1x128xi32, #tpu.memory_space<hbm>>
      %dma_wait3A_601 = tpu.memref_squeeze %dma_wait3A_600 : memref<1x128xi32, #tpu.memory_space<hbm>> -> memref<128xi32, #tpu.memory_space<hbm>>
      tpu.wait_dma2 semaphore(%arg10 : memref<!tpu.dma_semaphore, #tpu.memory_space<semaphore_mem>>) src(%dma_wait3A_601 : memref<128xi32, #tpu.memory_space<hbm>>) dst(%dma_wait3A_598 : memref<128xi32, #tpu.memory_space<vmem>>)
      %get3A_602 = arith.constant 0 : i32
      %get3A_603 = arith.index_cast %get3A_602 : i32 to index
      %get3A_604 = arith.constant 0 : index
      %get3A_605 = tpu.vector_load %arg5[%get3A_603, %get3A_604] {strides = array<i32>} : memref<2x128xi32, #tpu.memory_space<vmem>>, vector<1x16xi32>,
      %get3A_606 = vector.shape_cast %get3A_605 : vector<1x16xi32> to vector<16xi32>
      %shift_right_logical3A_607 = arith.constant 14 : i32
      %shift_right_logical3A_608 = vector.broadcast %shift_right_logical3A_607 : i32 to vector<16xi32>
      %shift_right_logical3A_609 = arith.shrui %get3A_606, %shift_right_logical3A_608 : vector<16xi32>
      %swap3A_610 = arith.constant 0 : i32
      %swap3A_611 = arith.index_cast %swap3A_610 : i32 to index
      %swap3A_612 = arith.constant 0 : index
      %swap3A_613 = tpu.vector_load %arg6[%swap3A_611, %swap3A_612] {strides = array<i32>} : memref<2x128xi32, #tpu.memory_space<vmem>>, vector<1x16xi32>,
      %swap3A_614 = vector.shape_cast %swap3A_613 : vector<1x16xi32> to vector<16xi32>
      %swap3A_615 = vector.shape_cast %shift_right_logical3A_609 : vector<16xi32> to vector<1x16xi32>
      tpu.vector_store %arg6[%swap3A_611, %swap3A_612], %swap3A_615 {strides = array<i32>} : memref<2x128xi32, #tpu.memory_space<vmem>>, vector<1x16xi32>,
      %and3A_616 = arith.andi %get3A_606, %broadcast_in_dim3A_61 : vector<16xi32>
      %swap3A_617 = arith.constant 0 : i32
      %swap3A_618 = arith.index_cast %swap3A_617 : i32 to index
      %swap3A_619 = arith.constant 0 : index
      %swap3A_620 = tpu.vector_load %arg7[%swap3A_618, %swap3A_619] {strides = array<i32>} : memref<2x128xi32, #tpu.memory_space<vmem>>, vector<1x16xi32>,
      %swap3A_621 = vector.shape_cast %swap3A_620 : vector<1x16xi32> to vector<16xi32>
      %swap3A_622 = vector.shape_cast %and3A_616 : vector<16xi32> to vector<1x16xi32>
      tpu.vector_store %arg7[%swap3A_618, %swap3A_619], %swap3A_622 {strides = array<i32>} : memref<2x128xi32, #tpu.memory_space<vmem>>, vector<1x16xi32>,
      %get3A_623 = arith.constant 0 : i32
      %get3A_624 = arith.index_cast %get3A_623 : i32 to index
      %get3A_625 = arith.constant 16 : index
      %get3A_626 = tpu.vector_load %arg5[%get3A_624, %get3A_625] {strides = array<i32>} : memref<2x128xi32, #tpu.memory_space<vmem>>, vector<1x16xi32>,
      %get3A_627 = vector.shape_cast %get3A_626 : vector<1x16xi32> to vector<16xi32>
      %shift_right_logical3A_628 = arith.constant 14 : i32
      %shift_right_logical3A_629 = vector.broadcast %shift_right_logical3A_628 : i32 to vector<16xi32>
      %shift_right_logical3A_630 = arith.shrui %get3A_627, %shift_right_logical3A_629 : vector<16xi32>
      %swap3A_631 = arith.constant 0 : i32
      %swap3A_632 = arith.index_cast %swap3A_631 : i32 to index
      %swap3A_633 = arith.constant 16 : index
      %swap3A_634 = tpu.vector_load %arg6[%swap3A_632, %swap3A_633] {strides = array<i32>} : memref<2x128xi32, #tpu.memory_space<vmem>>, vector<1x16xi32>,
      %swap3A_635 = vector.shape_cast %swap3A_634 : vector<1x16xi32> to vector<16xi32>
      %swap3A_636 = vector.shape_cast %shift_right_logical3A_630 : vector<16xi32> to vector<1x16xi32>
      tpu.vector_store %arg6[%swap3A_632, %swap3A_633], %swap3A_636 {strides = array<i32>} : memref<2x128xi32, #tpu.memory_space<vmem>>, vector<1x16xi32>,
      %and3A_637 = arith.andi %get3A_627, %broadcast_in_dim3A_61 : vector<16xi32>
      %swap3A_638 = arith.constant 0 : i32
      %swap3A_639 = arith.index_cast %swap3A_638 : i32 to index
      %swap3A_640 = arith.constant 16 : index
      %swap3A_641 = tpu.vector_load %arg7[%swap3A_639, %swap3A_640] {strides = array<i32>} : memref<2x128xi32, #tpu.memory_space<vmem>>, vector<1x16xi32>,
      %swap3A_642 = vector.shape_cast %swap3A_641 : vector<1x16xi32> to vector<16xi32>
      %swap3A_643 = vector.shape_cast %and3A_637 : vector<16xi32> to vector<1x16xi32>
      tpu.vector_store %arg7[%swap3A_639, %swap3A_640], %swap3A_643 {strides = array<i32>} : memref<2x128xi32, #tpu.memory_space<vmem>>, vector<1x16xi32>,
      %get3A_644 = arith.constant 0 : i32
      %get3A_645 = arith.index_cast %get3A_644 : i32 to index
      %get3A_646 = arith.constant 32 : index
      %get3A_647 = tpu.vector_load %arg5[%get3A_645, %get3A_646] {strides = array<i32>} : memref<2x128xi32, #tpu.memory_space<vmem>>, vector<1x16xi32>,
      %get3A_648 = vector.shape_cast %get3A_647 : vector<1x16xi32> to vector<16xi32>
      %shift_right_logical3A_649 = arith.constant 14 : i32
      %shift_right_logical3A_650 = vector.broadcast %shift_right_logical3A_649 : i32 to vector<16xi32>
      %shift_right_logical3A_651 = arith.shrui %get3A_648, %shift_right_logical3A_650 : vector<16xi32>
      %swap3A_652 = arith.constant 0 : i32
      %swap3A_653 = arith.index_cast %swap3A_652 : i32 to index
      %swap3A_654 = arith.constant 32 : index
      %swap3A_655 = tpu.vector_load %arg6[%swap3A_653, %swap3A_654] {strides = array<i32>} : memref<2x128xi32, #tpu.memory_space<vmem>>, vector<1x16xi32>,
      %swap3A_656 = vector.shape_cast %swap3A_655 : vector<1x16xi32> to vector<16xi32>
      %swap3A_657 = vector.shape_cast %shift_right_logical3A_651 : vector<16xi32> to vector<1x16xi32>
      tpu.vector_store %arg6[%swap3A_653, %swap3A_654], %swap3A_657 {strides = array<i32>} : memref<2x128xi32, #tpu.memory_space<vmem>>, vector<1x16xi32>,
      %and3A_658 = arith.andi %get3A_648, %broadcast_in_dim3A_61 : vector<16xi32>
      %swap3A_659 = arith.constant 0 : i32
      %swap3A_660 = arith.index_cast %swap3A_659 : i32 to index
      %swap3A_661 = arith.constant 32 : index
      %swap3A_662 = tpu.vector_load %arg7[%swap3A_660, %swap3A_661] {strides = array<i32>} : memref<2x128xi32, #tpu.memory_space<vmem>>, vector<1x16xi32>,
      %swap3A_663 = vector.shape_cast %swap3A_662 : vector<1x16xi32> to vector<16xi32>
      %swap3A_664 = vector.shape_cast %and3A_658 : vector<16xi32> to vector<1x16xi32>
      tpu.vector_store %arg7[%swap3A_660, %swap3A_661], %swap3A_664 {strides = array<i32>} : memref<2x128xi32, #tpu.memory_space<vmem>>, vector<1x16xi32>,
      %get3A_665 = arith.constant 0 : i32
      %get3A_666 = arith.index_cast %get3A_665 : i32 to index
      %get3A_667 = arith.constant 48 : index
      %get3A_668 = tpu.vector_load %arg5[%get3A_666, %get3A_667] {strides = array<i32>} : memref<2x128xi32, #tpu.memory_space<vmem>>, vector<1x16xi32>,
      %get3A_669 = vector.shape_cast %get3A_668 : vector<1x16xi32> to vector<16xi32>
      %shift_right_logical3A_670 = arith.constant 14 : i32
      %shift_right_logical3A_671 = vector.broadcast %shift_right_logical3A_670 : i32 to vector<16xi32>
      %shift_right_logical3A_672 = arith.shrui %get3A_669, %shift_right_logical3A_671 : vector<16xi32>
      %swap3A_673 = arith.constant 0 : i32
      %swap3A_674 = arith.index_cast %swap3A_673 : i32 to index
      %swap3A_675 = arith.constant 48 : index
      %swap3A_676 = tpu.vector_load %arg6[%swap3A_674, %swap3A_675] {strides = array<i32>} : memref<2x128xi32, #tpu.memory_space<vmem>>, vector<1x16xi32>,
      %swap3A_677 = vector.shape_cast %swap3A_676 : vector<1x16xi32> to vector<16xi32>
      %swap3A_678 = vector.shape_cast %shift_right_logical3A_672 : vector<16xi32> to vector<1x16xi32>
      tpu.vector_store %arg6[%swap3A_674, %swap3A_675], %swap3A_678 {strides = array<i32>} : memref<2x128xi32, #tpu.memory_space<vmem>>, vector<1x16xi32>,
      %and3A_679 = arith.andi %get3A_669, %broadcast_in_dim3A_61 : vector<16xi32>
      %swap3A_680 = arith.constant 0 : i32
      %swap3A_681 = arith.index_cast %swap3A_680 : i32 to index
      %swap3A_682 = arith.constant 48 : index
      %swap3A_683 = tpu.vector_load %arg7[%swap3A_681, %swap3A_682] {strides = array<i32>} : memref<2x128xi32, #tpu.memory_space<vmem>>, vector<1x16xi32>,
      %swap3A_684 = vector.shape_cast %swap3A_683 : vector<1x16xi32> to vector<16xi32>
      %swap3A_685 = vector.shape_cast %and3A_679 : vector<16xi32> to vector<1x16xi32>
      tpu.vector_store %arg7[%swap3A_681, %swap3A_682], %swap3A_685 {strides = array<i32>} : memref<2x128xi32, #tpu.memory_space<vmem>>, vector<1x16xi32>,
      %get3A_686 = arith.constant 0 : i32
      %get3A_687 = arith.index_cast %get3A_686 : i32 to index
      %get3A_688 = arith.constant 64 : index
      %get3A_689 = tpu.vector_load %arg5[%get3A_687, %get3A_688] {strides = array<i32>} : memref<2x128xi32, #tpu.memory_space<vmem>>, vector<1x16xi32>,
      %get3A_690 = vector.shape_cast %get3A_689 : vector<1x16xi32> to vector<16xi32>
      %shift_right_logical3A_691 = arith.constant 14 : i32
      %shift_right_logical3A_692 = vector.broadcast %shift_right_logical3A_691 : i32 to vector<16xi32>
      %shift_right_logical3A_693 = arith.shrui %get3A_690, %shift_right_logical3A_692 : vector<16xi32>
      %swap3A_694 = arith.constant 0 : i32
      %swap3A_695 = arith.index_cast %swap3A_694 : i32 to index
      %swap3A_696 = arith.constant 64 : index
      %swap3A_697 = tpu.vector_load %arg6[%swap3A_695, %swap3A_696] {strides = array<i32>} : memref<2x128xi32, #tpu.memory_space<vmem>>, vector<1x16xi32>,
      %swap3A_698 = vector.shape_cast %swap3A_697 : vector<1x16xi32> to vector<16xi32>
      %swap3A_699 = vector.shape_cast %shift_right_logical3A_693 : vector<16xi32> to vector<1x16xi32>
      tpu.vector_store %arg6[%swap3A_695, %swap3A_696], %swap3A_699 {strides = array<i32>} : memref<2x128xi32, #tpu.memory_space<vmem>>, vector<1x16xi32>,
      %and3A_700 = arith.andi %get3A_690, %broadcast_in_dim3A_61 : vector<16xi32>
      %swap3A_701 = arith.constant 0 : i32
      %swap3A_702 = arith.index_cast %swap3A_701 : i32 to index
      %swap3A_703 = arith.constant 64 : index
      %swap3A_704 = tpu.vector_load %arg7[%swap3A_702, %swap3A_703] {strides = array<i32>} : memref<2x128xi32, #tpu.memory_space<vmem>>, vector<1x16xi32>,
      %swap3A_705 = vector.shape_cast %swap3A_704 : vector<1x16xi32> to vector<16xi32>
      %swap3A_706 = vector.shape_cast %and3A_700 : vector<16xi32> to vector<1x16xi32>
      tpu.vector_store %arg7[%swap3A_702, %swap3A_703], %swap3A_706 {strides = array<i32>} : memref<2x128xi32, #tpu.memory_space<vmem>>, vector<1x16xi32>,
      %get3A_707 = arith.constant 0 : i32
      %get3A_708 = arith.index_cast %get3A_707 : i32 to index
      %get3A_709 = arith.constant 80 : index
      %get3A_710 = tpu.vector_load %arg5[%get3A_708, %get3A_709] {strides = array<i32>} : memref<2x128xi32, #tpu.memory_space<vmem>>, vector<1x16xi32>,
      %get3A_711 = vector.shape_cast %get3A_710 : vector<1x16xi32> to vector<16xi32>
      %shift_right_logical3A_712 = arith.constant 14 : i32
      %shift_right_logical3A_713 = vector.broadcast %shift_right_logical3A_712 : i32 to vector<16xi32>
      %shift_right_logical3A_714 = arith.shrui %get3A_711, %shift_right_logical3A_713 : vector<16xi32>
      %swap3A_715 = arith.constant 0 : i32
      %swap3A_716 = arith.index_cast %swap3A_715 : i32 to index
      %swap3A_717 = arith.constant 80 : index
      %swap3A_718 = tpu.vector_load %arg6[%swap3A_716, %swap3A_717] {strides = array<i32>} : memref<2x128xi32, #tpu.memory_space<vmem>>, vector<1x16xi32>,
      %swap3A_719 = vector.shape_cast %swap3A_718 : vector<1x16xi32> to vector<16xi32>
      %swap3A_720 = vector.shape_cast %shift_right_logical3A_714 : vector<16xi32> to vector<1x16xi32>
      tpu.vector_store %arg6[%swap3A_716, %swap3A_717], %swap3A_720 {strides = array<i32>} : memref<2x128xi32, #tpu.memory_space<vmem>>, vector<1x16xi32>,
      %and3A_721 = arith.andi %get3A_711, %broadcast_in_dim3A_61 : vector<16xi32>
      %swap3A_722 = arith.constant 0 : i32
      %swap3A_723 = arith.index_cast %swap3A_722 : i32 to index
      %swap3A_724 = arith.constant 80 : index
      %swap3A_725 = tpu.vector_load %arg7[%swap3A_723, %swap3A_724] {strides = array<i32>} : memref<2x128xi32, #tpu.memory_space<vmem>>, vector<1x16xi32>,
      %swap3A_726 = vector.shape_cast %swap3A_725 : vector<1x16xi32> to vector<16xi32>
      %swap3A_727 = vector.shape_cast %and3A_721 : vector<16xi32> to vector<1x16xi32>
      tpu.vector_store %arg7[%swap3A_723, %swap3A_724], %swap3A_727 {strides = array<i32>} : memref<2x128xi32, #tpu.memory_space<vmem>>, vector<1x16xi32>,
      %get3A_728 = arith.constant 0 : i32
      %get3A_729 = arith.index_cast %get3A_728 : i32 to index
      %get3A_730 = arith.constant 96 : index
      %get3A_731 = tpu.vector_load %arg5[%get3A_729, %get3A_730] {strides = array<i32>} : memref<2x128xi32, #tpu.memory_space<vmem>>, vector<1x16xi32>,
      %get3A_732 = vector.shape_cast %get3A_731 : vector<1x16xi32> to vector<16xi32>
      %shift_right_logical3A_733 = arith.constant 14 : i32
      %shift_right_logical3A_734 = vector.broadcast %shift_right_logical3A_733 : i32 to vector<16xi32>
      %shift_right_logical3A_735 = arith.shrui %get3A_732, %shift_right_logical3A_734 : vector<16xi32>
      %swap3A_736 = arith.constant 0 : i32
      %swap3A_737 = arith.index_cast %swap3A_736 : i32 to index
      %swap3A_738 = arith.constant 96 : index
      %swap3A_739 = tpu.vector_load %arg6[%swap3A_737, %swap3A_738] {strides = array<i32>} : memref<2x128xi32, #tpu.memory_space<vmem>>, vector<1x16xi32>,
      %swap3A_740 = vector.shape_cast %swap3A_739 : vector<1x16xi32> to vector<16xi32>
      %swap3A_741 = vector.shape_cast %shift_right_logical3A_735 : vector<16xi32> to vector<1x16xi32>
      tpu.vector_store %arg6[%swap3A_737, %swap3A_738], %swap3A_741 {strides = array<i32>} : memref<2x128xi32, #tpu.memory_space<vmem>>, vector<1x16xi32>,
      %and3A_742 = arith.andi %get3A_732, %broadcast_in_dim3A_61 : vector<16xi32>
      %swap3A_743 = arith.constant 0 : i32
      %swap3A_744 = arith.index_cast %swap3A_743 : i32 to index
      %swap3A_745 = arith.constant 96 : index
      %swap3A_746 = tpu.vector_load %arg7[%swap3A_744, %swap3A_745] {strides = array<i32>} : memref<2x128xi32, #tpu.memory_space<vmem>>, vector<1x16xi32>,
      %swap3A_747 = vector.shape_cast %swap3A_746 : vector<1x16xi32> to vector<16xi32>
      %swap3A_748 = vector.shape_cast %and3A_742 : vector<16xi32> to vector<1x16xi32>
      tpu.vector_store %arg7[%swap3A_744, %swap3A_745], %swap3A_748 {strides = array<i32>} : memref<2x128xi32, #tpu.memory_space<vmem>>, vector<1x16xi32>,
      %get3A_749 = arith.constant 0 : i32
      %get3A_750 = arith.index_cast %get3A_749 : i32 to index
      %get3A_751 = arith.constant 112 : index
      %get3A_752 = tpu.vector_load %arg5[%get3A_750, %get3A_751] {strides = array<i32>} : memref<2x128xi32, #tpu.memory_space<vmem>>, vector<1x16xi32>,
      %get3A_753 = vector.shape_cast %get3A_752 : vector<1x16xi32> to vector<16xi32>
      %shift_right_logical3A_754 = arith.constant 14 : i32
      %shift_right_logical3A_755 = vector.broadcast %shift_right_logical3A_754 : i32 to vector<16xi32>
      %shift_right_logical3A_756 = arith.shrui %get3A_753, %shift_right_logical3A_755 : vector<16xi32>
      %swap3A_757 = arith.constant 0 : i32
      %swap3A_758 = arith.index_cast %swap3A_757 : i32 to index
      %swap3A_759 = arith.constant 112 : index
      %swap3A_760 = tpu.vector_load %arg6[%swap3A_758, %swap3A_759] {strides = array<i32>} : memref<2x128xi32, #tpu.memory_space<vmem>>, vector<1x16xi32>,
      %swap3A_761 = vector.shape_cast %swap3A_760 : vector<1x16xi32> to vector<16xi32>
      %swap3A_762 = vector.shape_cast %shift_right_logical3A_756 : vector<16xi32> to vector<1x16xi32>
      tpu.vector_store %arg6[%swap3A_758, %swap3A_759], %swap3A_762 {strides = array<i32>} : memref<2x128xi32, #tpu.memory_space<vmem>>, vector<1x16xi32>,
      %and3A_763 = arith.andi %get3A_753, %broadcast_in_dim3A_61 : vector<16xi32>
      %swap3A_764 = arith.constant 0 : i32
      %swap3A_765 = arith.index_cast %swap3A_764 : i32 to index
      %swap3A_766 = arith.constant 112 : index
      %swap3A_767 = tpu.vector_load %arg7[%swap3A_765, %swap3A_766] {strides = array<i32>} : memref<2x128xi32, #tpu.memory_space<vmem>>, vector<1x16xi32>,
      %swap3A_768 = vector.shape_cast %swap3A_767 : vector<1x16xi32> to vector<16xi32>
      %swap3A_769 = vector.shape_cast %and3A_763 : vector<16xi32> to vector<1x16xi32>
      tpu.vector_store %arg7[%swap3A_765, %swap3A_766], %swap3A_769 {strides = array<i32>} : memref<2x128xi32, #tpu.memory_space<vmem>>, vector<1x16xi32>,
      %add3A_770 = arith.constant 2 : i32
      %add3A_771 = arith.addi %add3A_588, %add3A_770 : i32
      %min3A = arith.minsi %add3A_771, %sub3A_10 : i32
      %dma_start3A_772 = arith.constant 0 : i32
      %dma_start3A_773 = arith.constant 0 : i32
      %dma_start3A_774 = tpu.memref_slice %arg5[%dma_start3A_772, %dma_start3A_773] : memref<2x128xi32, #tpu.memory_space<vmem>> -> memref<1x128xi32, #tpu.memory_space<vmem>>
      %dma_start3A_775 = tpu.memref_squeeze %dma_start3A_774 : memref<1x128xi32, #tpu.memory_space<vmem>> -> memref<128xi32, #tpu.memory_space<vmem>>
      %dma_start3A_776 = arith.constant 0 : i32
      %dma_start3A_777 = tpu.memref_slice %arg2[%min3A, %dma_start3A_776] : memref<2528x128xi32, #tpu.memory_space<hbm>> -> memref<1x128xi32, #tpu.memory_space<hbm>>
      %dma_start3A_778 = tpu.memref_squeeze %dma_start3A_777 : memref<1x128xi32, #tpu.memory_space<hbm>> -> memref<128xi32, #tpu.memory_space<hbm>>
      %dma_start3A_779 = arith.constant 0 : i32
      %dma_start3A_780 = tpu.memref_slice %arg5[%dma_start3A_772, %dma_start3A_779] : memref<2x128xi32, #tpu.memory_space<vmem>> -> memref<1x128xi32, #tpu.memory_space<vmem>>
      %dma_start3A_781 = tpu.memref_squeeze %dma_start3A_780 : memref<1x128xi32, #tpu.memory_space<vmem>> -> memref<128xi32, #tpu.memory_space<vmem>>
      %dma_start3A_782 = arith.constant 0 : i32
      %dma_start3A_783 = tpu.memref_slice %arg2[%min3A, %dma_start3A_782] : memref<2528x128xi32, #tpu.memory_space<hbm>> -> memref<1x128xi32, #tpu.memory_space<hbm>>
      %dma_start3A_784 = tpu.memref_squeeze %dma_start3A_783 : memref<1x128xi32, #tpu.memory_space<hbm>> -> memref<128xi32, #tpu.memory_space<hbm>>
      tpu.enqueue_dma source(%dma_start3A_784 : memref<128xi32, #tpu.memory_space<hbm>>) target(%dma_start3A_781 : memref<128xi32, #tpu.memory_space<vmem>>) target_semaphore(%arg10 : memref<!tpu.dma_semaphore, #tpu.memory_space<semaphore_mem>>)
      %dma_start3A_785 = arith.constant 0 : i32
      %dma_start3A_786 = arith.constant 0 : i32
      %dma_start3A_787 = arith.constant 0 : i32
      %dma_start3A_788 = arith.constant 0 : i32
      %dma_start3A_789 = tpu.memref_slice %arg8[%dma_start3A_786, %dma_start3A_787, %dma_start3A_788] : memref<2x128x128xf32, #tpu.memory_space<vmem>> -> memref<1x128x128xf32, #tpu.memory_space<vmem>>
      %dma_start3A_790 = tpu.memref_squeeze %dma_start3A_789 : memref<1x128x128xf32, #tpu.memory_space<vmem>> -> memref<128x128xf32, #tpu.memory_space<vmem>>
      %dma_start3A_791 = arith.constant 0 : i32
      %dma_start3A_792 = tpu.memref_slice %arg6[%dma_start3A_785, %dma_start3A_791] : memref<2x128xi32, #tpu.memory_space<vmem>> -> memref<1x128xi32, #tpu.memory_space<vmem>>
      %dma_start3A_793 = tpu.memref_squeeze %dma_start3A_792 : memref<1x128xi32, #tpu.memory_space<vmem>> -> memref<128xi32, #tpu.memory_space<vmem>>
      %dma_start3A_794 = arith.constant 0 : i32
      %dma_start3A_795 = arith.constant 0 : i32
      %dma_start3A_796 = tpu.memref_slice %arg3[%dma_start3A_794, %dma_start3A_795] : memref<80000x128xf32, #tpu.memory_space<hbm>> -> memref<80000x128xf32, #tpu.memory_space<hbm>>
      tpu.enqueue_indirect_dma source(%dma_start3A_796 : memref<80000x128xf32, #tpu.memory_space<hbm>>) target(%dma_start3A_790 : memref<128x128xf32, #tpu.memory_space<vmem>>) offsets(%dma_start3A_793 : memref<128xi32, #tpu.memory_space<vmem>>) semaphore(%arg12 : memref<!tpu.dma_semaphore, #tpu.memory_space<semaphore_mem>>)
      %dma_wait3A_797 = arith.constant 1 : i32
      %dma_wait3A_798 = arith.constant 1 : i32
      %dma_wait3A_799 = arith.constant 0 : i32
      %dma_wait3A_800 = arith.constant 0 : i32
      %dma_wait3A_801 = tpu.memref_slice %arg8[%dma_wait3A_798, %dma_wait3A_799, %dma_wait3A_800] : memref<2x128x128xf32, #tpu.memory_space<vmem>> -> memref<1x128x128xf32, #tpu.memory_space<vmem>>
      %dma_wait3A_802 = tpu.memref_squeeze %dma_wait3A_801 : memref<1x128x128xf32, #tpu.memory_space<vmem>> -> memref<128x128xf32, #tpu.memory_space<vmem>>
      %dma_wait3A_803 = arith.constant 0 : i32
      %dma_wait3A_804 = tpu.memref_slice %arg6[%dma_wait3A_797, %dma_wait3A_803] : memref<2x128xi32, #tpu.memory_space<vmem>> -> memref<1x128xi32, #tpu.memory_space<vmem>>
      %dma_wait3A_805 = tpu.memref_squeeze %dma_wait3A_804 : memref<1x128xi32, #tpu.memory_space<vmem>> -> memref<128xi32, #tpu.memory_space<vmem>>
      %dma_wait3A_806 = arith.constant 0 : i32
      %dma_wait3A_807 = arith.constant 0 : i32
      %dma_wait3A_808 = tpu.memref_slice %arg3[%dma_wait3A_806, %dma_wait3A_807] : memref<80000x128xf32, #tpu.memory_space<hbm>> -> memref<80000x128xf32, #tpu.memory_space<hbm>>
      tpu.wait_indirect_dma semaphore(%arg13 : memref<!tpu.dma_semaphore, #tpu.memory_space<semaphore_mem>>) src(%dma_wait3A_808 : memref<80000x128xf32, #tpu.memory_space<hbm>>) dst(%dma_wait3A_802 : memref<128x128xf32, #tpu.memory_space<vmem>>)
      %run_scoped3A_809 = arith.constant 1 : i32
      %run_scoped3A_810 = arith.constant 1 : i32
      "tpu.region"() ({
        %run_scoped3A_1024 = tpu.sem_alloc : memref<!tpu.dma_semaphore, #tpu.memory_space<semaphore_mem>>
        %dma_start3A_1025 = arith.constant 0 : i32
        %dma_start3A_1026 = arith.constant 0 : i32
        %dma_start3A_1027 = tpu.memref_slice %arg8[%run_scoped3A_809, %dma_start3A_1025, %dma_start3A_1026] : memref<2x128x128xf32, #tpu.memory_space<vmem>> -> memref<1x128x128xf32, #tpu.memory_space<vmem>>
        %dma_start3A_1028 = tpu.memref_squeeze %dma_start3A_1027 : memref<1x128x128xf32, #tpu.memory_space<vmem>> -> memref<128x128xf32, #tpu.memory_space<vmem>>
        %dma_start3A_1029 = arith.constant 0 : i32
        %dma_start3A_1030 = tpu.memref_slice %arg7[%run_scoped3A_810, %dma_start3A_1029] : memref<2x128xi32, #tpu.memory_space<vmem>> -> memref<1x128xi32, #tpu.memory_space<vmem>>
        %dma_start3A_1031 = tpu.memref_squeeze %dma_start3A_1030 : memref<1x128xi32, #tpu.memory_space<vmem>> -> memref<128xi32, #tpu.memory_space<vmem>>
        %dma_start3A_1032 = arith.constant 0 : i32
        %dma_start3A_1033 = arith.constant 0 : i32
        %dma_start3A_1034 = tpu.memref_slice %arg9[%dma_start3A_1032, %dma_start3A_1033] : memref<10240x128xf32, #tpu.memory_space<vmem_shared>> -> memref<10240x128xf32, #tpu.memory_space<vmem_shared>>
        tpu.enqueue_indirect_dma source(%dma_start3A_1028 : memref<128x128xf32, #tpu.memory_space<vmem>>) target(%dma_start3A_1034 : memref<10240x128xf32, #tpu.memory_space<vmem_shared>>) offsets(%dma_start3A_1031 : memref<128xi32, #tpu.memory_space<vmem>>) semaphore(%run_scoped3A_1024 : memref<!tpu.dma_semaphore, #tpu.memory_space<semaphore_mem>>) {add = true}
        %dma_wait3A_1035 = arith.constant 0 : i32
        %dma_wait3A_1036 = arith.constant 0 : i32
        %dma_wait3A_1037 = tpu.memref_slice %arg8[%run_scoped3A_809, %dma_wait3A_1035, %dma_wait3A_1036] : memref<2x128x128xf32, #tpu.memory_space<vmem>> -> memref<1x128x128xf32, #tpu.memory_space<vmem>>
        %dma_wait3A_1038 = tpu.memref_squeeze %dma_wait3A_1037 : memref<1x128x128xf32, #tpu.memory_space<vmem>> -> memref<128x128xf32, #tpu.memory_space<vmem>>
        %dma_wait3A_1039 = arith.constant 0 : i32
        %dma_wait3A_1040 = tpu.memref_slice %arg7[%run_scoped3A_810, %dma_wait3A_1039] : memref<2x128xi32, #tpu.memory_space<vmem>> -> memref<1x128xi32, #tpu.memory_space<vmem>>
        %dma_wait3A_1041 = tpu.memref_squeeze %dma_wait3A_1040 : memref<1x128xi32, #tpu.memory_space<vmem>> -> memref<128xi32, #tpu.memory_space<vmem>>
        %dma_wait3A_1042 = arith.constant 0 : i32
        %dma_wait3A_1043 = arith.constant 0 : i32
        %dma_wait3A_1044 = tpu.memref_slice %arg9[%dma_wait3A_1042, %dma_wait3A_1043] : memref<10240x128xf32, #tpu.memory_space<vmem_shared>> -> memref<10240x128xf32, #tpu.memory_space<vmem_shared>>
        tpu.wait_indirect_dma semaphore(%run_scoped3A_1024 : memref<!tpu.dma_semaphore, #tpu.memory_space<semaphore_mem>>) src(%dma_wait3A_1038 : memref<128x128xf32, #tpu.memory_space<vmem>>) dst(%dma_wait3A_1044 : memref<10240x128xf32, #tpu.memory_space<vmem_shared>>)
        tpu.yield
      }) : () -> ()
      %add3A_811 = arith.constant 2 : i32
      %add3A_812 = arith.addi %add3A_570, %add3A_811 : i32
      %add3A_813 = arith.constant 1 : i32
      %add3A_814 = arith.addi %add3A_812, %add3A_813 : i32
      %dma_wait3A_815 = arith.constant 1 : i32
      %dma_wait3A_816 = arith.constant 0 : i32
      %dma_wait3A_817 = tpu.memref_slice %arg5[%dma_wait3A_815, %dma_wait3A_816] : memref<2x128xi32, #tpu.memory_space<vmem>> -> memref<1x128xi32, #tpu.memory_space<vmem>>
      %dma_wait3A_818 = tpu.memref_squeeze %dma_wait3A_817 : memref<1x128xi32, #tpu.memory_space<vmem>> -> memref<128xi32, #tpu.memory_space<vmem>>
      %dma_wait3A_819 = arith.constant 0 : i32
      %dma_wait3A_820 = tpu.memref_slice %arg2[%add3A_814, %dma_wait3A_819] : memref<2528x128xi32, #tpu.memory_space<hbm>> -> memref<1x128xi32, #tpu.memory_space<hbm>>
      %dma_wait3A_821 = tpu.memref_squeeze %dma_wait3A_820 : memref<1x128xi32, #tpu.memory_space<hbm>> -> memref<128xi32, #tpu.memory_space<hbm>>
      %dma_wait3A_822 = arith.constant 0 : i32
      %dma_wait3A_823 = tpu.memref_slice %arg5[%dma_wait3A_815, %dma_wait3A_822] : memref<2x128xi32, #tpu.memory_space<vmem>> -> memref<1x128xi32, #tpu.memory_space<vmem>>
      %dma_wait3A_824 = tpu.memref_squeeze %dma_wait3A_823 : memref<1x128xi32, #tpu.memory_space<vmem>> -> memref<128xi32, #tpu.memory_space<vmem>>
      %dma_wait3A_825 = arith.constant 0 : i32
      %dma_wait3A_826 = tpu.memref_slice %arg2[%add3A_814, %dma_wait3A_825] : memref<2528x128xi32, #tpu.memory_space<hbm>> -> memref<1x128xi32, #tpu.memory_space<hbm>>
      %dma_wait3A_827 = tpu.memref_squeeze %dma_wait3A_826 : memref<1x128xi32, #tpu.memory_space<hbm>> -> memref<128xi32, #tpu.memory_space<hbm>>
      tpu.wait_dma2 semaphore(%arg11 : memref<!tpu.dma_semaphore, #tpu.memory_space<semaphore_mem>>) src(%dma_wait3A_827 : memref<128xi32, #tpu.memory_space<hbm>>) dst(%dma_wait3A_824 : memref<128xi32, #tpu.memory_space<vmem>>)
      %get3A_828 = arith.constant 1 : i32
      %get3A_829 = arith.index_cast %get3A_828 : i32 to index
      %get3A_830 = arith.constant 0 : index
      %get3A_831 = tpu.vector_load %arg5[%get3A_829, %get3A_830] {strides = array<i32>} : memref<2x128xi32, #tpu.memory_space<vmem>>, vector<1x16xi32>,
      %get3A_832 = vector.shape_cast %get3A_831 : vector<1x16xi32> to vector<16xi32>
      %shift_right_logical3A_833 = arith.constant 14 : i32
      %shift_right_logical3A_834 = vector.broadcast %shift_right_logical3A_833 : i32 to vector<16xi32>
      %shift_right_logical3A_835 = arith.shrui %get3A_832, %shift_right_logical3A_834 : vector<16xi32>
      %swap3A_836 = arith.constant 1 : i32
      %swap3A_837 = arith.index_cast %swap3A_836 : i32 to index
      %swap3A_838 = arith.constant 0 : index
      %swap3A_839 = tpu.vector_load %arg6[%swap3A_837, %swap3A_838] {strides = array<i32>} : memref<2x128xi32, #tpu.memory_space<vmem>>, vector<1x16xi32>,
      %swap3A_840 = vector.shape_cast %swap3A_839 : vector<1x16xi32> to vector<16xi32>
      %swap3A_841 = vector.shape_cast %shift_right_logical3A_835 : vector<16xi32> to vector<1x16xi32>
      tpu.vector_store %arg6[%swap3A_837, %swap3A_838], %swap3A_841 {strides = array<i32>} : memref<2x128xi32, #tpu.memory_space<vmem>>, vector<1x16xi32>,
      %and3A_842 = arith.andi %get3A_832, %broadcast_in_dim3A_61 : vector<16xi32>
      %swap3A_843 = arith.constant 1 : i32
      %swap3A_844 = arith.index_cast %swap3A_843 : i32 to index
      %swap3A_845 = arith.constant 0 : index
      %swap3A_846 = tpu.vector_load %arg7[%swap3A_844, %swap3A_845] {strides = array<i32>} : memref<2x128xi32, #tpu.memory_space<vmem>>, vector<1x16xi32>,
      %swap3A_847 = vector.shape_cast %swap3A_846 : vector<1x16xi32> to vector<16xi32>
      %swap3A_848 = vector.shape_cast %and3A_842 : vector<16xi32> to vector<1x16xi32>
      tpu.vector_store %arg7[%swap3A_844, %swap3A_845], %swap3A_848 {strides = array<i32>} : memref<2x128xi32, #tpu.memory_space<vmem>>, vector<1x16xi32>,
      %get3A_849 = arith.constant 1 : i32
      %get3A_850 = arith.index_cast %get3A_849 : i32 to index
      %get3A_851 = arith.constant 16 : index
      %get3A_852 = tpu.vector_load %arg5[%get3A_850, %get3A_851] {strides = array<i32>} : memref<2x128xi32, #tpu.memory_space<vmem>>, vector<1x16xi32>,
      %get3A_853 = vector.shape_cast %get3A_852 : vector<1x16xi32> to vector<16xi32>
      %shift_right_logical3A_854 = arith.constant 14 : i32
      %shift_right_logical3A_855 = vector.broadcast %shift_right_logical3A_854 : i32 to vector<16xi32>
      %shift_right_logical3A_856 = arith.shrui %get3A_853, %shift_right_logical3A_855 : vector<16xi32>
      %swap3A_857 = arith.constant 1 : i32
      %swap3A_858 = arith.index_cast %swap3A_857 : i32 to index
      %swap3A_859 = arith.constant 16 : index
      %swap3A_860 = tpu.vector_load %arg6[%swap3A_858, %swap3A_859] {strides = array<i32>} : memref<2x128xi32, #tpu.memory_space<vmem>>, vector<1x16xi32>,
      %swap3A_861 = vector.shape_cast %swap3A_860 : vector<1x16xi32> to vector<16xi32>
      %swap3A_862 = vector.shape_cast %shift_right_logical3A_856 : vector<16xi32> to vector<1x16xi32>
      tpu.vector_store %arg6[%swap3A_858, %swap3A_859], %swap3A_862 {strides = array<i32>} : memref<2x128xi32, #tpu.memory_space<vmem>>, vector<1x16xi32>,
      %and3A_863 = arith.andi %get3A_853, %broadcast_in_dim3A_61 : vector<16xi32>
      %swap3A_864 = arith.constant 1 : i32
      %swap3A_865 = arith.index_cast %swap3A_864 : i32 to index
      %swap3A_866 = arith.constant 16 : index
      %swap3A_867 = tpu.vector_load %arg7[%swap3A_865, %swap3A_866] {strides = array<i32>} : memref<2x128xi32, #tpu.memory_space<vmem>>, vector<1x16xi32>,
      %swap3A_868 = vector.shape_cast %swap3A_867 : vector<1x16xi32> to vector<16xi32>
      %swap3A_869 = vector.shape_cast %and3A_863 : vector<16xi32> to vector<1x16xi32>
      tpu.vector_store %arg7[%swap3A_865, %swap3A_866], %swap3A_869 {strides = array<i32>} : memref<2x128xi32, #tpu.memory_space<vmem>>, vector<1x16xi32>,
      %get3A_870 = arith.constant 1 : i32
      %get3A_871 = arith.index_cast %get3A_870 : i32 to index
      %get3A_872 = arith.constant 32 : index
      %get3A_873 = tpu.vector_load %arg5[%get3A_871, %get3A_872] {strides = array<i32>} : memref<2x128xi32, #tpu.memory_space<vmem>>, vector<1x16xi32>,
      %get3A_874 = vector.shape_cast %get3A_873 : vector<1x16xi32> to vector<16xi32>
      %shift_right_logical3A_875 = arith.constant 14 : i32
      %shift_right_logical3A_876 = vector.broadcast %shift_right_logical3A_875 : i32 to vector<16xi32>
      %shift_right_logical3A_877 = arith.shrui %get3A_874, %shift_right_logical3A_876 : vector<16xi32>
      %swap3A_878 = arith.constant 1 : i32
      %swap3A_879 = arith.index_cast %swap3A_878 : i32 to index
      %swap3A_880 = arith.constant 32 : index
      %swap3A_881 = tpu.vector_load %arg6[%swap3A_879, %swap3A_880] {strides = array<i32>} : memref<2x128xi32, #tpu.memory_space<vmem>>, vector<1x16xi32>,
      %swap3A_882 = vector.shape_cast %swap3A_881 : vector<1x16xi32> to vector<16xi32>
      %swap3A_883 = vector.shape_cast %shift_right_logical3A_877 : vector<16xi32> to vector<1x16xi32>
      tpu.vector_store %arg6[%swap3A_879, %swap3A_880], %swap3A_883 {strides = array<i32>} : memref<2x128xi32, #tpu.memory_space<vmem>>, vector<1x16xi32>,
      %and3A_884 = arith.andi %get3A_874, %broadcast_in_dim3A_61 : vector<16xi32>
      %swap3A_885 = arith.constant 1 : i32
      %swap3A_886 = arith.index_cast %swap3A_885 : i32 to index
      %swap3A_887 = arith.constant 32 : index
      %swap3A_888 = tpu.vector_load %arg7[%swap3A_886, %swap3A_887] {strides = array<i32>} : memref<2x128xi32, #tpu.memory_space<vmem>>, vector<1x16xi32>,
      %swap3A_889 = vector.shape_cast %swap3A_888 : vector<1x16xi32> to vector<16xi32>
      %swap3A_890 = vector.shape_cast %and3A_884 : vector<16xi32> to vector<1x16xi32>
      tpu.vector_store %arg7[%swap3A_886, %swap3A_887], %swap3A_890 {strides = array<i32>} : memref<2x128xi32, #tpu.memory_space<vmem>>, vector<1x16xi32>,
      %get3A_891 = arith.constant 1 : i32
      %get3A_892 = arith.index_cast %get3A_891 : i32 to index
      %get3A_893 = arith.constant 48 : index
      %get3A_894 = tpu.vector_load %arg5[%get3A_892, %get3A_893] {strides = array<i32>} : memref<2x128xi32, #tpu.memory_space<vmem>>, vector<1x16xi32>,
      %get3A_895 = vector.shape_cast %get3A_894 : vector<1x16xi32> to vector<16xi32>
      %shift_right_logical3A_896 = arith.constant 14 : i32
      %shift_right_logical3A_897 = vector.broadcast %shift_right_logical3A_896 : i32 to vector<16xi32>
      %shift_right_logical3A_898 = arith.shrui %get3A_895, %shift_right_logical3A_897 : vector<16xi32>
      %swap3A_899 = arith.constant 1 : i32
      %swap3A_900 = arith.index_cast %swap3A_899 : i32 to index
      %swap3A_901 = arith.constant 48 : index
      %swap3A_902 = tpu.vector_load %arg6[%swap3A_900, %swap3A_901] {strides = array<i32>} : memref<2x128xi32, #tpu.memory_space<vmem>>, vector<1x16xi32>,
      %swap3A_903 = vector.shape_cast %swap3A_902 : vector<1x16xi32> to vector<16xi32>
      %swap3A_904 = vector.shape_cast %shift_right_logical3A_898 : vector<16xi32> to vector<1x16xi32>
      tpu.vector_store %arg6[%swap3A_900, %swap3A_901], %swap3A_904 {strides = array<i32>} : memref<2x128xi32, #tpu.memory_space<vmem>>, vector<1x16xi32>,
      %and3A_905 = arith.andi %get3A_895, %broadcast_in_dim3A_61 : vector<16xi32>
      %swap3A_906 = arith.constant 1 : i32
      %swap3A_907 = arith.index_cast %swap3A_906 : i32 to index
      %swap3A_908 = arith.constant 48 : index
      %swap3A_909 = tpu.vector_load %arg7[%swap3A_907, %swap3A_908] {strides = array<i32>} : memref<2x128xi32, #tpu.memory_space<vmem>>, vector<1x16xi32>,
      %swap3A_910 = vector.shape_cast %swap3A_909 : vector<1x16xi32> to vector<16xi32>
      %swap3A_911 = vector.shape_cast %and3A_905 : vector<16xi32> to vector<1x16xi32>
      tpu.vector_store %arg7[%swap3A_907, %swap3A_908], %swap3A_911 {strides = array<i32>} : memref<2x128xi32, #tpu.memory_space<vmem>>, vector<1x16xi32>,
      %get3A_912 = arith.constant 1 : i32
      %get3A_913 = arith.index_cast %get3A_912 : i32 to index
      %get3A_914 = arith.constant 64 : index
      %get3A_915 = tpu.vector_load %arg5[%get3A_913, %get3A_914] {strides = array<i32>} : memref<2x128xi32, #tpu.memory_space<vmem>>, vector<1x16xi32>,
      %get3A_916 = vector.shape_cast %get3A_915 : vector<1x16xi32> to vector<16xi32>
      %shift_right_logical3A_917 = arith.constant 14 : i32
      %shift_right_logical3A_918 = vector.broadcast %shift_right_logical3A_917 : i32 to vector<16xi32>
      %shift_right_logical3A_919 = arith.shrui %get3A_916, %shift_right_logical3A_918 : vector<16xi32>
      %swap3A_920 = arith.constant 1 : i32
      %swap3A_921 = arith.index_cast %swap3A_920 : i32 to index
      %swap3A_922 = arith.constant 64 : index
      %swap3A_923 = tpu.vector_load %arg6[%swap3A_921, %swap3A_922] {strides = array<i32>} : memref<2x128xi32, #tpu.memory_space<vmem>>, vector<1x16xi32>,
      %swap3A_924 = vector.shape_cast %swap3A_923 : vector<1x16xi32> to vector<16xi32>
      %swap3A_925 = vector.shape_cast %shift_right_logical3A_919 : vector<16xi32> to vector<1x16xi32>
      tpu.vector_store %arg6[%swap3A_921, %swap3A_922], %swap3A_925 {strides = array<i32>} : memref<2x128xi32, #tpu.memory_space<vmem>>, vector<1x16xi32>,
      %and3A_926 = arith.andi %get3A_916, %broadcast_in_dim3A_61 : vector<16xi32>
      %swap3A_927 = arith.constant 1 : i32
      %swap3A_928 = arith.index_cast %swap3A_927 : i32 to index
      %swap3A_929 = arith.constant 64 : index
      %swap3A_930 = tpu.vector_load %arg7[%swap3A_928, %swap3A_929] {strides = array<i32>} : memref<2x128xi32, #tpu.memory_space<vmem>>, vector<1x16xi32>,
      %swap3A_931 = vector.shape_cast %swap3A_930 : vector<1x16xi32> to vector<16xi32>
      %swap3A_932 = vector.shape_cast %and3A_926 : vector<16xi32> to vector<1x16xi32>
      tpu.vector_store %arg7[%swap3A_928, %swap3A_929], %swap3A_932 {strides = array<i32>} : memref<2x128xi32, #tpu.memory_space<vmem>>, vector<1x16xi32>,
      %get3A_933 = arith.constant 1 : i32
      %get3A_934 = arith.index_cast %get3A_933 : i32 to index
      %get3A_935 = arith.constant 80 : index
      %get3A_936 = tpu.vector_load %arg5[%get3A_934, %get3A_935] {strides = array<i32>} : memref<2x128xi32, #tpu.memory_space<vmem>>, vector<1x16xi32>,
      %get3A_937 = vector.shape_cast %get3A_936 : vector<1x16xi32> to vector<16xi32>
      %shift_right_logical3A_938 = arith.constant 14 : i32
      %shift_right_logical3A_939 = vector.broadcast %shift_right_logical3A_938 : i32 to vector<16xi32>
      %shift_right_logical3A_940 = arith.shrui %get3A_937, %shift_right_logical3A_939 : vector<16xi32>
      %swap3A_941 = arith.constant 1 : i32
      %swap3A_942 = arith.index_cast %swap3A_941 : i32 to index
      %swap3A_943 = arith.constant 80 : index
      %swap3A_944 = tpu.vector_load %arg6[%swap3A_942, %swap3A_943] {strides = array<i32>} : memref<2x128xi32, #tpu.memory_space<vmem>>, vector<1x16xi32>,
      %swap3A_945 = vector.shape_cast %swap3A_944 : vector<1x16xi32> to vector<16xi32>
      %swap3A_946 = vector.shape_cast %shift_right_logical3A_940 : vector<16xi32> to vector<1x16xi32>
      tpu.vector_store %arg6[%swap3A_942, %swap3A_943], %swap3A_946 {strides = array<i32>} : memref<2x128xi32, #tpu.memory_space<vmem>>, vector<1x16xi32>,
      %and3A_947 = arith.andi %get3A_937, %broadcast_in_dim3A_61 : vector<16xi32>
      %swap3A_948 = arith.constant 1 : i32
      %swap3A_949 = arith.index_cast %swap3A_948 : i32 to index
      %swap3A_950 = arith.constant 80 : index
      %swap3A_951 = tpu.vector_load %arg7[%swap3A_949, %swap3A_950] {strides = array<i32>} : memref<2x128xi32, #tpu.memory_space<vmem>>, vector<1x16xi32>,
      %swap3A_952 = vector.shape_cast %swap3A_951 : vector<1x16xi32> to vector<16xi32>
      %swap3A_953 = vector.shape_cast %and3A_947 : vector<16xi32> to vector<1x16xi32>
      tpu.vector_store %arg7[%swap3A_949, %swap3A_950], %swap3A_953 {strides = array<i32>} : memref<2x128xi32, #tpu.memory_space<vmem>>, vector<1x16xi32>,
      %get3A_954 = arith.constant 1 : i32
      %get3A_955 = arith.index_cast %get3A_954 : i32 to index
      %get3A_956 = arith.constant 96 : index
      %get3A_957 = tpu.vector_load %arg5[%get3A_955, %get3A_956] {strides = array<i32>} : memref<2x128xi32, #tpu.memory_space<vmem>>, vector<1x16xi32>,
      %get3A_958 = vector.shape_cast %get3A_957 : vector<1x16xi32> to vector<16xi32>
      %shift_right_logical3A_959 = arith.constant 14 : i32
      %shift_right_logical3A_960 = vector.broadcast %shift_right_logical3A_959 : i32 to vector<16xi32>
      %shift_right_logical3A_961 = arith.shrui %get3A_958, %shift_right_logical3A_960 : vector<16xi32>
      %swap3A_962 = arith.constant 1 : i32
      %swap3A_963 = arith.index_cast %swap3A_962 : i32 to index
      %swap3A_964 = arith.constant 96 : index
      %swap3A_965 = tpu.vector_load %arg6[%swap3A_963, %swap3A_964] {strides = array<i32>} : memref<2x128xi32, #tpu.memory_space<vmem>>, vector<1x16xi32>,
      %swap3A_966 = vector.shape_cast %swap3A_965 : vector<1x16xi32> to vector<16xi32>
      %swap3A_967 = vector.shape_cast %shift_right_logical3A_961 : vector<16xi32> to vector<1x16xi32>
      tpu.vector_store %arg6[%swap3A_963, %swap3A_964], %swap3A_967 {strides = array<i32>} : memref<2x128xi32, #tpu.memory_space<vmem>>, vector<1x16xi32>,
      %and3A_968 = arith.andi %get3A_958, %broadcast_in_dim3A_61 : vector<16xi32>
      %swap3A_969 = arith.constant 1 : i32
      %swap3A_970 = arith.index_cast %swap3A_969 : i32 to index
      %swap3A_971 = arith.constant 96 : index
      %swap3A_972 = tpu.vector_load %arg7[%swap3A_970, %swap3A_971] {strides = array<i32>} : memref<2x128xi32, #tpu.memory_space<vmem>>, vector<1x16xi32>,
      %swap3A_973 = vector.shape_cast %swap3A_972 : vector<1x16xi32> to vector<16xi32>
      %swap3A_974 = vector.shape_cast %and3A_968 : vector<16xi32> to vector<1x16xi32>
      tpu.vector_store %arg7[%swap3A_970, %swap3A_971], %swap3A_974 {strides = array<i32>} : memref<2x128xi32, #tpu.memory_space<vmem>>, vector<1x16xi32>,
      %get3A_975 = arith.constant 1 : i32
      %get3A_976 = arith.index_cast %get3A_975 : i32 to index
      %get3A_977 = arith.constant 112 : index
      %get3A_978 = tpu.vector_load %arg5[%get3A_976, %get3A_977] {strides = array<i32>} : memref<2x128xi32, #tpu.memory_space<vmem>>, vector<1x16xi32>,
      %get3A_979 = vector.shape_cast %get3A_978 : vector<1x16xi32> to vector<16xi32>
      %shift_right_logical3A_980 = arith.constant 14 : i32
      %shift_right_logical3A_981 = vector.broadcast %shift_right_logical3A_980 : i32 to vector<16xi32>
      %shift_right_logical3A_982 = arith.shrui %get3A_979, %shift_right_logical3A_981 : vector<16xi32>
      %swap3A_983 = arith.constant 1 : i32
      %swap3A_984 = arith.index_cast %swap3A_983 : i32 to index
      %swap3A_985 = arith.constant 112 : index
      %swap3A_986 = tpu.vector_load %arg6[%swap3A_984, %swap3A_985] {strides = array<i32>} : memref<2x128xi32, #tpu.memory_space<vmem>>, vector<1x16xi32>,
      %swap3A_987 = vector.shape_cast %swap3A_986 : vector<1x16xi32> to vector<16xi32>
      %swap3A_988 = vector.shape_cast %shift_right_logical3A_982 : vector<16xi32> to vector<1x16xi32>
      tpu.vector_store %arg6[%swap3A_984, %swap3A_985], %swap3A_988 {strides = array<i32>} : memref<2x128xi32, #tpu.memory_space<vmem>>, vector<1x16xi32>,
      %and3A_989 = arith.andi %get3A_979, %broadcast_in_dim3A_61 : vector<16xi32>
      %swap3A_990 = arith.constant 1 : i32
      %swap3A_991 = arith.index_cast %swap3A_990 : i32 to index
      %swap3A_992 = arith.constant 112 : index
      %swap3A_993 = tpu.vector_load %arg7[%swap3A_991, %swap3A_992] {strides = array<i32>} : memref<2x128xi32, #tpu.memory_space<vmem>>, vector<1x16xi32>,
      %swap3A_994 = vector.shape_cast %swap3A_993 : vector<1x16xi32> to vector<16xi32>
      %swap3A_995 = vector.shape_cast %and3A_989 : vector<16xi32> to vector<1x16xi32>
      tpu.vector_store %arg7[%swap3A_991, %swap3A_992], %swap3A_995 {strides = array<i32>} : memref<2x128xi32, #tpu.memory_space<vmem>>, vector<1x16xi32>,
      %add3A_996 = arith.constant 2 : i32
      %add3A_997 = arith.addi %add3A_814, %add3A_996 : i32
      %min3A_998 = arith.minsi %add3A_997, %sub3A_10 : i32
      %dma_start3A_999 = arith.constant 1 : i32
      %dma_start3A_1000 = arith.constant 0 : i32
      %dma_start3A_1001 = tpu.memref_slice %arg5[%dma_start3A_999, %dma_start3A_1000] : memref<2x128xi32, #tpu.memory_space<vmem>> -> memref<1x128xi32, #tpu.memory_space<vmem>>
      %dma_start3A_1002 = tpu.memref_squeeze %dma_start3A_1001 : memref<1x128xi32, #tpu.memory_space<vmem>> -> memref<128xi32, #tpu.memory_space<vmem>>
      %dma_start3A_1003 = arith.constant 0 : i32
      %dma_start3A_1004 = tpu.memref_slice %arg2[%min3A_998, %dma_start3A_1003] : memref<2528x128xi32, #tpu.memory_space<hbm>> -> memref<1x128xi32, #tpu.memory_space<hbm>>
      %dma_start3A_1005 = tpu.memref_squeeze %dma_start3A_1004 : memref<1x128xi32, #tpu.memory_space<hbm>> -> memref<128xi32, #tpu.memory_space<hbm>>
      %dma_start3A_1006 = arith.constant 0 : i32
      %dma_start3A_1007 = tpu.memref_slice %arg5[%dma_start3A_999, %dma_start3A_1006] : memref<2x128xi32, #tpu.memory_space<vmem>> -> memref<1x128xi32, #tpu.memory_space<vmem>>
      %dma_start3A_1008 = tpu.memref_squeeze %dma_start3A_1007 : memref<1x128xi32, #tpu.memory_space<vmem>> -> memref<128xi32, #tpu.memory_space<vmem>>
      %dma_start3A_1009 = arith.constant 0 : i32
      %dma_start3A_1010 = tpu.memref_slice %arg2[%min3A_998, %dma_start3A_1009] : memref<2528x128xi32, #tpu.memory_space<hbm>> -> memref<1x128xi32, #tpu.memory_space<hbm>>
      %dma_start3A_1011 = tpu.memref_squeeze %dma_start3A_1010 : memref<1x128xi32, #tpu.memory_space<hbm>> -> memref<128xi32, #tpu.memory_space<hbm>>
      tpu.enqueue_dma source(%dma_start3A_1011 : memref<128xi32, #tpu.memory_space<hbm>>) target(%dma_start3A_1008 : memref<128xi32, #tpu.memory_space<vmem>>) target_semaphore(%arg11 : memref<!tpu.dma_semaphore, #tpu.memory_space<semaphore_mem>>)
      %dma_start3A_1012 = arith.constant 1 : i32
      %dma_start3A_1013 = arith.constant 1 : i32
      %dma_start3A_1014 = arith.constant 0 : i32
      %dma_start3A_1015 = arith.constant 0 : i32
      %dma_start3A_1016 = tpu.memref_slice %arg8[%dma_start3A_1013, %dma_start3A_1014, %dma_start3A_1015] : memref<2x128x128xf32, #tpu.memory_space<vmem>> -> memref<1x128x128xf32, #tpu.memory_space<vmem>>
      %dma_start3A_1017 = tpu.memref_squeeze %dma_start3A_1016 : memref<1x128x128xf32, #tpu.memory_space<vmem>> -> memref<128x128xf32, #tpu.memory_space<vmem>>
      %dma_start3A_1018 = arith.constant 0 : i32
      %dma_start3A_1019 = tpu.memref_slice %arg6[%dma_start3A_1012, %dma_start3A_1018] : memref<2x128xi32, #tpu.memory_space<vmem>> -> memref<1x128xi32, #tpu.memory_space<vmem>>
      %dma_start3A_1020 = tpu.memref_squeeze %dma_start3A_1019 : memref<1x128xi32, #tpu.memory_space<vmem>> -> memref<128xi32, #tpu.memory_space<vmem>>
      %dma_start3A_1021 = arith.constant 0 : i32
      %dma_start3A_1022 = arith.constant 0 : i32
      %dma_start3A_1023 = tpu.memref_slice %arg3[%dma_start3A_1021, %dma_start3A_1022] : memref<80000x128xf32, #tpu.memory_space<hbm>> -> memref<80000x128xf32, #tpu.memory_space<hbm>>
      tpu.enqueue_indirect_dma source(%dma_start3A_1023 : memref<80000x128xf32, #tpu.memory_space<hbm>>) target(%dma_start3A_1017 : memref<128x128xf32, #tpu.memory_space<vmem>>) offsets(%dma_start3A_1020 : memref<128xi32, #tpu.memory_space<vmem>>) semaphore(%arg13 : memref<!tpu.dma_semaphore, #tpu.memory_space<semaphore_mem>>)
    }
    %while3A_511 = arith.constant 1 : i32
    scf.for %while3A_567 = %while3A_509 to %while3A_505 step %while3A_511  : i32 {
      %mul3A_568 = arith.constant 2 : i32
      %mul3A_569 = arith.muli %while3A_567, %mul3A_568 : i32
      %add3A_570 = arith.addi %select_n3A_8, %mul3A_569 : i32
      %dma_wait3A_571 = arith.constant 0 : i32
      %dma_wait3A_572 = arith.constant 0 : i32
      %dma_wait3A_573 = arith.constant 0 : i32
      %dma_wait3A_574 = arith.constant 0 : i32
      %dma_wait3A_575 = tpu.memref_slice %arg8[%dma_wait3A_572, %dma_wait3A_573, %dma_wait3A_574] : memref<2x128x128xf32, #tpu.memory_space<vmem>> -> memref<1x128x128xf32, #tpu.memory_space<vmem>>
      %dma_wait3A_576 = tpu.memref_squeeze %dma_wait3A_575 : memref<1x128x128xf32, #tpu.memory_space<vmem>> -> memref<128x128xf32, #tpu.memory_space<vmem>>
      %dma_wait3A_577 = arith.constant 0 : i32
      %dma_wait3A_578 = tpu.memref_slice %arg6[%dma_wait3A_571, %dma_wait3A_577] : memref<2x128xi32, #tpu.memory_space<vmem>> -> memref<1x128xi32, #tpu.memory_space<vmem>>
      %dma_wait3A_579 = tpu.memref_squeeze %dma_wait3A_578 : memref<1x128xi32, #tpu.memory_space<vmem>> -> memref<128xi32, #tpu.memory_space<vmem>>
      %dma_wait3A_580 = arith.constant 0 : i32
      %dma_wait3A_581 = arith.constant 0 : i32
      %dma_wait3A_582 = tpu.memref_slice %arg3[%dma_wait3A_580, %dma_wait3A_581] : memref<80000x128xf32, #tpu.memory_space<hbm>> -> memref<80000x128xf32, #tpu.memory_space<hbm>>
      tpu.wait_indirect_dma semaphore(%arg12 : memref<!tpu.dma_semaphore, #tpu.memory_space<semaphore_mem>>) src(%dma_wait3A_582 : memref<80000x128xf32, #tpu.memory_space<hbm>>) dst(%dma_wait3A_576 : memref<128x128xf32, #tpu.memory_space<vmem>>)
      %run_scoped3A_583 = arith.constant 0 : i32
      %run_scoped3A_584 = arith.constant 0 : i32
      "tpu.region"() ({
        %run_scoped3A_1024 = tpu.sem_alloc : memref<!tpu.dma_semaphore, #tpu.memory_space<semaphore_mem>>
        %dma_start3A_1025 = arith.constant 0 : i32
        %dma_start3A_1026 = arith.constant 0 : i32
        %dma_start3A_1027 = tpu.memref_slice %arg8[%run_scoped3A_583, %dma_start3A_1025, %dma_start3A_1026] : memref<2x128x128xf32, #tpu.memory_space<vmem>> -> memref<1x128x128xf32, #tpu.memory_space<vmem>>
        %dma_start3A_1028 = tpu.memref_squeeze %dma_start3A_1027 : memref<1x128x128xf32, #tpu.memory_space<vmem>> -> memref<128x128xf32, #tpu.memory_space<vmem>>
        %dma_start3A_1029 = arith.constant 0 : i32
        %dma_start3A_1030 = tpu.memref_slice %arg7[%run_scoped3A_584, %dma_start3A_1029] : memref<2x128xi32, #tpu.memory_space<vmem>> -> memref<1x128xi32, #tpu.memory_space<vmem>>
        %dma_start3A_1031 = tpu.memref_squeeze %dma_start3A_1030 : memref<1x128xi32, #tpu.memory_space<vmem>> -> memref<128xi32, #tpu.memory_space<vmem>>
        %dma_start3A_1032 = arith.constant 0 : i32
        %dma_start3A_1033 = arith.constant 0 : i32
        %dma_start3A_1034 = tpu.memref_slice %arg9[%dma_start3A_1032, %dma_start3A_1033] : memref<10240x128xf32, #tpu.memory_space<vmem_shared>> -> memref<10240x128xf32, #tpu.memory_space<vmem_shared>>
        tpu.enqueue_indirect_dma source(%dma_start3A_1028 : memref<128x128xf32, #tpu.memory_space<vmem>>) target(%dma_start3A_1034 : memref<10240x128xf32, #tpu.memory_space<vmem_shared>>) offsets(%dma_start3A_1031 : memref<128xi32, #tpu.memory_space<vmem>>) semaphore(%run_scoped3A_1024 : memref<!tpu.dma_semaphore, #tpu.memory_space<semaphore_mem>>) {add = true}
        %dma_wait3A_1035 = arith.constant 0 : i32
        %dma_wait3A_1036 = arith.constant 0 : i32
        %dma_wait3A_1037 = tpu.memref_slice %arg8[%run_scoped3A_583, %dma_wait3A_1035, %dma_wait3A_1036] : memref<2x128x128xf32, #tpu.memory_space<vmem>> -> memref<1x128x128xf32, #tpu.memory_space<vmem>>
        %dma_wait3A_1038 = tpu.memref_squeeze %dma_wait3A_1037 : memref<1x128x128xf32, #tpu.memory_space<vmem>> -> memref<128x128xf32, #tpu.memory_space<vmem>>
        %dma_wait3A_1039 = arith.constant 0 : i32
        %dma_wait3A_1040 = tpu.memref_slice %arg7[%run_scoped3A_584, %dma_wait3A_1039] : memref<2x128xi32, #tpu.memory_space<vmem>> -> memref<1x128xi32, #tpu.memory_space<vmem>>
        %dma_wait3A_1041 = tpu.memref_squeeze %dma_wait3A_1040 : memref<1x128xi32, #tpu.memory_space<vmem>> -> memref<128xi32, #tpu.memory_space<vmem>>
        %dma_wait3A_1042 = arith.constant 0 : i32
        %dma_wait3A_1043 = arith.constant 0 : i32
        %dma_wait3A_1044 = tpu.memref_slice %arg9[%dma_wait3A_1042, %dma_wait3A_1043] : memref<10240x128xf32, #tpu.memory_space<vmem_shared>> -> memref<10240x128xf32, #tpu.memory_space<vmem_shared>>
        tpu.wait_indirect_dma semaphore(%run_scoped3A_1024 : memref<!tpu.dma_semaphore, #tpu.memory_space<semaphore_mem>>) src(%dma_wait3A_1038 : memref<128x128xf32, #tpu.memory_space<vmem>>) dst(%dma_wait3A_1044 : memref<10240x128xf32, #tpu.memory_space<vmem_shared>>)
        tpu.yield
      }) : () -> ()
      %add3A_585 = arith.constant 2 : i32
      %add3A_586 = arith.addi %add3A_570, %add3A_585 : i32
      %add3A_587 = arith.constant 0 : i32
      %add3A_588 = arith.addi %add3A_586, %add3A_587 : i32
      %dma_wait3A_589 = arith.constant 0 : i32
      %dma_wait3A_590 = arith.constant 0 : i32
      %dma_wait3A_591 = tpu.memref_slice %arg5[%dma_wait3A_589, %dma_wait3A_590] : memref<2x128xi32, #tpu.memory_space<vmem>> -> memref<1x128xi32, #tpu.memory_space<vmem>>
      %dma_wait3A_592 = tpu.memref_squeeze %dma_wait3A_591 : memref<1x128xi32, #tpu.memory_space<vmem>> -> memref<128xi32, #tpu.memory_space<vmem>>
      %dma_wait3A_593 = arith.constant 0 : i32
      %dma_wait3A_594 = tpu.memref_slice %arg2[%add3A_588, %dma_wait3A_593] : memref<2528x128xi32, #tpu.memory_space<hbm>> -> memref<1x128xi32, #tpu.memory_space<hbm>>
      %dma_wait3A_595 = tpu.memref_squeeze %dma_wait3A_594 : memref<1x128xi32, #tpu.memory_space<hbm>> -> memref<128xi32, #tpu.memory_space<hbm>>
      %dma_wait3A_596 = arith.constant 0 : i32
      %dma_wait3A_597 = tpu.memref_slice %arg5[%dma_wait3A_589, %dma_wait3A_596] : memref<2x128xi32, #tpu.memory_space<vmem>> -> memref<1x128xi32, #tpu.memory_space<vmem>>
      %dma_wait3A_598 = tpu.memref_squeeze %dma_wait3A_597 : memref<1x128xi32, #tpu.memory_space<vmem>> -> memref<128xi32, #tpu.memory_space<vmem>>
      %dma_wait3A_599 = arith.constant 0 : i32
      %dma_wait3A_600 = tpu.memref_slice %arg2[%add3A_588, %dma_wait3A_599] : memref<2528x128xi32, #tpu.memory_space<hbm>> -> memref<1x128xi32, #tpu.memory_space<hbm>>
      %dma_wait3A_601 = tpu.memref_squeeze %dma_wait3A_600 : memref<1x128xi32, #tpu.memory_space<hbm>> -> memref<128xi32, #tpu.memory_space<hbm>>
      tpu.wait_dma2 semaphore(%arg10 : memref<!tpu.dma_semaphore, #tpu.memory_space<semaphore_mem>>) src(%dma_wait3A_601 : memref<128xi32, #tpu.memory_space<hbm>>) dst(%dma_wait3A_598 : memref<128xi32, #tpu.memory_space<vmem>>)
      %get3A_602 = arith.constant 0 : i32
      %get3A_603 = arith.index_cast %get3A_602 : i32 to index
      %get3A_604 = arith.constant 0 : index
      %get3A_605 = tpu.vector_load %arg5[%get3A_603, %get3A_604] {strides = array<i32>} : memref<2x128xi32, #tpu.memory_space<vmem>>, vector<1x16xi32>,
      %get3A_606 = vector.shape_cast %get3A_605 : vector<1x16xi32> to vector<16xi32>
      %shift_right_logical3A_607 = arith.constant 14 : i32
      %shift_right_logical3A_608 = vector.broadcast %shift_right_logical3A_607 : i32 to vector<16xi32>
      %shift_right_logical3A_609 = arith.shrui %get3A_606, %shift_right_logical3A_608 : vector<16xi32>
      %swap3A_610 = arith.constant 0 : i32
      %swap3A_611 = arith.index_cast %swap3A_610 : i32 to index
      %swap3A_612 = arith.constant 0 : index
      %swap3A_613 = tpu.vector_load %arg6[%swap3A_611, %swap3A_612] {strides = array<i32>} : memref<2x128xi32, #tpu.memory_space<vmem>>, vector<1x16xi32>,
      %swap3A_614 = vector.shape_cast %swap3A_613 : vector<1x16xi32> to vector<16xi32>
      %swap3A_615 = vector.shape_cast %shift_right_logical3A_609 : vector<16xi32> to vector<1x16xi32>
      tpu.vector_store %arg6[%swap3A_611, %swap3A_612], %swap3A_615 {strides = array<i32>} : memref<2x128xi32, #tpu.memory_space<vmem>>, vector<1x16xi32>,
      %and3A_616 = arith.andi %get3A_606, %broadcast_in_dim3A_61 : vector<16xi32>
      %swap3A_617 = arith.constant 0 : i32
      %swap3A_618 = arith.index_cast %swap3A_617 : i32 to index
      %swap3A_619 = arith.constant 0 : index
      %swap3A_620 = tpu.vector_load %arg7[%swap3A_618, %swap3A_619] {strides = array<i32>} : memref<2x128xi32, #tpu.memory_space<vmem>>, vector<1x16xi32>,
      %swap3A_621 = vector.shape_cast %swap3A_620 : vector<1x16xi32> to vector<16xi32>
      %swap3A_622 = vector.shape_cast %and3A_616 : vector<16xi32> to vector<1x16xi32>
      tpu.vector_store %arg7[%swap3A_618, %swap3A_619], %swap3A_622 {strides = array<i32>} : memref<2x128xi32, #tpu.memory_space<vmem>>, vector<1x16xi32>,
      %get3A_623 = arith.constant 0 : i32
      %get3A_624 = arith.index_cast %get3A_623 : i32 to index
      %get3A_625 = arith.constant 16 : index
      %get3A_626 = tpu.vector_load %arg5[%get3A_624, %get3A_625] {strides = array<i32>} : memref<2x128xi32, #tpu.memory_space<vmem>>, vector<1x16xi32>,
      %get3A_627 = vector.shape_cast %get3A_626 : vector<1x16xi32> to vector<16xi32>
      %shift_right_logical3A_628 = arith.constant 14 : i32
      %shift_right_logical3A_629 = vector.broadcast %shift_right_logical3A_628 : i32 to vector<16xi32>
      %shift_right_logical3A_630 = arith.shrui %get3A_627, %shift_right_logical3A_629 : vector<16xi32>
      %swap3A_631 = arith.constant 0 : i32
      %swap3A_632 = arith.index_cast %swap3A_631 : i32 to index
      %swap3A_633 = arith.constant 16 : index
      %swap3A_634 = tpu.vector_load %arg6[%swap3A_632, %swap3A_633] {strides = array<i32>} : memref<2x128xi32, #tpu.memory_space<vmem>>, vector<1x16xi32>,
      %swap3A_635 = vector.shape_cast %swap3A_634 : vector<1x16xi32> to vector<16xi32>
      %swap3A_636 = vector.shape_cast %shift_right_logical3A_630 : vector<16xi32> to vector<1x16xi32>
      tpu.vector_store %arg6[%swap3A_632, %swap3A_633], %swap3A_636 {strides = array<i32>} : memref<2x128xi32, #tpu.memory_space<vmem>>, vector<1x16xi32>,
      %and3A_637 = arith.andi %get3A_627, %broadcast_in_dim3A_61 : vector<16xi32>
      %swap3A_638 = arith.constant 0 : i32
      %swap3A_639 = arith.index_cast %swap3A_638 : i32 to index
      %swap3A_640 = arith.constant 16 : index
      %swap3A_641 = tpu.vector_load %arg7[%swap3A_639, %swap3A_640] {strides = array<i32>} : memref<2x128xi32, #tpu.memory_space<vmem>>, vector<1x16xi32>,
      %swap3A_642 = vector.shape_cast %swap3A_641 : vector<1x16xi32> to vector<16xi32>
      %swap3A_643 = vector.shape_cast %and3A_637 : vector<16xi32> to vector<1x16xi32>
      tpu.vector_store %arg7[%swap3A_639, %swap3A_640], %swap3A_643 {strides = array<i32>} : memref<2x128xi32, #tpu.memory_space<vmem>>, vector<1x16xi32>,
      %get3A_644 = arith.constant 0 : i32
      %get3A_645 = arith.index_cast %get3A_644 : i32 to index
      %get3A_646 = arith.constant 32 : index
      %get3A_647 = tpu.vector_load %arg5[%get3A_645, %get3A_646] {strides = array<i32>} : memref<2x128xi32, #tpu.memory_space<vmem>>, vector<1x16xi32>,
      %get3A_648 = vector.shape_cast %get3A_647 : vector<1x16xi32> to vector<16xi32>
      %shift_right_logical3A_649 = arith.constant 14 : i32
      %shift_right_logical3A_650 = vector.broadcast %shift_right_logical3A_649 : i32 to vector<16xi32>
      %shift_right_logical3A_651 = arith.shrui %get3A_648, %shift_right_logical3A_650 : vector<16xi32>
      %swap3A_652 = arith.constant 0 : i32
      %swap3A_653 = arith.index_cast %swap3A_652 : i32 to index
      %swap3A_654 = arith.constant 32 : index
      %swap3A_655 = tpu.vector_load %arg6[%swap3A_653, %swap3A_654] {strides = array<i32>} : memref<2x128xi32, #tpu.memory_space<vmem>>, vector<1x16xi32>,
      %swap3A_656 = vector.shape_cast %swap3A_655 : vector<1x16xi32> to vector<16xi32>
      %swap3A_657 = vector.shape_cast %shift_right_logical3A_651 : vector<16xi32> to vector<1x16xi32>
      tpu.vector_store %arg6[%swap3A_653, %swap3A_654], %swap3A_657 {strides = array<i32>} : memref<2x128xi32, #tpu.memory_space<vmem>>, vector<1x16xi32>,
      %and3A_658 = arith.andi %get3A_648, %broadcast_in_dim3A_61 : vector<16xi32>
      %swap3A_659 = arith.constant 0 : i32
      %swap3A_660 = arith.index_cast %swap3A_659 : i32 to index
      %swap3A_661 = arith.constant 32 : index
      %swap3A_662 = tpu.vector_load %arg7[%swap3A_660, %swap3A_661] {strides = array<i32>} : memref<2x128xi32, #tpu.memory_space<vmem>>, vector<1x16xi32>,
      %swap3A_663 = vector.shape_cast %swap3A_662 : vector<1x16xi32> to vector<16xi32>
      %swap3A_664 = vector.shape_cast %and3A_658 : vector<16xi32> to vector<1x16xi32>
      tpu.vector_store %arg7[%swap3A_660, %swap3A_661], %swap3A_664 {strides = array<i32>} : memref<2x128xi32, #tpu.memory_space<vmem>>, vector<1x16xi32>,
      %get3A_665 = arith.constant 0 : i32
      %get3A_666 = arith.index_cast %get3A_665 : i32 to index
      %get3A_667 = arith.constant 48 : index
      %get3A_668 = tpu.vector_load %arg5[%get3A_666, %get3A_667] {strides = array<i32>} : memref<2x128xi32, #tpu.memory_space<vmem>>, vector<1x16xi32>,
      %get3A_669 = vector.shape_cast %get3A_668 : vector<1x16xi32> to vector<16xi32>
      %shift_right_logical3A_670 = arith.constant 14 : i32
      %shift_right_logical3A_671 = vector.broadcast %shift_right_logical3A_670 : i32 to vector<16xi32>
      %shift_right_logical3A_672 = arith.shrui %get3A_669, %shift_right_logical3A_671 : vector<16xi32>
      %swap3A_673 = arith.constant 0 : i32
      %swap3A_674 = arith.index_cast %swap3A_673 : i32 to index
      %swap3A_675 = arith.constant 48 : index
      %swap3A_676 = tpu.vector_load %arg6[%swap3A_674, %swap3A_675] {strides = array<i32>} : memref<2x128xi32, #tpu.memory_space<vmem>>, vector<1x16xi32>,
      %swap3A_677 = vector.shape_cast %swap3A_676 : vector<1x16xi32> to vector<16xi32>
      %swap3A_678 = vector.shape_cast %shift_right_logical3A_672 : vector<16xi32> to vector<1x16xi32>
      tpu.vector_store %arg6[%swap3A_674, %swap3A_675], %swap3A_678 {strides = array<i32>} : memref<2x128xi32, #tpu.memory_space<vmem>>, vector<1x16xi32>,
      %and3A_679 = arith.andi %get3A_669, %broadcast_in_dim3A_61 : vector<16xi32>
      %swap3A_680 = arith.constant 0 : i32
      %swap3A_681 = arith.index_cast %swap3A_680 : i32 to index
      %swap3A_682 = arith.constant 48 : index
      %swap3A_683 = tpu.vector_load %arg7[%swap3A_681, %swap3A_682] {strides = array<i32>} : memref<2x128xi32, #tpu.memory_space<vmem>>, vector<1x16xi32>,
      %swap3A_684 = vector.shape_cast %swap3A_683 : vector<1x16xi32> to vector<16xi32>
      %swap3A_685 = vector.shape_cast %and3A_679 : vector<16xi32> to vector<1x16xi32>
      tpu.vector_store %arg7[%swap3A_681, %swap3A_682], %swap3A_685 {strides = array<i32>} : memref<2x128xi32, #tpu.memory_space<vmem>>, vector<1x16xi32>,
      %get3A_686 = arith.constant 0 : i32
      %get3A_687 = arith.index_cast %get3A_686 : i32 to index
      %get3A_688 = arith.constant 64 : index
      %get3A_689 = tpu.vector_load %arg5[%get3A_687, %get3A_688] {strides = array<i32>} : memref<2x128xi32, #tpu.memory_space<vmem>>, vector<1x16xi32>,
      %get3A_690 = vector.shape_cast %get3A_689 : vector<1x16xi32> to vector<16xi32>
      %shift_right_logical3A_691 = arith.constant 14 : i32
      %shift_right_logical3A_692 = vector.broadcast %shift_right_logical3A_691 : i32 to vector<16xi32>
      %shift_right_logical3A_693 = arith.shrui %get3A_690, %shift_right_logical3A_692 : vector<16xi32>
      %swap3A_694 = arith.constant 0 : i32
      %swap3A_695 = arith.index_cast %swap3A_694 : i32 to index
      %swap3A_696 = arith.constant 64 : index
      %swap3A_697 = tpu.vector_load %arg6[%swap3A_695, %swap3A_696] {strides = array<i32>} : memref<2x128xi32, #tpu.memory_space<vmem>>, vector<1x16xi32>,
      %swap3A_698 = vector.shape_cast %swap3A_697 : vector<1x16xi32> to vector<16xi32>
      %swap3A_699 = vector.shape_cast %shift_right_logical3A_693 : vector<16xi32> to vector<1x16xi32>
      tpu.vector_store %arg6[%swap3A_695, %swap3A_696], %swap3A_699 {strides = array<i32>} : memref<2x128xi32, #tpu.memory_space<vmem>>, vector<1x16xi32>,
      %and3A_700 = arith.andi %get3A_690, %broadcast_in_dim3A_61 : vector<16xi32>
      %swap3A_701 = arith.constant 0 : i32
      %swap3A_702 = arith.index_cast %swap3A_701 : i32 to index
      %swap3A_703 = arith.constant 64 : index
      %swap3A_704 = tpu.vector_load %arg7[%swap3A_702, %swap3A_703] {strides = array<i32>} : memref<2x128xi32, #tpu.memory_space<vmem>>, vector<1x16xi32>,
      %swap3A_705 = vector.shape_cast %swap3A_704 : vector<1x16xi32> to vector<16xi32>
      %swap3A_706 = vector.shape_cast %and3A_700 : vector<16xi32> to vector<1x16xi32>
      tpu.vector_store %arg7[%swap3A_702, %swap3A_703], %swap3A_706 {strides = array<i32>} : memref<2x128xi32, #tpu.memory_space<vmem>>, vector<1x16xi32>,
      %get3A_707 = arith.constant 0 : i32
      %get3A_708 = arith.index_cast %get3A_707 : i32 to index
      %get3A_709 = arith.constant 80 : index
      %get3A_710 = tpu.vector_load %arg5[%get3A_708, %get3A_709] {strides = array<i32>} : memref<2x128xi32, #tpu.memory_space<vmem>>, vector<1x16xi32>,
      %get3A_711 = vector.shape_cast %get3A_710 : vector<1x16xi32> to vector<16xi32>
      %shift_right_logical3A_712 = arith.constant 14 : i32
      %shift_right_logical3A_713 = vector.broadcast %shift_right_logical3A_712 : i32 to vector<16xi32>
      %shift_right_logical3A_714 = arith.shrui %get3A_711, %shift_right_logical3A_713 : vector<16xi32>
      %swap3A_715 = arith.constant 0 : i32
      %swap3A_716 = arith.index_cast %swap3A_715 : i32 to index
      %swap3A_717 = arith.constant 80 : index
      %swap3A_718 = tpu.vector_load %arg6[%swap3A_716, %swap3A_717] {strides = array<i32>} : memref<2x128xi32, #tpu.memory_space<vmem>>, vector<1x16xi32>,
      %swap3A_719 = vector.shape_cast %swap3A_718 : vector<1x16xi32> to vector<16xi32>
      %swap3A_720 = vector.shape_cast %shift_right_logical3A_714 : vector<16xi32> to vector<1x16xi32>
      tpu.vector_store %arg6[%swap3A_716, %swap3A_717], %swap3A_720 {strides = array<i32>} : memref<2x128xi32, #tpu.memory_space<vmem>>, vector<1x16xi32>,
      %and3A_721 = arith.andi %get3A_711, %broadcast_in_dim3A_61 : vector<16xi32>
      %swap3A_722 = arith.constant 0 : i32
      %swap3A_723 = arith.index_cast %swap3A_722 : i32 to index
      %swap3A_724 = arith.constant 80 : index
      %swap3A_725 = tpu.vector_load %arg7[%swap3A_723, %swap3A_724] {strides = array<i32>} : memref<2x128xi32, #tpu.memory_space<vmem>>, vector<1x16xi32>,
      %swap3A_726 = vector.shape_cast %swap3A_725 : vector<1x16xi32> to vector<16xi32>
      %swap3A_727 = vector.shape_cast %and3A_721 : vector<16xi32> to vector<1x16xi32>
      tpu.vector_store %arg7[%swap3A_723, %swap3A_724], %swap3A_727 {strides = array<i32>} : memref<2x128xi32, #tpu.memory_space<vmem>>, vector<1x16xi32>,
      %get3A_728 = arith.constant 0 : i32
      %get3A_729 = arith.index_cast %get3A_728 : i32 to index
      %get3A_730 = arith.constant 96 : index
      %get3A_731 = tpu.vector_load %arg5[%get3A_729, %get3A_730] {strides = array<i32>} : memref<2x128xi32, #tpu.memory_space<vmem>>, vector<1x16xi32>,
      %get3A_732 = vector.shape_cast %get3A_731 : vector<1x16xi32> to vector<16xi32>
      %shift_right_logical3A_733 = arith.constant 14 : i32
      %shift_right_logical3A_734 = vector.broadcast %shift_right_logical3A_733 : i32 to vector<16xi32>
      %shift_right_logical3A_735 = arith.shrui %get3A_732, %shift_right_logical3A_734 : vector<16xi32>
      %swap3A_736 = arith.constant 0 : i32
      %swap3A_737 = arith.index_cast %swap3A_736 : i32 to index
      %swap3A_738 = arith.constant 96 : index
      %swap3A_739 = tpu.vector_load %arg6[%swap3A_737, %swap3A_738] {strides = array<i32>} : memref<2x128xi32, #tpu.memory_space<vmem>>, vector<1x16xi32>,
      %swap3A_740 = vector.shape_cast %swap3A_739 : vector<1x16xi32> to vector<16xi32>
      %swap3A_741 = vector.shape_cast %shift_right_logical3A_735 : vector<16xi32> to vector<1x16xi32>
      tpu.vector_store %arg6[%swap3A_737, %swap3A_738], %swap3A_741 {strides = array<i32>} : memref<2x128xi32, #tpu.memory_space<vmem>>, vector<1x16xi32>,
      %and3A_742 = arith.andi %get3A_732, %broadcast_in_dim3A_61 : vector<16xi32>
      %swap3A_743 = arith.constant 0 : i32
      %swap3A_744 = arith.index_cast %swap3A_743 : i32 to index
      %swap3A_745 = arith.constant 96 : index
      %swap3A_746 = tpu.vector_load %arg7[%swap3A_744, %swap3A_745] {strides = array<i32>} : memref<2x128xi32, #tpu.memory_space<vmem>>, vector<1x16xi32>,
      %swap3A_747 = vector.shape_cast %swap3A_746 : vector<1x16xi32> to vector<16xi32>
      %swap3A_748 = vector.shape_cast %and3A_742 : vector<16xi32> to vector<1x16xi32>
      tpu.vector_store %arg7[%swap3A_744, %swap3A_745], %swap3A_748 {strides = array<i32>} : memref<2x128xi32, #tpu.memory_space<vmem>>, vector<1x16xi32>,
      %get3A_749 = arith.constant 0 : i32
      %get3A_750 = arith.index_cast %get3A_749 : i32 to index
      %get3A_751 = arith.constant 112 : index
      %get3A_752 = tpu.vector_load %arg5[%get3A_750, %get3A_751] {strides = array<i32>} : memref<2x128xi32, #tpu.memory_space<vmem>>, vector<1x16xi32>,
      %get3A_753 = vector.shape_cast %get3A_752 : vector<1x16xi32> to vector<16xi32>
      %shift_right_logical3A_754 = arith.constant 14 : i32
      %shift_right_logical3A_755 = vector.broadcast %shift_right_logical3A_754 : i32 to vector<16xi32>
      %shift_right_logical3A_756 = arith.shrui %get3A_753, %shift_right_logical3A_755 : vector<16xi32>
      %swap3A_757 = arith.constant 0 : i32
      %swap3A_758 = arith.index_cast %swap3A_757 : i32 to index
      %swap3A_759 = arith.constant 112 : index
      %swap3A_760 = tpu.vector_load %arg6[%swap3A_758, %swap3A_759] {strides = array<i32>} : memref<2x128xi32, #tpu.memory_space<vmem>>, vector<1x16xi32>,
      %swap3A_761 = vector.shape_cast %swap3A_760 : vector<1x16xi32> to vector<16xi32>
      %swap3A_762 = vector.shape_cast %shift_right_logical3A_756 : vector<16xi32> to vector<1x16xi32>
      tpu.vector_store %arg6[%swap3A_758, %swap3A_759], %swap3A_762 {strides = array<i32>} : memref<2x128xi32, #tpu.memory_space<vmem>>, vector<1x16xi32>,
      %and3A_763 = arith.andi %get3A_753, %broadcast_in_dim3A_61 : vector<16xi32>
      %swap3A_764 = arith.constant 0 : i32
      %swap3A_765 = arith.index_cast %swap3A_764 : i32 to index
      %swap3A_766 = arith.constant 112 : index
      %swap3A_767 = tpu.vector_load %arg7[%swap3A_765, %swap3A_766] {strides = array<i32>} : memref<2x128xi32, #tpu.memory_space<vmem>>, vector<1x16xi32>,
      %swap3A_768 = vector.shape_cast %swap3A_767 : vector<1x16xi32> to vector<16xi32>
      %swap3A_769 = vector.shape_cast %and3A_763 : vector<16xi32> to vector<1x16xi32>
      tpu.vector_store %arg7[%swap3A_765, %swap3A_766], %swap3A_769 {strides = array<i32>} : memref<2x128xi32, #tpu.memory_space<vmem>>, vector<1x16xi32>,
      %add3A_770 = arith.constant 2 : i32
      %add3A_771 = arith.addi %add3A_588, %add3A_770 : i32
      %min3A = arith.minsi %add3A_771, %sub3A_10 : i32
      %dma_start3A_772 = arith.constant 0 : i32
      %dma_start3A_773 = arith.constant 0 : i32
      %dma_start3A_774 = tpu.memref_slice %arg5[%dma_start3A_772, %dma_start3A_773] : memref<2x128xi32, #tpu.memory_space<vmem>> -> memref<1x128xi32, #tpu.memory_space<vmem>>
      %dma_start3A_775 = tpu.memref_squeeze %dma_start3A_774 : memref<1x128xi32, #tpu.memory_space<vmem>> -> memref<128xi32, #tpu.memory_space<vmem>>
      %dma_start3A_776 = arith.constant 0 : i32
      %dma_start3A_777 = tpu.memref_slice %arg2[%min3A, %dma_start3A_776] : memref<2528x128xi32, #tpu.memory_space<hbm>> -> memref<1x128xi32, #tpu.memory_space<hbm>>
      %dma_start3A_778 = tpu.memref_squeeze %dma_start3A_777 : memref<1x128xi32, #tpu.memory_space<hbm>> -> memref<128xi32, #tpu.memory_space<hbm>>
      %dma_start3A_779 = arith.constant 0 : i32
      %dma_start3A_780 = tpu.memref_slice %arg5[%dma_start3A_772, %dma_start3A_779] : memref<2x128xi32, #tpu.memory_space<vmem>> -> memref<1x128xi32, #tpu.memory_space<vmem>>
      %dma_start3A_781 = tpu.memref_squeeze %dma_start3A_780 : memref<1x128xi32, #tpu.memory_space<vmem>> -> memref<128xi32, #tpu.memory_space<vmem>>
      %dma_start3A_782 = arith.constant 0 : i32
      %dma_start3A_783 = tpu.memref_slice %arg2[%min3A, %dma_start3A_782] : memref<2528x128xi32, #tpu.memory_space<hbm>> -> memref<1x128xi32, #tpu.memory_space<hbm>>
      %dma_start3A_784 = tpu.memref_squeeze %dma_start3A_783 : memref<1x128xi32, #tpu.memory_space<hbm>> -> memref<128xi32, #tpu.memory_space<hbm>>
      tpu.enqueue_dma source(%dma_start3A_784 : memref<128xi32, #tpu.memory_space<hbm>>) target(%dma_start3A_781 : memref<128xi32, #tpu.memory_space<vmem>>) target_semaphore(%arg10 : memref<!tpu.dma_semaphore, #tpu.memory_space<semaphore_mem>>)
      %dma_start3A_785 = arith.constant 0 : i32
      %dma_start3A_786 = arith.constant 0 : i32
      %dma_start3A_787 = arith.constant 0 : i32
      %dma_start3A_788 = arith.constant 0 : i32
      %dma_start3A_789 = tpu.memref_slice %arg8[%dma_start3A_786, %dma_start3A_787, %dma_start3A_788] : memref<2x128x128xf32, #tpu.memory_space<vmem>> -> memref<1x128x128xf32, #tpu.memory_space<vmem>>
      %dma_start3A_790 = tpu.memref_squeeze %dma_start3A_789 : memref<1x128x128xf32, #tpu.memory_space<vmem>> -> memref<128x128xf32, #tpu.memory_space<vmem>>
      %dma_start3A_791 = arith.constant 0 : i32
      %dma_start3A_792 = tpu.memref_slice %arg6[%dma_start3A_785, %dma_start3A_791] : memref<2x128xi32, #tpu.memory_space<vmem>> -> memref<1x128xi32, #tpu.memory_space<vmem>>
      %dma_start3A_793 = tpu.memref_squeeze %dma_start3A_792 : memref<1x128xi32, #tpu.memory_space<vmem>> -> memref<128xi32, #tpu.memory_space<vmem>>
      %dma_start3A_794 = arith.constant 0 : i32
      %dma_start3A_795 = arith.constant 0 : i32
      %dma_start3A_796 = tpu.memref_slice %arg3[%dma_start3A_794, %dma_start3A_795] : memref<80000x128xf32, #tpu.memory_space<hbm>> -> memref<80000x128xf32, #tpu.memory_space<hbm>>
      tpu.enqueue_indirect_dma source(%dma_start3A_796 : memref<80000x128xf32, #tpu.memory_space<hbm>>) target(%dma_start3A_790 : memref<128x128xf32, #tpu.memory_space<vmem>>) offsets(%dma_start3A_793 : memref<128xi32, #tpu.memory_space<vmem>>) semaphore(%arg12 : memref<!tpu.dma_semaphore, #tpu.memory_space<semaphore_mem>>)
      %dma_wait3A_797 = arith.constant 1 : i32
      %dma_wait3A_798 = arith.constant 1 : i32
      %dma_wait3A_799 = arith.constant 0 : i32
      %dma_wait3A_800 = arith.constant 0 : i32
      %dma_wait3A_801 = tpu.memref_slice %arg8[%dma_wait3A_798, %dma_wait3A_799, %dma_wait3A_800] : memref<2x128x128xf32, #tpu.memory_space<vmem>> -> memref<1x128x128xf32, #tpu.memory_space<vmem>>
      %dma_wait3A_802 = tpu.memref_squeeze %dma_wait3A_801 : memref<1x128x128xf32, #tpu.memory_space<vmem>> -> memref<128x128xf32, #tpu.memory_space<vmem>>
      %dma_wait3A_803 = arith.constant 0 : i32
      %dma_wait3A_804 = tpu.memref_slice %arg6[%dma_wait3A_797, %dma_wait3A_803] : memref<2x128xi32, #tpu.memory_space<vmem>> -> memref<1x128xi32, #tpu.memory_space<vmem>>
      %dma_wait3A_805 = tpu.memref_squeeze %dma_wait3A_804 : memref<1x128xi32, #tpu.memory_space<vmem>> -> memref<128xi32, #tpu.memory_space<vmem>>
      %dma_wait3A_806 = arith.constant 0 : i32
      %dma_wait3A_807 = arith.constant 0 : i32
      %dma_wait3A_808 = tpu.memref_slice %arg3[%dma_wait3A_806, %dma_wait3A_807] : memref<80000x128xf32, #tpu.memory_space<hbm>> -> memref<80000x128xf32, #tpu.memory_space<hbm>>
      tpu.wait_indirect_dma semaphore(%arg13 : memref<!tpu.dma_semaphore, #tpu.memory_space<semaphore_mem>>) src(%dma_wait3A_808 : memref<80000x128xf32, #tpu.memory_space<hbm>>) dst(%dma_wait3A_802 : memref<128x128xf32, #tpu.memory_space<vmem>>)
      %run_scoped3A_809 = arith.constant 1 : i32
      %run_scoped3A_810 = arith.constant 1 : i32
      "tpu.region"() ({
        %run_scoped3A_1024 = tpu.sem_alloc : memref<!tpu.dma_semaphore, #tpu.memory_space<semaphore_mem>>
        %dma_start3A_1025 = arith.constant 0 : i32
        %dma_start3A_1026 = arith.constant 0 : i32
        %dma_start3A_1027 = tpu.memref_slice %arg8[%run_scoped3A_809, %dma_start3A_1025, %dma_start3A_1026] : memref<2x128x128xf32, #tpu.memory_space<vmem>> -> memref<1x128x128xf32, #tpu.memory_space<vmem>>
        %dma_start3A_1028 = tpu.memref_squeeze %dma_start3A_1027 : memref<1x128x128xf32, #tpu.memory_space<vmem>> -> memref<128x128xf32, #tpu.memory_space<vmem>>
        %dma_start3A_1029 = arith.constant 0 : i32
        %dma_start3A_1030 = tpu.memref_slice %arg7[%run_scoped3A_810, %dma_start3A_1029] : memref<2x128xi32, #tpu.memory_space<vmem>> -> memref<1x128xi32, #tpu.memory_space<vmem>>
        %dma_start3A_1031 = tpu.memref_squeeze %dma_start3A_1030 : memref<1x128xi32, #tpu.memory_space<vmem>> -> memref<128xi32, #tpu.memory_space<vmem>>
        %dma_start3A_1032 = arith.constant 0 : i32
        %dma_start3A_1033 = arith.constant 0 : i32
        %dma_start3A_1034 = tpu.memref_slice %arg9[%dma_start3A_1032, %dma_start3A_1033] : memref<10240x128xf32, #tpu.memory_space<vmem_shared>> -> memref<10240x128xf32, #tpu.memory_space<vmem_shared>>
        tpu.enqueue_indirect_dma source(%dma_start3A_1028 : memref<128x128xf32, #tpu.memory_space<vmem>>) target(%dma_start3A_1034 : memref<10240x128xf32, #tpu.memory_space<vmem_shared>>) offsets(%dma_start3A_1031 : memref<128xi32, #tpu.memory_space<vmem>>) semaphore(%run_scoped3A_1024 : memref<!tpu.dma_semaphore, #tpu.memory_space<semaphore_mem>>) {add = true}
        %dma_wait3A_1035 = arith.constant 0 : i32
        %dma_wait3A_1036 = arith.constant 0 : i32
        %dma_wait3A_1037 = tpu.memref_slice %arg8[%run_scoped3A_809, %dma_wait3A_1035, %dma_wait3A_1036] : memref<2x128x128xf32, #tpu.memory_space<vmem>> -> memref<1x128x128xf32, #tpu.memory_space<vmem>>
        %dma_wait3A_1038 = tpu.memref_squeeze %dma_wait3A_1037 : memref<1x128x128xf32, #tpu.memory_space<vmem>> -> memref<128x128xf32, #tpu.memory_space<vmem>>
        %dma_wait3A_1039 = arith.constant 0 : i32
        %dma_wait3A_1040 = tpu.memref_slice %arg7[%run_scoped3A_810, %dma_wait3A_1039] : memref<2x128xi32, #tpu.memory_space<vmem>> -> memref<1x128xi32, #tpu.memory_space<vmem>>
        %dma_wait3A_1041 = tpu.memref_squeeze %dma_wait3A_1040 : memref<1x128xi32, #tpu.memory_space<vmem>> -> memref<128xi32, #tpu.memory_space<vmem>>
        %dma_wait3A_1042 = arith.constant 0 : i32
        %dma_wait3A_1043 = arith.constant 0 : i32
        %dma_wait3A_1044 = tpu.memref_slice %arg9[%dma_wait3A_1042, %dma_wait3A_1043] : memref<10240x128xf32, #tpu.memory_space<vmem_shared>> -> memref<10240x128xf32, #tpu.memory_space<vmem_shared>>
        tpu.wait_indirect_dma semaphore(%run_scoped3A_1024 : memref<!tpu.dma_semaphore, #tpu.memory_space<semaphore_mem>>) src(%dma_wait3A_1038 : memref<128x128xf32, #tpu.memory_space<vmem>>) dst(%dma_wait3A_1044 : memref<10240x128xf32, #tpu.memory_space<vmem_shared>>)
        tpu.yield
      }) : () -> ()
      %add3A_811 = arith.constant 2 : i32
      %add3A_812 = arith.addi %add3A_570, %add3A_811 : i32
      %add3A_813 = arith.constant 1 : i32
      %add3A_814 = arith.addi %add3A_812, %add3A_813 : i32
      %dma_wait3A_815 = arith.constant 1 : i32
      %dma_wait3A_816 = arith.constant 0 : i32
      %dma_wait3A_817 = tpu.memref_slice %arg5[%dma_wait3A_815, %dma_wait3A_816] : memref<2x128xi32, #tpu.memory_space<vmem>> -> memref<1x128xi32, #tpu.memory_space<vmem>>
      %dma_wait3A_818 = tpu.memref_squeeze %dma_wait3A_817 : memref<1x128xi32, #tpu.memory_space<vmem>> -> memref<128xi32, #tpu.memory_space<vmem>>
      %dma_wait3A_819 = arith.constant 0 : i32
      %dma_wait3A_820 = tpu.memref_slice %arg2[%add3A_814, %dma_wait3A_819] : memref<2528x128xi32, #tpu.memory_space<hbm>> -> memref<1x128xi32, #tpu.memory_space<hbm>>
      %dma_wait3A_821 = tpu.memref_squeeze %dma_wait3A_820 : memref<1x128xi32, #tpu.memory_space<hbm>> -> memref<128xi32, #tpu.memory_space<hbm>>
      %dma_wait3A_822 = arith.constant 0 : i32
      %dma_wait3A_823 = tpu.memref_slice %arg5[%dma_wait3A_815, %dma_wait3A_822] : memref<2x128xi32, #tpu.memory_space<vmem>> -> memref<1x128xi32, #tpu.memory_space<vmem>>
      %dma_wait3A_824 = tpu.memref_squeeze %dma_wait3A_823 : memref<1x128xi32, #tpu.memory_space<vmem>> -> memref<128xi32, #tpu.memory_space<vmem>>
      %dma_wait3A_825 = arith.constant 0 : i32
      %dma_wait3A_826 = tpu.memref_slice %arg2[%add3A_814, %dma_wait3A_825] : memref<2528x128xi32, #tpu.memory_space<hbm>> -> memref<1x128xi32, #tpu.memory_space<hbm>>
      %dma_wait3A_827 = tpu.memref_squeeze %dma_wait3A_826 : memref<1x128xi32, #tpu.memory_space<hbm>> -> memref<128xi32, #tpu.memory_space<hbm>>
      tpu.wait_dma2 semaphore(%arg11 : memref<!tpu.dma_semaphore, #tpu.memory_space<semaphore_mem>>) src(%dma_wait3A_827 : memref<128xi32, #tpu.memory_space<hbm>>) dst(%dma_wait3A_824 : memref<128xi32, #tpu.memory_space<vmem>>)
      %get3A_828 = arith.constant 1 : i32
      %get3A_829 = arith.index_cast %get3A_828 : i32 to index
      %get3A_830 = arith.constant 0 : index
      %get3A_831 = tpu.vector_load %arg5[%get3A_829, %get3A_830] {strides = array<i32>} : memref<2x128xi32, #tpu.memory_space<vmem>>, vector<1x16xi32>,
      %get3A_832 = vector.shape_cast %get3A_831 : vector<1x16xi32> to vector<16xi32>
      %shift_right_logical3A_833 = arith.constant 14 : i32
      %shift_right_logical3A_834 = vector.broadcast %shift_right_logical3A_833 : i32 to vector<16xi32>
      %shift_right_logical3A_835 = arith.shrui %get3A_832, %shift_right_logical3A_834 : vector<16xi32>
      %swap3A_836 = arith.constant 1 : i32
      %swap3A_837 = arith.index_cast %swap3A_836 : i32 to index
      %swap3A_838 = arith.constant 0 : index
      %swap3A_839 = tpu.vector_load %arg6[%swap3A_837, %swap3A_838] {strides = array<i32>} : memref<2x128xi32, #tpu.memory_space<vmem>>, vector<1x16xi32>,
      %swap3A_840 = vector.shape_cast %swap3A_839 : vector<1x16xi32> to vector<16xi32>
      %swap3A_841 = vector.shape_cast %shift_right_logical3A_835 : vector<16xi32> to vector<1x16xi32>
      tpu.vector_store %arg6[%swap3A_837, %swap3A_838], %swap3A_841 {strides = array<i32>} : memref<2x128xi32, #tpu.memory_space<vmem>>, vector<1x16xi32>,
      %and3A_842 = arith.andi %get3A_832, %broadcast_in_dim3A_61 : vector<16xi32>
      %swap3A_843 = arith.constant 1 : i32
      %swap3A_844 = arith.index_cast %swap3A_843 : i32 to index
      %swap3A_845 = arith.constant 0 : index
      %swap3A_846 = tpu.vector_load %arg7[%swap3A_844, %swap3A_845] {strides = array<i32>} : memref<2x128xi32, #tpu.memory_space<vmem>>, vector<1x16xi32>,
      %swap3A_847 = vector.shape_cast %swap3A_846 : vector<1x16xi32> to vector<16xi32>
      %swap3A_848 = vector.shape_cast %and3A_842 : vector<16xi32> to vector<1x16xi32>
      tpu.vector_store %arg7[%swap3A_844, %swap3A_845], %swap3A_848 {strides = array<i32>} : memref<2x128xi32, #tpu.memory_space<vmem>>, vector<1x16xi32>,
      %get3A_849 = arith.constant 1 : i32
      %get3A_850 = arith.index_cast %get3A_849 : i32 to index
      %get3A_851 = arith.constant 16 : index
      %get3A_852 = tpu.vector_load %arg5[%get3A_850, %get3A_851] {strides = array<i32>} : memref<2x128xi32, #tpu.memory_space<vmem>>, vector<1x16xi32>,
      %get3A_853 = vector.shape_cast %get3A_852 : vector<1x16xi32> to vector<16xi32>
      %shift_right_logical3A_854 = arith.constant 14 : i32
      %shift_right_logical3A_855 = vector.broadcast %shift_right_logical3A_854 : i32 to vector<16xi32>
      %shift_right_logical3A_856 = arith.shrui %get3A_853, %shift_right_logical3A_855 : vector<16xi32>
      %swap3A_857 = arith.constant 1 : i32
      %swap3A_858 = arith.index_cast %swap3A_857 : i32 to index
      %swap3A_859 = arith.constant 16 : index
      %swap3A_860 = tpu.vector_load %arg6[%swap3A_858, %swap3A_859] {strides = array<i32>} : memref<2x128xi32, #tpu.memory_space<vmem>>, vector<1x16xi32>,
      %swap3A_861 = vector.shape_cast %swap3A_860 : vector<1x16xi32> to vector<16xi32>
      %swap3A_862 = vector.shape_cast %shift_right_logical3A_856 : vector<16xi32> to vector<1x16xi32>
      tpu.vector_store %arg6[%swap3A_858, %swap3A_859], %swap3A_862 {strides = array<i32>} : memref<2x128xi32, #tpu.memory_space<vmem>>, vector<1x16xi32>,
      %and3A_863 = arith.andi %get3A_853, %broadcast_in_dim3A_61 : vector<16xi32>
      %swap3A_864 = arith.constant 1 : i32
      %swap3A_865 = arith.index_cast %swap3A_864 : i32 to index
      %swap3A_866 = arith.constant 16 : index
      %swap3A_867 = tpu.vector_load %arg7[%swap3A_865, %swap3A_866] {strides = array<i32>} : memref<2x128xi32, #tpu.memory_space<vmem>>, vector<1x16xi32>,
      %swap3A_868 = vector.shape_cast %swap3A_867 : vector<1x16xi32> to vector<16xi32>
      %swap3A_869 = vector.shape_cast %and3A_863 : vector<16xi32> to vector<1x16xi32>
      tpu.vector_store %arg7[%swap3A_865, %swap3A_866], %swap3A_869 {strides = array<i32>} : memref<2x128xi32, #tpu.memory_space<vmem>>, vector<1x16xi32>,
      %get3A_870 = arith.constant 1 : i32
      %get3A_871 = arith.index_cast %get3A_870 : i32 to index
      %get3A_872 = arith.constant 32 : index
      %get3A_873 = tpu.vector_load %arg5[%get3A_871, %get3A_872] {strides = array<i32>} : memref<2x128xi32, #tpu.memory_space<vmem>>, vector<1x16xi32>,
      %get3A_874 = vector.shape_cast %get3A_873 : vector<1x16xi32> to vector<16xi32>
      %shift_right_logical3A_875 = arith.constant 14 : i32
      %shift_right_logical3A_876 = vector.broadcast %shift_right_logical3A_875 : i32 to vector<16xi32>
      %shift_right_logical3A_877 = arith.shrui %get3A_874, %shift_right_logical3A_876 : vector<16xi32>
      %swap3A_878 = arith.constant 1 : i32
      %swap3A_879 = arith.index_cast %swap3A_878 : i32 to index
      %swap3A_880 = arith.constant 32 : index
      %swap3A_881 = tpu.vector_load %arg6[%swap3A_879, %swap3A_880] {strides = array<i32>} : memref<2x128xi32, #tpu.memory_space<vmem>>, vector<1x16xi32>,
      %swap3A_882 = vector.shape_cast %swap3A_881 : vector<1x16xi32> to vector<16xi32>
      %swap3A_883 = vector.shape_cast %shift_right_logical3A_877 : vector<16xi32> to vector<1x16xi32>
      tpu.vector_store %arg6[%swap3A_879, %swap3A_880], %swap3A_883 {strides = array<i32>} : memref<2x128xi32, #tpu.memory_space<vmem>>, vector<1x16xi32>,
      %and3A_884 = arith.andi %get3A_874, %broadcast_in_dim3A_61 : vector<16xi32>
      %swap3A_885 = arith.constant 1 : i32
      %swap3A_886 = arith.index_cast %swap3A_885 : i32 to index
      %swap3A_887 = arith.constant 32 : index
      %swap3A_888 = tpu.vector_load %arg7[%swap3A_886, %swap3A_887] {strides = array<i32>} : memref<2x128xi32, #tpu.memory_space<vmem>>, vector<1x16xi32>,
      %swap3A_889 = vector.shape_cast %swap3A_888 : vector<1x16xi32> to vector<16xi32>
      %swap3A_890 = vector.shape_cast %and3A_884 : vector<16xi32> to vector<1x16xi32>
      tpu.vector_store %arg7[%swap3A_886, %swap3A_887], %swap3A_890 {strides = array<i32>} : memref<2x128xi32, #tpu.memory_space<vmem>>, vector<1x16xi32>,
      %get3A_891 = arith.constant 1 : i32
      %get3A_892 = arith.index_cast %get3A_891 : i32 to index
      %get3A_893 = arith.constant 48 : index
      %get3A_894 = tpu.vector_load %arg5[%get3A_892, %get3A_893] {strides = array<i32>} : memref<2x128xi32, #tpu.memory_space<vmem>>, vector<1x16xi32>,
      %get3A_895 = vector.shape_cast %get3A_894 : vector<1x16xi32> to vector<16xi32>
      %shift_right_logical3A_896 = arith.constant 14 : i32
      %shift_right_logical3A_897 = vector.broadcast %shift_right_logical3A_896 : i32 to vector<16xi32>
      %shift_right_logical3A_898 = arith.shrui %get3A_895, %shift_right_logical3A_897 : vector<16xi32>
      %swap3A_899 = arith.constant 1 : i32
      %swap3A_900 = arith.index_cast %swap3A_899 : i32 to index
      %swap3A_901 = arith.constant 48 : index
      %swap3A_902 = tpu.vector_load %arg6[%swap3A_900, %swap3A_901] {strides = array<i32>} : memref<2x128xi32, #tpu.memory_space<vmem>>, vector<1x16xi32>,
      %swap3A_903 = vector.shape_cast %swap3A_902 : vector<1x16xi32> to vector<16xi32>
      %swap3A_904 = vector.shape_cast %shift_right_logical3A_898 : vector<16xi32> to vector<1x16xi32>
      tpu.vector_store %arg6[%swap3A_900, %swap3A_901], %swap3A_904 {strides = array<i32>} : memref<2x128xi32, #tpu.memory_space<vmem>>, vector<1x16xi32>,
      %and3A_905 = arith.andi %get3A_895, %broadcast_in_dim3A_61 : vector<16xi32>
      %swap3A_906 = arith.constant 1 : i32
      %swap3A_907 = arith.index_cast %swap3A_906 : i32 to index
      %swap3A_908 = arith.constant 48 : index
      %swap3A_909 = tpu.vector_load %arg7[%swap3A_907, %swap3A_908] {strides = array<i32>} : memref<2x128xi32, #tpu.memory_space<vmem>>, vector<1x16xi32>,
      %swap3A_910 = vector.shape_cast %swap3A_909 : vector<1x16xi32> to vector<16xi32>
      %swap3A_911 = vector.shape_cast %and3A_905 : vector<16xi32> to vector<1x16xi32>
      tpu.vector_store %arg7[%swap3A_907, %swap3A_908], %swap3A_911 {strides = array<i32>} : memref<2x128xi32, #tpu.memory_space<vmem>>, vector<1x16xi32>,
      %get3A_912 = arith.constant 1 : i32
      %get3A_913 = arith.index_cast %get3A_912 : i32 to index
      %get3A_914 = arith.constant 64 : index
      %get3A_915 = tpu.vector_load %arg5[%get3A_913, %get3A_914] {strides = array<i32>} : memref<2x128xi32, #tpu.memory_space<vmem>>, vector<1x16xi32>,
      %get3A_916 = vector.shape_cast %get3A_915 : vector<1x16xi32> to vector<16xi32>
      %shift_right_logical3A_917 = arith.constant 14 : i32
      %shift_right_logical3A_918 = vector.broadcast %shift_right_logical3A_917 : i32 to vector<16xi32>
      %shift_right_logical3A_919 = arith.shrui %get3A_916, %shift_right_logical3A_918 : vector<16xi32>
      %swap3A_920 = arith.constant 1 : i32
      %swap3A_921 = arith.index_cast %swap3A_920 : i32 to index
      %swap3A_922 = arith.constant 64 : index
      %swap3A_923 = tpu.vector_load %arg6[%swap3A_921, %swap3A_922] {strides = array<i32>} : memref<2x128xi32, #tpu.memory_space<vmem>>, vector<1x16xi32>,
      %swap3A_924 = vector.shape_cast %swap3A_923 : vector<1x16xi32> to vector<16xi32>
      %swap3A_925 = vector.shape_cast %shift_right_logical3A_919 : vector<16xi32> to vector<1x16xi32>
      tpu.vector_store %arg6[%swap3A_921, %swap3A_922], %swap3A_925 {strides = array<i32>} : memref<2x128xi32, #tpu.memory_space<vmem>>, vector<1x16xi32>,
      %and3A_926 = arith.andi %get3A_916, %broadcast_in_dim3A_61 : vector<16xi32>
      %swap3A_927 = arith.constant 1 : i32
      %swap3A_928 = arith.index_cast %swap3A_927 : i32 to index
      %swap3A_929 = arith.constant 64 : index
      %swap3A_930 = tpu.vector_load %arg7[%swap3A_928, %swap3A_929] {strides = array<i32>} : memref<2x128xi32, #tpu.memory_space<vmem>>, vector<1x16xi32>,
      %swap3A_931 = vector.shape_cast %swap3A_930 : vector<1x16xi32> to vector<16xi32>
      %swap3A_932 = vector.shape_cast %and3A_926 : vector<16xi32> to vector<1x16xi32>
      tpu.vector_store %arg7[%swap3A_928, %swap3A_929], %swap3A_932 {strides = array<i32>} : memref<2x128xi32, #tpu.memory_space<vmem>>, vector<1x16xi32>,
      %get3A_933 = arith.constant 1 : i32
      %get3A_934 = arith.index_cast %get3A_933 : i32 to index
      %get3A_935 = arith.constant 80 : index
      %get3A_936 = tpu.vector_load %arg5[%get3A_934, %get3A_935] {strides = array<i32>} : memref<2x128xi32, #tpu.memory_space<vmem>>, vector<1x16xi32>,
      %get3A_937 = vector.shape_cast %get3A_936 : vector<1x16xi32> to vector<16xi32>
      %shift_right_logical3A_938 = arith.constant 14 : i32
      %shift_right_logical3A_939 = vector.broadcast %shift_right_logical3A_938 : i32 to vector<16xi32>
      %shift_right_logical3A_940 = arith.shrui %get3A_937, %shift_right_logical3A_939 : vector<16xi32>
      %swap3A_941 = arith.constant 1 : i32
      %swap3A_942 = arith.index_cast %swap3A_941 : i32 to index
      %swap3A_943 = arith.constant 80 : index
      %swap3A_944 = tpu.vector_load %arg6[%swap3A_942, %swap3A_943] {strides = array<i32>} : memref<2x128xi32, #tpu.memory_space<vmem>>, vector<1x16xi32>,
      %swap3A_945 = vector.shape_cast %swap3A_944 : vector<1x16xi32> to vector<16xi32>
      %swap3A_946 = vector.shape_cast %shift_right_logical3A_940 : vector<16xi32> to vector<1x16xi32>
      tpu.vector_store %arg6[%swap3A_942, %swap3A_943], %swap3A_946 {strides = array<i32>} : memref<2x128xi32, #tpu.memory_space<vmem>>, vector<1x16xi32>,
      %and3A_947 = arith.andi %get3A_937, %broadcast_in_dim3A_61 : vector<16xi32>
      %swap3A_948 = arith.constant 1 : i32
      %swap3A_949 = arith.index_cast %swap3A_948 : i32 to index
      %swap3A_950 = arith.constant 80 : index
      %swap3A_951 = tpu.vector_load %arg7[%swap3A_949, %swap3A_950] {strides = array<i32>} : memref<2x128xi32, #tpu.memory_space<vmem>>, vector<1x16xi32>,
      %swap3A_952 = vector.shape_cast %swap3A_951 : vector<1x16xi32> to vector<16xi32>
      %swap3A_953 = vector.shape_cast %and3A_947 : vector<16xi32> to vector<1x16xi32>
      tpu.vector_store %arg7[%swap3A_949, %swap3A_950], %swap3A_953 {strides = array<i32>} : memref<2x128xi32, #tpu.memory_space<vmem>>, vector<1x16xi32>,
      %get3A_954 = arith.constant 1 : i32
      %get3A_955 = arith.index_cast %get3A_954 : i32 to index
      %get3A_956 = arith.constant 96 : index
      %get3A_957 = tpu.vector_load %arg5[%get3A_955, %get3A_956] {strides = array<i32>} : memref<2x128xi32, #tpu.memory_space<vmem>>, vector<1x16xi32>,
      %get3A_958 = vector.shape_cast %get3A_957 : vector<1x16xi32> to vector<16xi32>
      %shift_right_logical3A_959 = arith.constant 14 : i32
      %shift_right_logical3A_960 = vector.broadcast %shift_right_logical3A_959 : i32 to vector<16xi32>
      %shift_right_logical3A_961 = arith.shrui %get3A_958, %shift_right_logical3A_960 : vector<16xi32>
      %swap3A_962 = arith.constant 1 : i32
      %swap3A_963 = arith.index_cast %swap3A_962 : i32 to index
      %swap3A_964 = arith.constant 96 : index
      %swap3A_965 = tpu.vector_load %arg6[%swap3A_963, %swap3A_964] {strides = array<i32>} : memref<2x128xi32, #tpu.memory_space<vmem>>, vector<1x16xi32>,
      %swap3A_966 = vector.shape_cast %swap3A_965 : vector<1x16xi32> to vector<16xi32>
      %swap3A_967 = vector.shape_cast %shift_right_logical3A_961 : vector<16xi32> to vector<1x16xi32>
      tpu.vector_store %arg6[%swap3A_963, %swap3A_964], %swap3A_967 {strides = array<i32>} : memref<2x128xi32, #tpu.memory_space<vmem>>, vector<1x16xi32>,
      %and3A_968 = arith.andi %get3A_958, %broadcast_in_dim3A_61 : vector<16xi32>
      %swap3A_969 = arith.constant 1 : i32
      %swap3A_970 = arith.index_cast %swap3A_969 : i32 to index
      %swap3A_971 = arith.constant 96 : index
      %swap3A_972 = tpu.vector_load %arg7[%swap3A_970, %swap3A_971] {strides = array<i32>} : memref<2x128xi32, #tpu.memory_space<vmem>>, vector<1x16xi32>,
      %swap3A_973 = vector.shape_cast %swap3A_972 : vector<1x16xi32> to vector<16xi32>
      %swap3A_974 = vector.shape_cast %and3A_968 : vector<16xi32> to vector<1x16xi32>
      tpu.vector_store %arg7[%swap3A_970, %swap3A_971], %swap3A_974 {strides = array<i32>} : memref<2x128xi32, #tpu.memory_space<vmem>>, vector<1x16xi32>,
      %get3A_975 = arith.constant 1 : i32
      %get3A_976 = arith.index_cast %get3A_975 : i32 to index
      %get3A_977 = arith.constant 112 : index
      %get3A_978 = tpu.vector_load %arg5[%get3A_976, %get3A_977] {strides = array<i32>} : memref<2x128xi32, #tpu.memory_space<vmem>>, vector<1x16xi32>,
      %get3A_979 = vector.shape_cast %get3A_978 : vector<1x16xi32> to vector<16xi32>
      %shift_right_logical3A_980 = arith.constant 14 : i32
      %shift_right_logical3A_981 = vector.broadcast %shift_right_logical3A_980 : i32 to vector<16xi32>
      %shift_right_logical3A_982 = arith.shrui %get3A_979, %shift_right_logical3A_981 : vector<16xi32>
      %swap3A_983 = arith.constant 1 : i32
      %swap3A_984 = arith.index_cast %swap3A_983 : i32 to index
      %swap3A_985 = arith.constant 112 : index
      %swap3A_986 = tpu.vector_load %arg6[%swap3A_984, %swap3A_985] {strides = array<i32>} : memref<2x128xi32, #tpu.memory_space<vmem>>, vector<1x16xi32>,
      %swap3A_987 = vector.shape_cast %swap3A_986 : vector<1x16xi32> to vector<16xi32>
      %swap3A_988 = vector.shape_cast %shift_right_logical3A_982 : vector<16xi32> to vector<1x16xi32>
      tpu.vector_store %arg6[%swap3A_984, %swap3A_985], %swap3A_988 {strides = array<i32>} : memref<2x128xi32, #tpu.memory_space<vmem>>, vector<1x16xi32>,
      %and3A_989 = arith.andi %get3A_979, %broadcast_in_dim3A_61 : vector<16xi32>
      %swap3A_990 = arith.constant 1 : i32
      %swap3A_991 = arith.index_cast %swap3A_990 : i32 to index
      %swap3A_992 = arith.constant 112 : index
      %swap3A_993 = tpu.vector_load %arg7[%swap3A_991, %swap3A_992] {strides = array<i32>} : memref<2x128xi32, #tpu.memory_space<vmem>>, vector<1x16xi32>,
      %swap3A_994 = vector.shape_cast %swap3A_993 : vector<1x16xi32> to vector<16xi32>
      %swap3A_995 = vector.shape_cast %and3A_989 : vector<16xi32> to vector<1x16xi32>
      tpu.vector_store %arg7[%swap3A_991, %swap3A_992], %swap3A_995 {strides = array<i32>} : memref<2x128xi32, #tpu.memory_space<vmem>>, vector<1x16xi32>,
      %add3A_996 = arith.constant 2 : i32
      %add3A_997 = arith.addi %add3A_814, %add3A_996 : i32
      %min3A_998 = arith.minsi %add3A_997, %sub3A_10 : i32
      %dma_start3A_999 = arith.constant 1 : i32
      %dma_start3A_1000 = arith.constant 0 : i32
      %dma_start3A_1001 = tpu.memref_slice %arg5[%dma_start3A_999, %dma_start3A_1000] : memref<2x128xi32, #tpu.memory_space<vmem>> -> memref<1x128xi32, #tpu.memory_space<vmem>>
      %dma_start3A_1002 = tpu.memref_squeeze %dma_start3A_1001 : memref<1x128xi32, #tpu.memory_space<vmem>> -> memref<128xi32, #tpu.memory_space<vmem>>
      %dma_start3A_1003 = arith.constant 0 : i32
      %dma_start3A_1004 = tpu.memref_slice %arg2[%min3A_998, %dma_start3A_1003] : memref<2528x128xi32, #tpu.memory_space<hbm>> -> memref<1x128xi32, #tpu.memory_space<hbm>>
      %dma_start3A_1005 = tpu.memref_squeeze %dma_start3A_1004 : memref<1x128xi32, #tpu.memory_space<hbm>> -> memref<128xi32, #tpu.memory_space<hbm>>
      %dma_start3A_1006 = arith.constant 0 : i32
      %dma_start3A_1007 = tpu.memref_slice %arg5[%dma_start3A_999, %dma_start3A_1006] : memref<2x128xi32, #tpu.memory_space<vmem>> -> memref<1x128xi32, #tpu.memory_space<vmem>>
      %dma_start3A_1008 = tpu.memref_squeeze %dma_start3A_1007 : memref<1x128xi32, #tpu.memory_space<vmem>> -> memref<128xi32, #tpu.memory_space<vmem>>
      %dma_start3A_1009 = arith.constant 0 : i32
      %dma_start3A_1010 = tpu.memref_slice %arg2[%min3A_998, %dma_start3A_1009] : memref<2528x128xi32, #tpu.memory_space<hbm>> -> memref<1x128xi32, #tpu.memory_space<hbm>>
      %dma_start3A_1011 = tpu.memref_squeeze %dma_start3A_1010 : memref<1x128xi32, #tpu.memory_space<hbm>> -> memref<128xi32, #tpu.memory_space<hbm>>
      tpu.enqueue_dma source(%dma_start3A_1011 : memref<128xi32, #tpu.memory_space<hbm>>) target(%dma_start3A_1008 : memref<128xi32, #tpu.memory_space<vmem>>) target_semaphore(%arg11 : memref<!tpu.dma_semaphore, #tpu.memory_space<semaphore_mem>>)
      %dma_start3A_1012 = arith.constant 1 : i32
      %dma_start3A_1013 = arith.constant 1 : i32
      %dma_start3A_1014 = arith.constant 0 : i32
      %dma_start3A_1015 = arith.constant 0 : i32
      %dma_start3A_1016 = tpu.memref_slice %arg8[%dma_start3A_1013, %dma_start3A_1014, %dma_start3A_1015] : memref<2x128x128xf32, #tpu.memory_space<vmem>> -> memref<1x128x128xf32, #tpu.memory_space<vmem>>
      %dma_start3A_1017 = tpu.memref_squeeze %dma_start3A_1016 : memref<1x128x128xf32, #tpu.memory_space<vmem>> -> memref<128x128xf32, #tpu.memory_space<vmem>>
      %dma_start3A_1018 = arith.constant 0 : i32
      %dma_start3A_1019 = tpu.memref_slice %arg6[%dma_start3A_1012, %dma_start3A_1018] : memref<2x128xi32, #tpu.memory_space<vmem>> -> memref<1x128xi32, #tpu.memory_space<vmem>>
      %dma_start3A_1020 = tpu.memref_squeeze %dma_start3A_1019 : memref<1x128xi32, #tpu.memory_space<vmem>> -> memref<128xi32, #tpu.memory_space<vmem>>
      %dma_start3A_1021 = arith.constant 0 : i32
      %dma_start3A_1022 = arith.constant 0 : i32
      %dma_start3A_1023 = tpu.memref_slice %arg3[%dma_start3A_1021, %dma_start3A_1022] : memref<80000x128xf32, #tpu.memory_space<hbm>> -> memref<80000x128xf32, #tpu.memory_space<hbm>>
      tpu.enqueue_indirect_dma source(%dma_start3A_1023 : memref<80000x128xf32, #tpu.memory_space<hbm>>) target(%dma_start3A_1017 : memref<128x128xf32, #tpu.memory_space<vmem>>) offsets(%dma_start3A_1020 : memref<128xi32, #tpu.memory_space<vmem>>) semaphore(%arg13 : memref<!tpu.dma_semaphore, #tpu.memory_space<semaphore_mem>>)
    }
    %dma_wait3A_512 = arith.constant 0 : i32
    %dma_wait3A_513 = arith.constant 0 : i32
    %dma_wait3A_514 = arith.constant 0 : i32
    %dma_wait3A_515 = arith.constant 0 : i32
    %dma_wait3A_516 = tpu.memref_slice %arg8[%dma_wait3A_513, %dma_wait3A_514, %dma_wait3A_515] : memref<2x128x128xf32, #tpu.memory_space<vmem>> -> memref<1x128x128xf32, #tpu.memory_space<vmem>>
    %dma_wait3A_517 = tpu.memref_squeeze %dma_wait3A_516 : memref<1x128x128xf32, #tpu.memory_space<vmem>> -> memref<128x128xf32, #tpu.memory_space<vmem>>
    %dma_wait3A_518 = arith.constant 0 : i32
    %dma_wait3A_519 = tpu.memref_slice %arg6[%dma_wait3A_512, %dma_wait3A_518] : memref<2x128xi32, #tpu.memory_space<vmem>> -> memref<1x128xi32, #tpu.memory_space<vmem>>
    %dma_wait3A_520 = tpu.memref_squeeze %dma_wait3A_519 : memref<1x128xi32, #tpu.memory_space<vmem>> -> memref<128xi32, #tpu.memory_space<vmem>>
    %dma_wait3A_521 = arith.constant 0 : i32
    %dma_wait3A_522 = arith.constant 0 : i32
    %dma_wait3A_523 = tpu.memref_slice %arg3[%dma_wait3A_521, %dma_wait3A_522] : memref<80000x128xf32, #tpu.memory_space<hbm>> -> memref<80000x128xf32, #tpu.memory_space<hbm>>
    tpu.wait_indirect_dma semaphore(%arg12 : memref<!tpu.dma_semaphore, #tpu.memory_space<semaphore_mem>>) src(%dma_wait3A_523 : memref<80000x128xf32, #tpu.memory_space<hbm>>) dst(%dma_wait3A_517 : memref<128x128xf32, #tpu.memory_space<vmem>>)
    %run_scoped3A_524 = arith.constant 0 : i32
    %run_scoped3A_525 = arith.constant 0 : i32
    "tpu.region"() ({
      %run_scoped3A_567 = tpu.sem_alloc : memref<!tpu.dma_semaphore, #tpu.memory_space<semaphore_mem>>
      %dma_start3A_568 = arith.constant 0 : i32
      %dma_start3A_569 = arith.constant 0 : i32
      %dma_start3A_570 = tpu.memref_slice %arg8[%run_scoped3A_524, %dma_start3A_568, %dma_start3A_569] : memref<2x128x128xf32, #tpu.memory_space<vmem>> -> memref<1x128x128xf32, #tpu.memory_space<vmem>>
      %dma_start3A_571 = tpu.memref_squeeze %dma_start3A_570 : memref<1x128x128xf32, #tpu.memory_space<vmem>> -> memref<128x128xf32, #tpu.memory_space<vmem>>
      %dma_start3A_572 = arith.constant 0 : i32
      %dma_start3A_573 = tpu.memref_slice %arg7[%run_scoped3A_525, %dma_start3A_572] : memref<2x128xi32, #tpu.memory_space<vmem>> -> memref<1x128xi32, #tpu.memory_space<vmem>>
      %dma_start3A_574 = tpu.memref_squeeze %dma_start3A_573 : memref<1x128xi32, #tpu.memory_space<vmem>> -> memref<128xi32, #tpu.memory_space<vmem>>
      %dma_start3A_575 = arith.constant 0 : i32
      %dma_start3A_576 = arith.constant 0 : i32
      %dma_start3A_577 = tpu.memref_slice %arg9[%dma_start3A_575, %dma_start3A_576] : memref<10240x128xf32, #tpu.memory_space<vmem_shared>> -> memref<10240x128xf32, #tpu.memory_space<vmem_shared>>
      tpu.enqueue_indirect_dma source(%dma_start3A_571 : memref<128x128xf32, #tpu.memory_space<vmem>>) target(%dma_start3A_577 : memref<10240x128xf32, #tpu.memory_space<vmem_shared>>) offsets(%dma_start3A_574 : memref<128xi32, #tpu.memory_space<vmem>>) semaphore(%run_scoped3A_567 : memref<!tpu.dma_semaphore, #tpu.memory_space<semaphore_mem>>) {add = true}
      %dma_wait3A_578 = arith.constant 0 : i32
      %dma_wait3A_579 = arith.constant 0 : i32
      %dma_wait3A_580 = tpu.memref_slice %arg8[%run_scoped3A_524, %dma_wait3A_578, %dma_wait3A_579] : memref<2x128x128xf32, #tpu.memory_space<vmem>> -> memref<1x128x128xf32, #tpu.memory_space<vmem>>
      %dma_wait3A_581 = tpu.memref_squeeze %dma_wait3A_580 : memref<1x128x128xf32, #tpu.memory_space<vmem>> -> memref<128x128xf32, #tpu.memory_space<vmem>>
      %dma_wait3A_582 = arith.constant 0 : i32
      %dma_wait3A_583 = tpu.memref_slice %arg7[%run_scoped3A_525, %dma_wait3A_582] : memref<2x128xi32, #tpu.memory_space<vmem>> -> memref<1x128xi32, #tpu.memory_space<vmem>>
      %dma_wait3A_584 = tpu.memref_squeeze %dma_wait3A_583 : memref<1x128xi32, #tpu.memory_space<vmem>> -> memref<128xi32, #tpu.memory_space<vmem>>
      %dma_wait3A_585 = arith.constant 0 : i32
      %dma_wait3A_586 = arith.constant 0 : i32
      %dma_wait3A_587 = tpu.memref_slice %arg9[%dma_wait3A_585, %dma_wait3A_586] : memref<10240x128xf32, #tpu.memory_space<vmem_shared>> -> memref<10240x128xf32, #tpu.memory_space<vmem_shared>>
      tpu.wait_indirect_dma semaphore(%run_scoped3A_567 : memref<!tpu.dma_semaphore, #tpu.memory_space<semaphore_mem>>) src(%dma_wait3A_581 : memref<128x128xf32, #tpu.memory_space<vmem>>) dst(%dma_wait3A_587 : memref<10240x128xf32, #tpu.memory_space<vmem_shared>>)
      tpu.yield
    }) : () -> ()
    %dma_wait3A_526 = arith.constant 0 : i32
    %dma_wait3A_527 = arith.constant 0 : i32
    %dma_wait3A_528 = tpu.memref_slice %arg5[%dma_wait3A_526, %dma_wait3A_527] : memref<2x128xi32, #tpu.memory_space<vmem>> -> memref<1x128xi32, #tpu.memory_space<vmem>>
    %dma_wait3A_529 = tpu.memref_squeeze %dma_wait3A_528 : memref<1x128xi32, #tpu.memory_space<vmem>> -> memref<128xi32, #tpu.memory_space<vmem>>
    %dma_wait3A_530 = arith.constant 0 : i32
    %dma_wait3A_531 = tpu.memref_slice %arg2[%sub3A_10, %dma_wait3A_530] : memref<2528x128xi32, #tpu.memory_space<hbm>> -> memref<1x128xi32, #tpu.memory_space<hbm>>
    %dma_wait3A_532 = tpu.memref_squeeze %dma_wait3A_531 : memref<1x128xi32, #tpu.memory_space<hbm>> -> memref<128xi32, #tpu.memory_space<hbm>>
    %dma_wait3A_533 = arith.constant 0 : i32
    %dma_wait3A_534 = tpu.memref_slice %arg5[%dma_wait3A_526, %dma_wait3A_533] : memref<2x128xi32, #tpu.memory_space<vmem>> -> memref<1x128xi32, #tpu.memory_space<vmem>>
    %dma_wait3A_535 = tpu.memref_squeeze %dma_wait3A_534 : memref<1x128xi32, #tpu.memory_space<vmem>> -> memref<128xi32, #tpu.memory_space<vmem>>
    %dma_wait3A_536 = arith.constant 0 : i32
    %dma_wait3A_537 = tpu.memref_slice %arg2[%sub3A_10, %dma_wait3A_536] : memref<2528x128xi32, #tpu.memory_space<hbm>> -> memref<1x128xi32, #tpu.memory_space<hbm>>
    %dma_wait3A_538 = tpu.memref_squeeze %dma_wait3A_537 : memref<1x128xi32, #tpu.memory_space<hbm>> -> memref<128xi32, #tpu.memory_space<hbm>>
    tpu.wait_dma2 semaphore(%arg10 : memref<!tpu.dma_semaphore, #tpu.memory_space<semaphore_mem>>) src(%dma_wait3A_538 : memref<128xi32, #tpu.memory_space<hbm>>) dst(%dma_wait3A_535 : memref<128xi32, #tpu.memory_space<vmem>>)
    %dma_wait3A_539 = arith.constant 1 : i32
    %dma_wait3A_540 = arith.constant 1 : i32
    %dma_wait3A_541 = arith.constant 0 : i32
    %dma_wait3A_542 = arith.constant 0 : i32
    %dma_wait3A_543 = tpu.memref_slice %arg8[%dma_wait3A_540, %dma_wait3A_541, %dma_wait3A_542] : memref<2x128x128xf32, #tpu.memory_space<vmem>> -> memref<1x128x128xf32, #tpu.memory_space<vmem>>
    %dma_wait3A_544 = tpu.memref_squeeze %dma_wait3A_543 : memref<1x128x128xf32, #tpu.memory_space<vmem>> -> memref<128x128xf32, #tpu.memory_space<vmem>>
    %dma_wait3A_545 = arith.constant 0 : i32
    %dma_wait3A_546 = tpu.memref_slice %arg6[%dma_wait3A_539, %dma_wait3A_545] : memref<2x128xi32, #tpu.memory_space<vmem>> -> memref<1x128xi32, #tpu.memory_space<vmem>>
    %dma_wait3A_547 = tpu.memref_squeeze %dma_wait3A_546 : memref<1x128xi32, #tpu.memory_space<vmem>> -> memref<128xi32, #tpu.memory_space<vmem>>
    %dma_wait3A_548 = arith.constant 0 : i32
    %dma_wait3A_549 = arith.constant 0 : i32
    %dma_wait3A_550 = tpu.memref_slice %arg3[%dma_wait3A_548, %dma_wait3A_549] : memref<80000x128xf32, #tpu.memory_space<hbm>> -> memref<80000x128xf32, #tpu.memory_space<hbm>>
    tpu.wait_indirect_dma semaphore(%arg13 : memref<!tpu.dma_semaphore, #tpu.memory_space<semaphore_mem>>) src(%dma_wait3A_550 : memref<80000x128xf32, #tpu.memory_space<hbm>>) dst(%dma_wait3A_544 : memref<128x128xf32, #tpu.memory_space<vmem>>)
    %run_scoped3A_551 = arith.constant 1 : i32
    %run_scoped3A_552 = arith.constant 1 : i32
    "tpu.region"() ({
      %run_scoped3A_567 = tpu.sem_alloc : memref<!tpu.dma_semaphore, #tpu.memory_space<semaphore_mem>>
      %dma_start3A_568 = arith.constant 0 : i32
      %dma_start3A_569 = arith.constant 0 : i32
      %dma_start3A_570 = tpu.memref_slice %arg8[%run_scoped3A_551, %dma_start3A_568, %dma_start3A_569] : memref<2x128x128xf32, #tpu.memory_space<vmem>> -> memref<1x128x128xf32, #tpu.memory_space<vmem>>
      %dma_start3A_571 = tpu.memref_squeeze %dma_start3A_570 : memref<1x128x128xf32, #tpu.memory_space<vmem>> -> memref<128x128xf32, #tpu.memory_space<vmem>>
      %dma_start3A_572 = arith.constant 0 : i32
      %dma_start3A_573 = tpu.memref_slice %arg7[%run_scoped3A_552, %dma_start3A_572] : memref<2x128xi32, #tpu.memory_space<vmem>> -> memref<1x128xi32, #tpu.memory_space<vmem>>
      %dma_start3A_574 = tpu.memref_squeeze %dma_start3A_573 : memref<1x128xi32, #tpu.memory_space<vmem>> -> memref<128xi32, #tpu.memory_space<vmem>>
      %dma_start3A_575 = arith.constant 0 : i32
      %dma_start3A_576 = arith.constant 0 : i32
      %dma_start3A_577 = tpu.memref_slice %arg9[%dma_start3A_575, %dma_start3A_576] : memref<10240x128xf32, #tpu.memory_space<vmem_shared>> -> memref<10240x128xf32, #tpu.memory_space<vmem_shared>>
      tpu.enqueue_indirect_dma source(%dma_start3A_571 : memref<128x128xf32, #tpu.memory_space<vmem>>) target(%dma_start3A_577 : memref<10240x128xf32, #tpu.memory_space<vmem_shared>>) offsets(%dma_start3A_574 : memref<128xi32, #tpu.memory_space<vmem>>) semaphore(%run_scoped3A_567 : memref<!tpu.dma_semaphore, #tpu.memory_space<semaphore_mem>>) {add = true}
      %dma_wait3A_578 = arith.constant 0 : i32
      %dma_wait3A_579 = arith.constant 0 : i32
      %dma_wait3A_580 = tpu.memref_slice %arg8[%run_scoped3A_551, %dma_wait3A_578, %dma_wait3A_579] : memref<2x128x128xf32, #tpu.memory_space<vmem>> -> memref<1x128x128xf32, #tpu.memory_space<vmem>>
      %dma_wait3A_581 = tpu.memref_squeeze %dma_wait3A_580 : memref<1x128x128xf32, #tpu.memory_space<vmem>> -> memref<128x128xf32, #tpu.memory_space<vmem>>
      %dma_wait3A_582 = arith.constant 0 : i32
      %dma_wait3A_583 = tpu.memref_slice %arg7[%run_scoped3A_552, %dma_wait3A_582] : memref<2x128xi32, #tpu.memory_space<vmem>> -> memref<1x128xi32, #tpu.memory_space<vmem>>
      %dma_wait3A_584 = tpu.memref_squeeze %dma_wait3A_583 : memref<1x128xi32, #tpu.memory_space<vmem>> -> memref<128xi32, #tpu.memory_space<vmem>>
      %dma_wait3A_585 = arith.constant 0 : i32
      %dma_wait3A_586 = arith.constant 0 : i32
      %dma_wait3A_587 = tpu.memref_slice %arg9[%dma_wait3A_585, %dma_wait3A_586] : memref<10240x128xf32, #tpu.memory_space<vmem_shared>> -> memref<10240x128xf32, #tpu.memory_space<vmem_shared>>
      tpu.wait_indirect_dma semaphore(%run_scoped3A_567 : memref<!tpu.dma_semaphore, #tpu.memory_space<semaphore_mem>>) src(%dma_wait3A_581 : memref<128x128xf32, #tpu.memory_space<vmem>>) dst(%dma_wait3A_587 : memref<10240x128xf32, #tpu.memory_space<vmem_shared>>)
      tpu.yield
    }) : () -> ()
    %dma_wait3A_553 = arith.constant 1 : i32
    %dma_wait3A_554 = arith.constant 0 : i32
    %dma_wait3A_555 = tpu.memref_slice %arg5[%dma_wait3A_553, %dma_wait3A_554] : memref<2x128xi32, #tpu.memory_space<vmem>> -> memref<1x128xi32, #tpu.memory_space<vmem>>
    %dma_wait3A_556 = tpu.memref_squeeze %dma_wait3A_555 : memref<1x128xi32, #tpu.memory_space<vmem>> -> memref<128xi32, #tpu.memory_space<vmem>>
    %dma_wait3A_557 = arith.constant 0 : i32
    %dma_wait3A_558 = tpu.memref_slice %arg2[%sub3A_10, %dma_wait3A_557] : memref<2528x128xi32, #tpu.memory_space<hbm>> -> memref<1x128xi32, #tpu.memory_space<hbm>>
    %dma_wait3A_559 = tpu.memref_squeeze %dma_wait3A_558 : memref<1x128xi32, #tpu.memory_space<hbm>> -> memref<128xi32, #tpu.memory_space<hbm>>
    %dma_wait3A_560 = arith.constant 0 : i32
    %dma_wait3A_561 = tpu.memref_slice %arg5[%dma_wait3A_553, %dma_wait3A_560] : memref<2x128xi32, #tpu.memory_space<vmem>> -> memref<1x128xi32, #tpu.memory_space<vmem>>
    %dma_wait3A_562 = tpu.memref_squeeze %dma_wait3A_561 : memref<1x128xi32, #tpu.memory_space<vmem>> -> memref<128xi32, #tpu.memory_space<vmem>>
    %dma_wait3A_563 = arith.constant 0 : i32
    %dma_wait3A_564 = tpu.memref_slice %arg2[%sub3A_10, %dma_wait3A_563] : memref<2528x128xi32, #tpu.memory_space<hbm>> -> memref<1x128xi32, #tpu.memory_space<hbm>>
    %dma_wait3A_565 = tpu.memref_squeeze %dma_wait3A_564 : memref<1x128xi32, #tpu.memory_space<hbm>> -> memref<128xi32, #tpu.memory_space<hbm>>
    tpu.wait_dma2 semaphore(%arg11 : memref<!tpu.dma_semaphore, #tpu.memory_space<semaphore_mem>>) src(%dma_wait3A_565 : memref<128xi32, #tpu.memory_space<hbm>>) dst(%dma_wait3A_562 : memref<128xi32, #tpu.memory_space<vmem>>)
    %barrier3A_566 = arith.constant 0 : index
    tpu.barrier barrier_id(%barrier3A_566)
    "tpu.region"() ({
      %run_scoped3A_567 = tpu.sem_alloc : memref<!tpu.dma_semaphore, #tpu.memory_space<semaphore_mem>>
      %dma_start3A_568 = arith.constant 0 : i32
      %dma_start3A_569 = tpu.memref_slice %arg4[%arg0, %mul3A_0, %dma_start3A_568] : memref<2x10240x128xf32, #tpu.memory_space<hbm>> -> memref<1x640x128xf32, #tpu.memory_space<hbm>>
      %dma_start3A_570 = tpu.memref_squeeze %dma_start3A_569 : memref<1x640x128xf32, #tpu.memory_space<hbm>> -> memref<640x128xf32, #tpu.memory_space<hbm>>
      %dma_start3A_571 = arith.constant 0 : i32
      %dma_start3A_572 = tpu.memref_slice %arg9[%mul3A_0, %dma_start3A_571] : memref<10240x128xf32, #tpu.memory_space<vmem_shared>> -> memref<640x128xf32, #tpu.memory_space<vmem_shared>>
      tpu.enqueue_dma source(%dma_start3A_572 : memref<640x128xf32, #tpu.memory_space<vmem_shared>>) target(%dma_start3A_570 : memref<640x128xf32, #tpu.memory_space<hbm>>) target_semaphore(%run_scoped3A_567 : memref<!tpu.dma_semaphore, #tpu.memory_space<semaphore_mem>>)
      %dma_wait3A_573 = arith.constant 0 : i32
      %dma_wait3A_574 = tpu.memref_slice %arg4[%arg0, %mul3A_0, %dma_wait3A_573] : memref<2x10240x128xf32, #tpu.memory_space<hbm>> -> memref<1x640x128xf32, #tpu.memory_space<hbm>>
      %dma_wait3A_575 = tpu.memref_squeeze %dma_wait3A_574 : memref<1x640x128xf32, #tpu.memory_space<hbm>> -> memref<640x128xf32, #tpu.memory_space<hbm>>
      %dma_wait3A_576 = arith.constant 0 : i32
      %dma_wait3A_577 = tpu.memref_slice %arg9[%mul3A_0, %dma_wait3A_576] : memref<10240x128xf32, #tpu.memory_space<vmem_shared>> -> memref<640x128xf32, #tpu.memory_space<vmem_shared>>
      tpu.wait_dma2 semaphore(%run_scoped3A_567 : memref<!tpu.dma_semaphore, #tpu.memory_space<semaphore_mem>>) src(%dma_wait3A_577 : memref<640x128xf32, #tpu.memory_space<vmem_shared>>) dst(%dma_wait3A_575 : memref<640x128xf32, #tpu.memory_space<hbm>>)
      tpu.yield
    }) : () -> ()
    return
  }
}

module attributes {stable_mosaic.version = 14 : i64} {
  func.func @_pidx_body(%arg0: i32, %arg1: memref<1264x128xi32, #tpu.memory_space<vmem>>, %arg2: memref<1264x128xi32, #tpu.memory_space<vmem>>, %arg3: memref<1264x128xi32, #tpu.memory_space<vmem>>, %arg4: memref<1264x128xi32, #tpu.memory_space<vmem>>) attributes {dimension_semantics = [#tpu.dimension_semantics<arbitrary>], iteration_bounds = array<i64: 2>, scalar_prefetch = 0 : i64, scratch_operands = 0 : i64, tpu.core_type = #tpu.core_type<tc>, window_params = [{transform_indices = @transform_0, window_bounds = array<i64: 1264, 128>}, {transform_indices = @transform_1, window_bounds = array<i64: 1264, 128>}, {transform_indices = @transform_2, window_bounds = array<i64: 1264, 128>}, {transform_indices = @transform_3, window_bounds = array<i64: 1264, 128>}]} {
    %get3A = arith.constant 0 : index
    %get3A_0 = arith.constant 0 : index
    %get3A_1 = vector.load %arg1[%get3A, %get3A_0] : memref<1264x128xi32, #tpu.memory_space<vmem>>, vector<1264x128xi32>
    %mul3A = arith.constant 10000 : i32
    %mul3A_2 = vector.broadcast %mul3A : i32 to vector<1264x128xi32>
    %mul3A_3 = arith.muli %get3A_1, %mul3A_2 : vector<1264x128xi32>
    %get3A_4 = arith.constant 0 : index
    %get3A_5 = arith.constant 0 : index
    %get3A_6 = vector.load %arg2[%get3A_4, %get3A_5] : memref<1264x128xi32, #tpu.memory_space<vmem>>, vector<1264x128xi32>
    %add3A = arith.addi %mul3A_3, %get3A_6 : vector<1264x128xi32>
    %mul3A_7 = arith.constant 16384 : i32
    %mul3A_8 = vector.broadcast %mul3A_7 : i32 to vector<1264x128xi32>
    %mul3A_9 = arith.muli %add3A, %mul3A_8 : vector<1264x128xi32>
    %get3A_10 = arith.constant 0 : index
    %get3A_11 = arith.constant 0 : index
    %get3A_12 = vector.load %arg3[%get3A_10, %get3A_11] : memref<1264x128xi32, #tpu.memory_space<vmem>>, vector<1264x128xi32>
    %add3A_13 = arith.addi %mul3A_9, %get3A_12 : vector<1264x128xi32>
    %swap3A = arith.constant 0 : index
    %swap3A_14 = arith.constant 0 : index
    %swap3A_15 = vector.load %arg4[%swap3A, %swap3A_14] : memref<1264x128xi32, #tpu.memory_space<vmem>>, vector<1264x128xi32>
    tpu.vector_store %arg4[%swap3A, %swap3A_14], %add3A_13 {strides = array<i32>} : memref<1264x128xi32, #tpu.memory_space<vmem>>, vector<1264x128xi32>,
    return
  }
  func.func @transform_0(%arg0: i32) -> (i32, i32) {
    %c0_i32 = arith.constant 0 : i32
    %c0_i32_0 = arith.constant 0 : i32
    return %arg0, %c0_i32 : i32, i32
  }
  func.func @transform_1(%arg0: i32) -> (i32, i32) {
    %c0_i32 = arith.constant 0 : i32
    %c0_i32_0 = arith.constant 0 : i32
    return %arg0, %c0_i32 : i32, i32
  }
  func.func @transform_2(%arg0: i32) -> (i32, i32) {
    %c0_i32 = arith.constant 0 : i32
    %c0_i32_0 = arith.constant 0 : i32
    return %arg0, %c0_i32 : i32, i32
  }
  func.func @transform_3(%arg0: i32) -> (i32, i32) {
    %c0_i32 = arith.constant 0 : i32
    %c0_i32_0 = arith.constant 0 : i32
    return %arg0, %c0_i32 : i32, i32
  }
}

module attributes {stable_mosaic.version = 14 : i64} {
  func.func @_transform_body(%arg0: i32, %arg1: i32, %arg2: memref<1000x128xf32, #tpu.memory_space<vmem>>, %arg3: memref<1x128x128xf32, #tpu.memory_space<vmem>>, %arg4: memref<1x1x128xf32, #tpu.memory_space<vmem>>, %arg5: memref<1x1000x128xf32, #tpu.memory_space<vmem>>) attributes {dimension_semantics = [#tpu.dimension_semantics<arbitrary>, #tpu.dimension_semantics<arbitrary>], iteration_bounds = array<i64: 8, 10>, scalar_prefetch = 0 : i64, scratch_operands = 0 : i64, tpu.core_type = #tpu.core_type<tc>, window_params = [{transform_indices = @transform_0, window_bounds = array<i64: 1000, 128>}, {transform_indices = @transform_1, window_bounds = array<i64: 1, 128, 128>}, {transform_indices = @transform_2, window_bounds = array<i64: 1, 1, 128>}, {transform_indices = @transform_3, window_bounds = array<i64: 1, 1000, 128>}]} {
    %get3A = arith.constant 0 : index
    %get3A_0 = arith.constant 0 : index
    %get3A_1 = vector.load %arg2[%get3A, %get3A_0] : memref<1000x128xf32, #tpu.memory_space<vmem>>, vector<1000x128xf32>
    %get3A_2 = arith.constant 0 : index
    %get3A_3 = arith.constant 0 : index
    %get3A_4 = arith.constant 0 : index
    %get3A_5 = vector.load %arg3[%get3A_2, %get3A_3, %get3A_4] : memref<1x128x128xf32, #tpu.memory_space<vmem>>, vector<1x128x128xf32>
    %get3A_6 = vector.shape_cast %get3A_5 : vector<1x128x128xf32> to vector<128x128xf32>
    %dot_general3A = arith.constant dense<0.000000e+00> : vector<1000x128xf32>
    %dot_general3A_7 = tpu.matmul %get3A_1, %get3A_6, %dot_general3A {dimension_numbers = #tpu.dot_dimension_numbers<[1], [1], [0], [0], [0, 0, 1, 0], [], []>, transpose_lhs_hint = false} : vector<1000x128xf32>, vector<128x128xf32>, vector<1000x128xf32> -> vector<1000x128xf32>
    %get3A_8 = arith.constant 0 : index
    %get3A_9 = arith.constant 0 : index
    %get3A_10 = arith.constant 0 : index
    %get3A_11 = vector.load %arg4[%get3A_8, %get3A_9, %get3A_10] : memref<1x1x128xf32, #tpu.memory_space<vmem>>, vector<1x1x128xf32>
    %get3A_12 = vector.shape_cast %get3A_11 : vector<1x1x128xf32> to vector<1x128xf32>
    %add3A = vector.broadcast %get3A_12 : vector<1x128xf32> to vector<1000x128xf32>
    %add3A_13 = arith.addf %dot_general3A_7, %add3A : vector<1000x128xf32>
    %swap3A = arith.constant 0 : index
    %swap3A_14 = arith.constant 0 : index
    %swap3A_15 = arith.constant 0 : index
    %swap3A_16 = vector.load %arg5[%swap3A, %swap3A_14, %swap3A_15] : memref<1x1000x128xf32, #tpu.memory_space<vmem>>, vector<1x1000x128xf32>
    %swap3A_17 = vector.shape_cast %swap3A_16 : vector<1x1000x128xf32> to vector<1000x128xf32>
    %swap3A_18 = vector.shape_cast %add3A_13 : vector<1000x128xf32> to vector<1x1000x128xf32>
    tpu.vector_store %arg5[%swap3A, %swap3A_14, %swap3A_15], %swap3A_18 {strides = array<i32>} : memref<1x1000x128xf32, #tpu.memory_space<vmem>>, vector<1x1000x128xf32>,
    return
  }
  func.func @transform_0(%arg0: i32, %arg1: i32) -> (i32, i32) {
    %c0_i32 = arith.constant 0 : i32
    %c0_i32_0 = arith.constant 0 : i32
    return %arg1, %c0_i32 : i32, i32
  }
  func.func @transform_1(%arg0: i32, %arg1: i32) -> (i32, i32, i32) {
    %c0_i32 = arith.constant 0 : i32
    %c0_i32_0 = arith.constant 0 : i32
    %c0_i32_1 = arith.constant 0 : i32
    return %arg0, %c0_i32, %c0_i32_0 : i32, i32, i32
  }
  func.func @transform_2(%arg0: i32, %arg1: i32) -> (i32, i32, i32) {
    %c0_i32 = arith.constant 0 : i32
    %c0_i32_0 = arith.constant 0 : i32
    %c0_i32_1 = arith.constant 0 : i32
    return %arg0, %c0_i32, %c0_i32_0 : i32, i32, i32
  }
  func.func @transform_3(%arg0: i32, %arg1: i32) -> (i32, i32, i32) {
    %c0_i32 = arith.constant 0 : i32
    %c0_i32_0 = arith.constant 0 : i32
    return %arg0, %arg1, %c0_i32 : i32, i32, i32
  }
}

module attributes {stable_mosaic.version = 14 : i64} {
  func.func @_combine_body(%arg0: i32, %arg1: memref<1000x128xf32, #tpu.memory_space<vmem>>, %arg2: memref<1000x128xf32, #tpu.memory_space<vmem>>, %arg3: memref<1000x128xf32, #tpu.memory_space<vmem>>, %arg4: memref<1x128xf32, #tpu.memory_space<vmem>>, %arg5: memref<1x128xf32, #tpu.memory_space<vmem>>, %arg6: memref<1000x128xf32, #tpu.memory_space<vmem>>) attributes {dimension_semantics = [#tpu.dimension_semantics<arbitrary>], iteration_bounds = array<i64: 10>, scalar_prefetch = 0 : i64, scratch_operands = 0 : i64, tpu.core_type = #tpu.core_type<tc>, window_params = [{transform_indices = @transform_0, window_bounds = array<i64: 1000, 128>}, {transform_indices = @transform_1, window_bounds = array<i64: 1000, 128>}, {transform_indices = @transform_2, window_bounds = array<i64: 1000, 128>}, {pipeline_mode = #tpu.pipeline_mode<synchronous>, transform_indices = @transform_3, window_bounds = array<i64: 1, 128>}, {pipeline_mode = #tpu.pipeline_mode<synchronous>, transform_indices = @transform_4, window_bounds = array<i64: 1, 128>}, {transform_indices = @transform_5, window_bounds = array<i64: 1000, 128>}]} {
    %get3A = arith.constant 0 : index
    %get3A_0 = arith.constant 0 : index
    %get3A_1 = vector.load %arg1[%get3A, %get3A_0] : memref<1000x128xf32, #tpu.memory_space<vmem>>, vector<1000x128xf32>
    %get3A_2 = arith.constant 0 : index
    %get3A_3 = arith.constant 0 : index
    %get3A_4 = vector.load %arg2[%get3A_2, %get3A_3] : memref<1000x128xf32, #tpu.memory_space<vmem>>, vector<1000x128xf32>
    %add3A = arith.addf %get3A_1, %get3A_4 : vector<1000x128xf32>
    %get3A_5 = arith.constant 0 : index
    %get3A_6 = arith.constant 0 : index
    %get3A_7 = vector.load %arg3[%get3A_5, %get3A_6] : memref<1000x128xf32, #tpu.memory_space<vmem>>, vector<1000x128xf32>
    %add3A_8 = arith.addf %add3A, %get3A_7 : vector<1000x128xf32>
    %reduce_sum3A = arith.constant dense<0.000000e+00> : vector<1000xf32>
    %reduce_sum3A_9 = vector.multi_reduction <add>, %add3A_8, %reduce_sum3A [1] : vector<1000x128xf32> to vector<1000xf32>
    %broadcast_in_dim3A = vector.shape_cast %reduce_sum3A_9 : vector<1000xf32> to vector<1000x1xf32>
    %div3A = arith.constant 1.280000e+02 : f32
    %div3A_10 = vector.broadcast %div3A : f32 to vector<1000x1xf32>
    %div3A_11 = arith.divf %broadcast_in_dim3A, %div3A_10 : vector<1000x1xf32>
    %sub3A = vector.broadcast %div3A_11 : vector<1000x1xf32> to vector<1000x128xf32>
    %sub3A_12 = arith.subf %add3A_8, %sub3A : vector<1000x128xf32>
    %mul3A = arith.mulf %sub3A_12, %sub3A_12 : vector<1000x128xf32>
    %reduce_sum3A_13 = arith.constant dense<0.000000e+00> : vector<1000xf32>
    %reduce_sum3A_14 = vector.multi_reduction <add>, %mul3A, %reduce_sum3A_13 [1] : vector<1000x128xf32> to vector<1000xf32>
    %broadcast_in_dim3A_15 = vector.shape_cast %reduce_sum3A_14 : vector<1000xf32> to vector<1000x1xf32>
    %div3A_16 = arith.constant 1.280000e+02 : f32
    %div3A_17 = vector.broadcast %div3A_16 : f32 to vector<1000x1xf32>
    %div3A_18 = arith.divf %broadcast_in_dim3A_15, %div3A_17 : vector<1000x1xf32>
    %add3A_19 = arith.constant 9.99999974E-6 : f32
    %add3A_20 = vector.broadcast %add3A_19 : f32 to vector<1000x1xf32>
    %add3A_21 = arith.addf %div3A_18, %add3A_20 : vector<1000x1xf32>
    %rsqrt3A = math.rsqrt %add3A_21 : vector<1000x1xf32>
    %mul3A_22 = vector.broadcast %rsqrt3A : vector<1000x1xf32> to vector<1000x128xf32>
    %mul3A_23 = arith.mulf %sub3A_12, %mul3A_22 : vector<1000x128xf32>
    %get3A_24 = arith.constant 0 : index
    %get3A_25 = arith.constant 0 : index
    %get3A_26 = vector.load %arg4[%get3A_24, %get3A_25] : memref<1x128xf32, #tpu.memory_space<vmem>>, vector<1x128xf32>
    %mul3A_27 = vector.broadcast %get3A_26 : vector<1x128xf32> to vector<1000x128xf32>
    %mul3A_28 = arith.mulf %mul3A_23, %mul3A_27 : vector<1000x128xf32>
    %get3A_29 = arith.constant 0 : index
    %get3A_30 = arith.constant 0 : index
    %get3A_31 = vector.load %arg5[%get3A_29, %get3A_30] : memref<1x128xf32, #tpu.memory_space<vmem>>, vector<1x128xf32>
    %add3A_32 = vector.broadcast %get3A_31 : vector<1x128xf32> to vector<1000x128xf32>
    %add3A_33 = arith.addf %mul3A_28, %add3A_32 : vector<1000x128xf32>
    %swap3A = arith.constant 0 : index
    %swap3A_34 = arith.constant 0 : index
    %swap3A_35 = vector.load %arg6[%swap3A, %swap3A_34] : memref<1000x128xf32, #tpu.memory_space<vmem>>, vector<1000x128xf32>
    tpu.vector_store %arg6[%swap3A, %swap3A_34], %add3A_33 {strides = array<i32>} : memref<1000x128xf32, #tpu.memory_space<vmem>>, vector<1000x128xf32>,
    return
  }
  func.func @transform_0(%arg0: i32) -> (i32, i32) {
    %c0_i32 = arith.constant 0 : i32
    %c0_i32_0 = arith.constant 0 : i32
    return %arg0, %c0_i32 : i32, i32
  }
  func.func @transform_1(%arg0: i32) -> (i32, i32) {
    %c0_i32 = arith.constant 0 : i32
    %c0_i32_0 = arith.constant 0 : i32
    return %arg0, %c0_i32 : i32, i32
  }
  func.func @transform_2(%arg0: i32) -> (i32, i32) {
    %c0_i32 = arith.constant 0 : i32
    %c0_i32_0 = arith.constant 0 : i32
    return %arg0, %c0_i32 : i32, i32
  }
  func.func @transform_3(%arg0: i32) -> (i32, i32) {
    %c0_i32 = arith.constant 0 : i32
    %c0_i32_0 = arith.constant 0 : i32
    %c0_i32_1 = arith.constant 0 : i32
    return %c0_i32, %c0_i32_0 : i32, i32
  }
  func.func @transform_4(%arg0: i32) -> (i32, i32) {
    %c0_i32 = arith.constant 0 : i32
    %c0_i32_0 = arith.constant 0 : i32
    %c0_i32_1 = arith.constant 0 : i32
    return %c0_i32, %c0_i32_0 : i32, i32
  }
  func.func @transform_5(%arg0: i32) -> (i32, i32) {
    %c0_i32 = arith.constant 0 : i32
    %c0_i32_0 = arith.constant 0 : i32
    return %arg0, %c0_i32 : i32, i32
  }
}

</mosaic_0001>

<sc_bundles>
// kernel: kernel.6.cloned.1.call-start
scs
__scs_entry_jumppad:
0x0: {  	(pc) =	sbr.rel $0x88, $3  }
0x1: {  	(tag) =	ssettag $0x0;
	lr =	simm.s32 $0x1  }
0x2: {  	[smem:$0x3F9A] =	sst lr;
	_ =	strace $0xD0000000  }
0x3: {  	_ = 	snop  }
0x4: {  	_ = 	snop  }
0x5: {  	_ = 	snop  }
0x6: {  	_ = 	snop  }
0x7: {  	_ = 	snop  }
__scs_overlays_trampoline_lowered:
0x8: {  	[smem:$0x3FA9] =	sst s0  }
0x9: {  	[smem:$0x3FAA] =	sst s1  }
0xa: {  	[smem:$0x3FAB] =	sst s2  }
0xb: {  	[smem:$0x3FAC] =	sst s3  }
0xc: {  	[smem:$0x3FAD] =	sst s4  }
0xd: {  	[smem:$0x3FAE] =	sst s5  }
0xe: {  	[smem:$0x3FAF] =	sst s6  }
0xf: {  	[smem:$0x3FB0] =	sst s7  }
0x10: {  	[smem:$0x3FB1] =	sst s8  }
0x11: {  	[smem:$0x3FB2] =	sst s9;
	s0 =	simm.s32 @!p0 $0x0  }
0x12: {  	s1 =	sld [smem:$0x3F98];
	s0 =	simm.s32 @p0 $0x1  }
0x13: {  	[smem:$0x3FB3] =	sst s0;
	s0 =	simm.s32 @!p1 $0x0  }
0x14: {  	s2 =	sld [smem:$0x3F97];
	s0 =	simm.s32 @p1 $0x1  }
0x15: {  	[smem:$0x3FB4] =	sst s0;
	s0 =	simm.s32 @!p2 $0x0  }
0x16: {  	s3 =	sld [smem:$0x3FDB];
	s0 =	simm.s32 @p2 $0x1  }
0x17: {  	s4 =	simm.s32 $0x1BF5;
	[smem:$0x3FB6] =	sst s0  }
0x18: {  	s0 =	sld [smem:$0x3F99];
	_ =	swait.ge [sflag:s4], $0x0  }
0x19: {  	s7 =	sld [smem:$0x3F9A]  }
0x1a: {  	s8 =	sadd.s32 $0xFFFFE003, lr  }
0x1b: {  	s9 =	sadd.s32 $0xFFFFFEF7, lr;
	s5 =	simm.s32 $0xFFFFFFFF;
	p2 =	slt.u32 s8, $0xFFFFF086  }
0x1c: {  	p1 =	slt.u32 s9, $0xF7A;
	s5 =	simm.s32 @!p2 $0x0  }
0x1d: {  	s5 =	simm.s32 @p1 $0x1;
	p0 =	seq.s32 s7, s2  }
0x1e: {  	s7 =	smul.u32 @!p0 $0xF7A, s2;
	p2 =	seq.s32 @!p0 s5, $0x0  }
0x1f: {  	s9 =	smul.u32 $0xF7A, s1;
	s8 =	simm.s32 @!p0 $0x1BF5;
	p2 =	por !p2, p0  }
0x20: {  	[sflag:s8] =	ssyncset.s32 @!p0 $0xFFFFF086;
	s6 =	sadd.s32 @!p0 s3, s7;
	s7 =	simm.s32 @!p0 $0x108  }
0x21: {  	s3 =	sadd.s32 s3, s9;
	s6 =	sadd.s32 @!p0 $0x88, s6;
	s7 =	simm.s32 @p2 $0x1082  }
0x22: {  	[simem:s7], [sflag:s8] =	dma.local @!p0 [hbm:s6], $0xF7A  }
0x23: {  	s9 =	sor.u32 $0xD0000000, s2;
	s6 =	simm.s32 $0x108;
	_ =	swait.ge @!p0 [sflag:s8], $0x0  }
0x24: {  	s3 =	sadd.s32 $0x88, s3;
	s6 =	simm.s32 @!p1 $0x1082;
	[sflag:s4] =	ssyncset.s32 $0xFFFFF086  }
0x25: {  	[simem:s6], [sflag:s4] =	dma.local [hbm:s3], $0xF7A  }
0x26: {  	[smem:$0x3F9A] =	sst s1;
	(tag) =	ssettag s2;
	_ =	strace s9  }
0x27: {  	s1 =	sld [smem:$0x3FAA]  }
0x28: {  	s2 =	sld [smem:$0x3FAB]  }
0x29: {  	s4 =	sld [smem:$0x3FAD]  }
0x2a: {  	p0 =	seq.s32 s5, $0x0;
	s5 =	sld [smem:$0x3FAE]  }
0x2b: {  	s6 =	sld [smem:$0x3FAF]  }
0x2c: {  	s7 =	sld [smem:$0x3FB0]  }
0x2d: {  	s3 =	simm.s32 $0x108;
	s8 =	sld [smem:$0x3FB1]  }
0x2e: {  	s3 =	simm.s32 @!p0 $0x1082;
	s9 =	sld [smem:$0x3FB2]  }
0x2f: {  	lr =	sadd.s32 s0, s3;
	s0 =	sld [smem:$0x3FA9]  }
0x30: {  	s3 =	sld [smem:$0x3FAC]  }
0x31: {  	[smem:$0x3FB5] =	sst s10  }
0x32: {  	s10 =	sld [smem:$0x3FB3];
	_ =	sdelay $0x3  }
0x33: {  	p0 =	seq.s32 s10, $0x1;
	s10 =	sld [smem:$0x3FB5];
	_ =	sdelay $0x3  }
0x34: {  	[smem:$0x3FB5] =	sst s10  }
0x35: {  	s10 =	sld [smem:$0x3FB4];
	_ =	sdelay $0x3  }
0x36: {  	p1 =	seq.s32 s10, $0x1;
	s10 =	sld [smem:$0x3FB5];
	_ =	sdelay $0x3  }
0x37: {  	[smem:$0x3FB5] =	sst s10  }
0x38: {  	s10 =	sld [smem:$0x3FB6]  }
0x39: {  	_ = 	snop;
	(pc) =	sbr.ind lr, $3  }
0x3a: {  	_ = 	snop  }
0x3b: {  	_ = 	snop  }
0x3c: {  	p2 =	seq.s32 s10, $0x1;
	s10 =	sld [smem:$0x3FB5]  }
0x3d: {  	_ =	shalt  }
0x3e: {  	_ =	shalt  }
0x3f: {  	_ =	shalt  }
0x40: {  	_ =	shalt  }
0x41: {  	_ =	shalt  }
0x42: {  	_ =	shalt  }
0x43: {  	_ =	shalt  }
0x44: {  	_ =	shalt  }
0x45: {  	_ =	shalt  }
0x46: {  	_ =	shalt  }
0x47: {  	_ =	shalt  }
0x48: {  	_ =	shalt  }
0x49: {  	_ =	shalt  }
0x4a: {  	_ =	shalt  }
0x4b: {  	_ =	shalt  }
0x4c: {  	_ =	shalt  }
0x4d: {  	_ =	shalt  }
0x4e: {  	_ =	shalt  }
0x4f: {  	_ =	shalt  }
0x50: {  	_ =	shalt  }
0x51: {  	_ =	shalt  }
0x52: {  	_ =	shalt  }
0x53: {  	_ =	shalt  }
0x54: {  	_ =	shalt  }
0x55: {  	_ =	shalt  }
0x56: {  	_ =	shalt  }
0x57: {  	_ =	shalt  }
0x58: {  	_ =	shalt  }
0x59: {  	_ =	shalt  }
0x5a: {  	_ =	shalt  }
0x5b: {  	_ =	shalt  }
0x5c: {  	_ =	shalt  }
0x5d: {  	_ =	shalt  }
0x5e: {  	_ =	shalt  }
0x5f: {  	_ =	shalt  }
0x60: {  	_ =	shalt  }
0x61: {  	_ =	shalt  }
0x62: {  	_ =	shalt  }
0x63: {  	_ =	shalt  }
0x64: {  	_ =	shalt  }
0x65: {  	_ =	shalt  }
0x66: {  	_ =	shalt  }
0x67: {  	_ =	shalt  }
0x68: {  	_ =	shalt  }
0x69: {  	_ =	shalt  }
0x6a: {  	_ =	shalt  }
0x6b: {  	_ =	shalt  }
0x6c: {  	_ =	shalt  }
0x6d: {  	_ =	shalt  }
0x6e: {  	_ =	shalt  }
0x6f: {  	_ =	shalt  }
0x70: {  	_ =	shalt  }
0x71: {  	_ =	shalt  }
0x72: {  	_ =	shalt  }
0x73: {  	_ =	shalt  }
0x74: {  	_ =	shalt  }
0x75: {  	_ =	shalt  }
0x76: {  	_ =	shalt  }
0x77: {  	_ =	shalt  }
0x78: {  	_ =	shalt  }
0x79: {  	_ =	shalt  }
0x7a: {  	_ =	shalt  }
0x7b: {  	_ =	shalt  }
0x7c: {  	_ =	shalt  }
0x7d: {  	_ =	shalt  }
0x7e: {  	_ =	shalt  }
0x7f: {  	_ =	shalt  }
0x80: {  	_ =	shalt  }
0x81: {  	_ =	shalt  }
0x82: {  	_ =	shalt  }
0x83: {  	_ =	shalt  }
0x84: {  	_ =	shalt  }
0x85: {  	_ =	shalt  }
0x86: {  	_ =	shalt  }
0x87: {  	_ =	shalt  }
.Lfunc_end0:
.L_simem_size_0:
called_computation_lowered:
.L_overlay_start_0:
0x88: {  	s2 =	sld [smem:$0x3FD9]  }
0x89: {  	s3 =	sld [smem:$0x3FFE];
	_ =	sdelay $0x1  }
0x8a: {  	s1 =	srdreg.scid  }
0x8b: {  	s0 =	sand.u32 $0x1, s1  }
0x8c: {  	s17 =	sshll.u32 s0, $0xA;
	s2 =	sadd.s32 s3, s2  }
0x8d: {  	s2 =	sadd.s32 s2, s17  }
0x8e: {  	[smem:$0x3FC1] =	sst s2  }
0x8f: {  	_ = 	snop  }
0x90: {  	s2 =	sld [smem:$0x3FD0];
	(tm) =	ssettm $0x1  }
0x91: {  	s18 =	sld [smem:$0x3FFB];
	_ =	sdelay $0x3  }
0x92: {  	_ =	strace s18  }
0x93: {  	s3 =	sld [smem:$0x3FFC];
	_ =	sdelay $0x3  }
0x94: {  	_ =	strace s3  }
0x95: {  	s3 =	sld [smem:$0x3FFD];
	_ =	sdelay $0x3  }
0x96: {  	_ =	strace s3  }
0x97: {  	_ =	strace $0x8FFFFFFF  }
0x98: {  	s19 =	sld [smem:$0x3FDB];
	_ =	sdelay $0x1  }
0x99: {  	s4 =	simm.s32 $_scs_section_size  }
0x9a: {  	s5 =	simm.s32 $_size__tile_overlayer_lowered;
	s6 =	simm.s32 $_tile_overlayer_lowered  }
0x9b: {  	s22 =	simm.s32 $0x1BFF;
	s21 =	sshll.u32 s6, $0x1;
	s3 =	sadd.s32 s4, s19  }
0x9c: {  	s7 =	simm.s32 $0x0;
	s20 =	sshll.u32 s5, $0x1;
	s5 =	sadd.s32 s21, s3  }
0x9d: {  	[timem:s7], [sflag:s22] =	dma.local [hbm:s5], s20  }
0x9e: {  	_ =	swait.ge [sflag:s22], s20  }
0x9f: {  	s4 =	ssub.s32 $0x0, s20;
	[sflag:s22] =	ssyncset.done $0x0  }
0xa0: {  	[sflag:s22] =	ssyncadd.s32 s4;
	_ =	sdelay $0x1  }
0xa1: {  	s23 =	simm.s32 $0x1B8B  }
0xa2: {  	_ =	swait.ge [sflag:s23], $0x1  }
0xa3: {  	[sflag:s23] =	ssyncset.done $0x0  }
0xa4: {  	s25 =	simm.s32 $0x1B8E;
	s24 =	sld [smem:$0x3FFE];
	[sflag:s23] =	ssyncadd.s32 $0xFFFFFFFF  }
0xa5: {  	s26 =	simm.s32 $execute0_lowered;
	[smem:$0x3FD2] =	sst s25  }
0xa6: {  	s5 =	sshll.u32 s26, $0x1;
	_ =	strace $0x80000046;
	[dreg:$0x1] =	wrdreg $0xFFFFFFFF  }
0xa7: {  	s28 =	simm.s32 $_size_execute0_lowered;
	s3 =	sadd.s32 s3, s5;
	[dreg:$0x0] =	wrdreg $0x0  }
0xa8: {  	s5 =	sshll.u32 s28, $0x1;
	[dreg:$0x2] =	wrdreg s3  }
0xa9: {  	[dreg:$0x3] =	wrdreg s5  }
0xaa: {  	[dreg:$0x4] =	wrdreg $0xC0  }
0xab: {  	_ =	task [dreg:s7], $0x5FFFF  }
0xac: {  	[dreg:$0x1] =	wrdreg $0xFFFFFFFF  }
0xad: {  	[dreg:$0x0] =	wrdreg $0x60  }
0xae: {  	[dreg:$0x2] =	wrdreg s2  }
0xaf: {  	[dreg:$0x3] =	wrdreg s24  }
0xb0: {  	[dreg:$0x4] =	wrdreg $0x83000  }
0xb1: {  	[dreg:$0x5] =	wrdreg $0x9  }
0xb2: {  	_ =	task.clear_ibuf [dreg:s7], $0x6FFFF;
	_ =	strace $0x90000046  }
0xb3: {  	s29 =	simm.s32 $0x9;
	_ =	strace $0x80000048  }
0xb4: {  	_ =	swait.ge [sflag:s29], $0x1  }
0xb5: {  	[sflag:s29] =	ssyncadd.s32 $0xFFFFFFFF  }
0xb6: {  	_ =	strace $0x90000048  }
0xb7: {  	_ =	sfence  }
0xb8: {  	s30 =	sld [smem:$0x0];
	_ =	sdelay $0x2  }
0xb9: {  	s31 =	sshll.u32 s1, $0xD;
	s1 =	sshrl.u32 s1, $0x2  }
0xba: {  	s3 =	sand.u32 $0x4000, s31;
	s1 =	sadd.s32 s1, s30  }
0xbb: {  	s0 =	sor.u32 s3, s0;
	s1 =	sshll.u32 s1, $0x11  }
0xbc: {  	s0 =	sor.u32 s1, s0  }
0xbd: {  	s0 =	sadd.s32 $0x8F2B, s0  }
0xbe: {  	[sflag:s0] =	ssyncadd.remote.s32 $0x1  }
0xbf: {  	_ =	sfence.sel $0xFFFF  }
0xc0: {  	[dreg:$0x0] =	wrdreg $0xFFFFFFFF;
	(pc) =	sbr.abs _section_cstart, $3  }
0xc1: {  	[dreg:$0x1] =	wrdreg $0xFFFFFFFF  }
0xc2: {  	_ =	task.clear_ibuf [dreg:s7], $0x2FFFF;
	_ =	strace $0x9FFFFFFF  }
0xc3: {  	(tm) =	ssettm $0x7FFFFFFF  }
tec
execute0_lowered:
.L_overlay_start_1:
0x0: {  	(tag) =	ssettag $0x1  }
0x1: {  	s1 =	rddreg [dreg:$0x0];
	s0 =	srdreg.scid  }
0x2: {  	s2 =	rddreg [dreg:$0x1];
	s11 =	stileid.u32  }
0x3: {  	s3 =	rddreg [dreg:$0x2];
	s4 =	simm.s32 $0x0;
	s6 =	smul.u32 $0x14000, s11  }
0x4: {  	s15 =	simm.s32 $0x37;
	s28 =	simm.s32 $0x4300;
	s8 =	smul.u32 $0x2E, s11  }
0x5: {  	s29 =	simm.s32 $0x3;
	s30 =	simm.s32 $0x200;
	s7 =	smul.u32 $0x70, s11  }
0x6: {  	s0 =	sand.u32 $0x1, s0;
	[smem:$0x7FF] =	sst s4;
	s20 =	smul.u32 $0x50000, s11  }
0x7: {  	s31 =	simm.s32 $0x4;
	s5 =	smul.u32 $0x140000, s0;
	_ =	strace $0x80000047  }
0x8: {  	s19 =	ssub.s32 $0x2, s0;
	p0 =	seq.s32 s0, $0x0;
	s0 =	sadd.s32 $0x2E0, s7  }
0x9: {  	s9 =	sadd.s32 $0x2E, s8;
	s10 =	sshrl.u32 s19, $0x1;
	s15 =	simm.s32 @!p0 $0x16  }
0xa: {  	s5 =	sadd.s32 s6, s5;
	s8 =	smov.u32 @p0 s0;
	s10 =	ssub.s32 s19, s10  }
0xb: {  	s0 =	sshrl.u32 s20, $0x2;
	s6 =	sshrl.u32 s5, $0x3;
	s5 =	sadd.s32 $0x1400, s2  }
0xc: {  	s21 =	sshll.u32 s8, $0x4;
	s2 =	sadd.s32 s6, s2;
	s6 =	sadd.s32 $0x350, s7  }
0xd: {  	s20 =	simm.s32 $0x80;
	s9 =	smov.u32 @p0 s6;
	s6 =	sadd.s32 s1, s21  }
0xe: {  	s18 =	smax.u32 s10, $0x1;
	s12 =	sadd.s32 $0x5, s8;
	s7 =	sadd.s32 $0x10, s6  }
0xf: {  	s16 =	sadd.s32 $0xFFFFFFFF, s9;
	s25 =	sadd.s32 $0x20, s6;
	[dreg:$0x4] =	wrdreg s7  }
0x10: {  	s9 =	sadd.s32 s0, s3;
	s26 =	sadd.s32 $0x30, s6;
	[dreg:$0x9] =	wrdreg s25  }
0x11: {  	s17 =	sadd.s32 $0x139C00, s2;
	s0 =	sadd.s32 $0x4000, s9;
	[dreg:$0xa] =	wrdreg s26  }
0x12: {  	s21 =	simm.s32 $0x300;
	s22 =	sadd.s32 $0x8000, s9;
	[dreg:$0x5] =	wrdreg s0  }
0x13: {  	s2 =	simm.s32 $0x280;
	s23 =	sadd.s32 $0xC000, s9;
	[dreg:$0x6] =	wrdreg s22  }
0x14: {  	s24 =	sadd.s32 $0x10000, s9;
	s25 =	simm.s32 $0x2;
	[dreg:$0x7] =	wrdreg s23  }
0x15: {  	s26 =	simm.s32 $0x180;
	[dreg:$0x8] =	wrdreg s24;
	s22 =	simm.s32 $0x5  }
0x16: {  	v0 =	vimm.f32 $0.0e+00;
	s23 =	simm.s32 $0x1;
	s24 =	simm.s32 $0x100;
	s0 =	simm.s32 $0x0  }
.LBB2_1:
0x17: {  	[tilespmem:s4], [sflag:$0x1] =	stream.linear.gather [hbm4b:s6+s4], $0x80, $0x38;
	[tilespmem:$0x1C300] =	vst v63  }
0x18: {  	s7 =	rddreg [dreg:$0x4];
	s8 =	simm.s32 $0x0;
	s10 =	simm.s32 $0x200  }
0x19: {  	[tilespmem:s20], [sflag:$0x2] =	stream.linear.gather [hbm4b:s7+s4], $0x80, $0x38;
	[tilespmem:$0x1C300] =	vst v63  }
.LBB2_2:
0x1a: {  	p0 =	sne.s32 s10, $0xFE00;
	[tilespmem:s8+$0x370] =	vst v0  }
0x1b: {  	[tilespmem:s8+$0x300] =	vst v0  }
0x1c: {  	[tilespmem:s8+$0x310] =	vst v0  }
.Ltmp0:
0x1d: {  	[tilespmem:s8+$0x320] =	vst v0;
	(pc) =	sbr.rel @p0 .LBB2_2-.Ltmp0, $4  }
0x1e: {  	[tilespmem:s8+$0x330] =	vst v0  }
0x1f: {  	[tilespmem:s8+$0x340] =	vst v0  }
0x20: {  	[tilespmem:s8+$0x350] =	vst v0  }
0x21: {  	[tilespmem:s8+$0x360] =	vst v0;
	s8 =	sshra.s32 s10, $0x2;
	s10 =	sadd.s32 $0x200, s10  }
0x22: {  	[tilespmem:s8+$0x370] =	vst v0  }
0x23: {  	[tilespmem:s8+$0x300] =	vst v0  }
0x24: {  	[tilespmem:s8+$0x310] =	vst v0  }
0x25: {  	[tilespmem:s8+$0x320] =	vst v0  }
0x26: {  	[tilespmem:s8+$0x330] =	vst v0  }
0x27: {  	[tilespmem:s8+$0x340] =	vst v0  }
0x28: {  	[tilespmem:s8+$0x350] =	vst v0  }
0x29: {  	[tilespmem:s8+$0x360] =	vst v0  }
0x2a: {  	[spmem:s9] =	stream.linear.scatter [tilespmem:s21], [sflag:$0x5], $0x4000, $0x38;
	[tilespmem:$0x1C300] =	vst v63  }
0x2b: {  	_ =	swait.ge [sflag:s22], $0x4000  }
0x2c: {  	[sflag:s22] =	ssyncset.done $0x0  }
0x2d: {  	s7 =	rddreg [dreg:$0x5];
	[sflag:s22] =	ssyncadd.s32 $0xFFFFC000  }
0x2e: {  	[spmem:s7] =	stream.linear.scatter [tilespmem:s21], [sflag:$0x5], $0x4000, $0x38;
	[tilespmem:$0x1C300] =	vst v63  }
0x2f: {  	_ =	swait.ge [sflag:s22], $0x4000  }
0x30: {  	[sflag:s22] =	ssyncset.done $0x0  }
0x31: {  	s19 =	rddreg [dreg:$0x6];
	[sflag:s22] =	ssyncadd.s32 $0xFFFFC000  }
0x32: {  	[spmem:s19] =	stream.linear.scatter [tilespmem:s21], [sflag:$0x5], $0x4000, $0x38;
	[tilespmem:$0x1C300] =	vst v63  }
0x33: {  	_ =	swait.ge [sflag:s22], $0x4000  }
0x34: {  	[sflag:s22] =	ssyncset.done $0x0  }
0x35: {  	s8 =	rddreg [dreg:$0x7];
	[sflag:s22] =	ssyncadd.s32 $0xFFFFC000  }
0x36: {  	[spmem:s8] =	stream.linear.scatter [tilespmem:s21], [sflag:$0x5], $0x4000, $0x38;
	[tilespmem:$0x1C300] =	vst v63  }
0x37: {  	_ =	swait.ge [sflag:s22], $0x4000  }
0x38: {  	[sflag:s22] =	ssyncset.done $0x0  }
0x39: {  	s10 =	rddreg [dreg:$0x8];
	[sflag:s22] =	ssyncadd.s32 $0xFFFFC000  }
0x3a: {  	[spmem:s10] =	stream.linear.scatter [tilespmem:s21], [sflag:$0x5], $0x4000, $0x38;
	[tilespmem:$0x1C300] =	vst v63  }
0x3b: {  	_ =	swait.ge [sflag:s22], $0x4000  }
0x3c: {  	[sflag:s22] =	ssyncset.done $0x0  }
0x3d: {  	[sflag:s22] =	ssyncadd.s32 $0xFFFFC000  }
0x3e: {  	[bflag:$0x0] =	sbarrier.arrive $0xFFFF  }
0x3f: {  	_ =	swait.ge [sflag:s23], $0x80  }
0x40: {  	[sflag:s23] =	ssyncset.done $0x0  }
0x41: {  	[sflag:s23] =	ssyncadd.s32 $0xFFFFFF80  }
0x42: {  	v1 =	vld [tilespmem:$0x0];
	_ =	sdelay $0x1  }
0x43: {  	v2 =	vld [tilespmem:$0x10];
	_ =	sdelay $0x1  }
0x44: {  	v3 =	vld [tilespmem:$0x20]  }
0x45: {  	v4 =	vshrl.u32 v1, $0xE  }
0x46: {  	v1 =	vand.u32 $0x3FFF, v1;
	[tilespmem:$0x100] =	vst v4;
	v4 =	vld [tilespmem:$0x30]  }
0x47: {  	[tilespmem:$0x200] =	vst v1;
	v1 =	vshrl.u32 v2, $0xE  }
0x48: {  	[tilespmem:$0x110] =	vst v1;
	v1 =	vand.u32 $0x3FFF, v2;
	v2 =	vld [tilespmem:$0x40]  }
0x49: {  	[tilespmem:$0x210] =	vst v1;
	v1 =	vshrl.u32 v3, $0xE  }
0x4a: {  	[tilespmem:$0x120] =	vst v1;
	v1 =	vand.u32 $0x3FFF, v3;
	v3 =	vld [tilespmem:$0x50]  }
0x4b: {  	[tilespmem:$0x220] =	vst v1;
	v1 =	vshrl.u32 v4, $0xE  }
0x4c: {  	[tilespmem:$0x130] =	vst v1;
	v1 =	vand.u32 $0x3FFF, v4;
	v4 =	vld [tilespmem:$0x60]  }
0x4d: {  	[tilespmem:$0x230] =	vst v1;
	v1 =	vshrl.u32 v2, $0xE  }
0x4e: {  	[tilespmem:$0x140] =	vst v1;
	v1 =	vand.u32 $0x3FFF, v2;
	v2 =	vld [tilespmem:$0x70]  }
0x4f: {  	[tilespmem:$0x240] =	vst v1;
	v1 =	vshrl.u32 v3, $0xE  }
0x50: {  	[tilespmem:$0x150] =	vst v1;
	v1 =	vand.u32 $0x3FFF, v3  }
0x51: {  	[tilespmem:$0x250] =	vst v1;
	v1 =	vshrl.u32 v4, $0xE  }
0x52: {  	[tilespmem:$0x160] =	vst v1;
	v1 =	vand.u32 $0x3FFF, v4  }
0x53: {  	[tilespmem:$0x260] =	vst v1;
	v1 =	vshrl.u32 v2, $0xE  }
0x54: {  	[tilespmem:$0x170] =	vst v1;
	v1 =	vand.u32 $0x3FFF, v2  }
0x55: {  	s11 =	rddreg [dreg:$0x9];
	[tilespmem:$0x270] =	vst v1  }
0x56: {  	[tilespmem:s4], [sflag:$0x1] =	stream.linear.gather [hbm4b:s11+s4], $0x80, $0x38;
	[tilespmem:$0x1C300] =	vst v63  }
0x57: {  	_ = 	snop  }
0x58: {  	[tilespmem:s21], [sflag:$0x3] =	stream.indirect.gather [hbm4b:s5+s20], $0x80, s24, s20, $0xb8;
	[tilespmem:$0x1C300] =	vst v63  }
0x59: {  	_ =	swait.ge [sflag:s25], $0x80  }
0x5a: {  	[sflag:s25] =	ssyncset.done $0x0  }
0x5b: {  	[sflag:s25] =	ssyncadd.s32 $0xFFFFFF80  }
0x5c: {  	v1 =	vld [tilespmem:$0x80];
	_ =	sdelay $0x1  }
0x5d: {  	v2 =	vld [tilespmem:$0x90];
	_ =	sdelay $0x1  }
0x5e: {  	v3 =	vld [tilespmem:$0xA0]  }
0x5f: {  	v4 =	vshrl.u32 v1, $0xE  }
0x60: {  	v1 =	vand.u32 $0x3FFF, v1;
	[tilespmem:$0x180] =	vst v4;
	v4 =	vld [tilespmem:$0xB0]  }
0x61: {  	[tilespmem:$0x280] =	vst v1;
	v1 =	vshrl.u32 v2, $0xE  }
0x62: {  	[tilespmem:$0x190] =	vst v1;
	v1 =	vand.u32 $0x3FFF, v2;
	v2 =	vld [tilespmem:$0xC0]  }
0x63: {  	[tilespmem:$0x290] =	vst v1;
	v1 =	vshrl.u32 v3, $0xE  }
0x64: {  	[tilespmem:$0x1A0] =	vst v1;
	v1 =	vand.u32 $0x3FFF, v3;
	v3 =	vld [tilespmem:$0xD0]  }
0x65: {  	[tilespmem:$0x2A0] =	vst v1;
	v1 =	vshrl.u32 v4, $0xE  }
0x66: {  	[tilespmem:$0x1B0] =	vst v1;
	v1 =	vand.u32 $0x3FFF, v4;
	v4 =	vld [tilespmem:$0xE0]  }
0x67: {  	[tilespmem:$0x2B0] =	vst v1;
	v1 =	vshrl.u32 v2, $0xE  }
0x68: {  	[tilespmem:$0x1C0] =	vst v1;
	v1 =	vand.u32 $0x3FFF, v2;
	v2 =	vld [tilespmem:$0xF0]  }
0x69: {  	[tilespmem:$0x2C0] =	vst v1;
	v1 =	vshrl.u32 v3, $0xE  }
0x6a: {  	[tilespmem:$0x1D0] =	vst v1;
	v1 =	vand.u32 $0x3FFF, v3  }
0x6b: {  	[tilespmem:$0x2D0] =	vst v1;
	v1 =	vshrl.u32 v4, $0xE  }
0x6c: {  	[tilespmem:$0x1E0] =	vst v1;
	v1 =	vand.u32 $0x3FFF, v4  }
0x6d: {  	[tilespmem:$0x2E0] =	vst v1;
	v1 =	vshrl.u32 v2, $0xE  }
0x6e: {  	[tilespmem:$0x1F0] =	vst v1;
	v1 =	vand.u32 $0x3FFF, v2  }
0x6f: {  	s13 =	rddreg [dreg:$0xa];
	[tilespmem:$0x2F0] =	vst v1  }
0x70: {  	[tilespmem:s20], [sflag:$0x2] =	stream.linear.gather [hbm4b:s13+s4], $0x80, $0x38;
	[tilespmem:$0x1C300] =	vst v63  }
0x71: {  	_ = 	snop  }
0x72: {  	[tilespmem:s28], [sflag:$0x4] =	stream.indirect.gather [hbm4b:s5+s20], $0x80, s26, s20, $0xb8;
	[tilespmem:$0x1C300] =	vst v63  }
0x73: {  	_ =	swait.ge [sflag:s29], $0x4000  }
0x74: {  	[sflag:s29] =	ssyncset.done $0x0  }
0x75: {  	[sflag:s29] =	ssyncadd.s32 $0xFFFFC000  }
0x76: {  	[spmem:s3] =	stream.indirect.scatter.add.f32 [tilespmem:s21], [sflag:$0x5], $0x80, s30, s20, $0xb8;
	[tilespmem:$0x1C300] =	vst v63  }
0x77: {  	_ =	swait.ge [sflag:s22], $0x4000  }
0x78: {  	[sflag:s22] =	ssyncset.done $0x0  }
0x79: {  	[sflag:s22] =	ssyncadd.s32 $0xFFFFC000  }
0x7a: {  	_ =	swait.ge [sflag:s23], $0x80  }
0x7b: {  	[sflag:s23] =	ssyncset.done $0x0  }
0x7c: {  	[sflag:s23] =	ssyncadd.s32 $0xFFFFFF80  }
0x7d: {  	v1 =	vld [tilespmem:$0x70]  }
0x7e: {  	v2 =	vld [tilespmem:$0x60]  }
0x7f: {  	v5 =	vld [tilespmem:$0x30]  }
0x80: {  	v6 =	vld [tilespmem:$0x10]  }
0x81: {  	p0 =	slt.s32 s12, s16;
	s10 =	smov.u32 s16;
	v4 =	vld [tilespmem:$0x40]  }
0x82: {  	s10 =	smov.u32 @p0 s12;
	p0 =	sne.s32 s15, $0x1;
	v3 =	vld [tilespmem:$0x20];
	v7 =	vand.u32 $0x3FFF, v1  }
.Ltmp1:
0x83: {  	s8 =	sadd.s32 $0xFFFFFFFF, s12;
	v8 =	vand.u32 $0x3FFF, v2;
	[tilespmem:$0x270] =	vst v7;
	(pc) =	sbr.rel @!p0 .LBB2_5-.Ltmp1, $4  }
0x84: {  	p1 =	slt.s32 s8, s16;
	s11 =	smov.u32 s16;
	v1 =	vshrl.u32 v1, $0xE;
	[tilespmem:$0x260] =	vst v8;
	v8 =	vshrl.u32 v5, $0xE;
	v7 =	vand.u32 $0x3FFF, v5;
	v5 =	vld [tilespmem:$0x50]  }
0x85: {  	s14 =	sshll.u32 s10, $0x4;
	s11 =	smov.u32 @p1 s8;
	v10 =	vshrl.u32 v6, $0xE;
	[tilespmem:$0x170] =	vst v1  }
0x86: {  	s8 =	sand.u32 $0x1FFFFFF0, s14;
	s19 =	sshll.u32 s11, $0x4;
	v2 =	vshrl.u32 v2, $0xE;
	v9 =	vand.u32 $0x3FFF, v6;
	[tilespmem:$0x110] =	vst v10  }
0x87: {  	s11 =	sadd.s32 $0xFFFFFFFF, s15;
	s10 =	sand.u32 $0x1FFFFFF0, s19;
	s19 =	smov.u32 s12;
	v6 =	vshrl.u32 v4, $0xE;
	v4 =	vand.u32 $0x3FFF, v4;
	v1 =	vld [tilespmem:$0x0];
	[tilespmem:$0x130] =	vst v8;
	v8 =	vand.u32 $0x3FFF, v3  }
.LBB2_4:
0x88: {  	p0 =	sne.s32 s11, $0x1;
	s11 =	sadd.s32 $0xFFFFFFFF, s11;
	[tilespmem:$0x210] =	vst v9;
	v3 =	vshrl.u32 v3, $0xE;
	s19 =	sadd.s32 $0x2, s19  }
0x89: {  	s7 =	smov.u32 s16;
	s13 =	sadd.s32 $0xFFFFFFFF, s19;
	p1 =	slt.s32 s19, s16;
	[tilespmem:$0x120] =	vst v3;
	v3 =	vshrl.u32 v5, $0xE  }
0x8a: {  	s14 =	smov.u32 s16;
	v5 =	vand.u32 $0x3FFF, v5;
	p2 =	slt.s32 s13, s16;
	s7 =	smov.u32 @p1 s19;
	[tilespmem:$0x230] =	vst v7  }
0x8b: {  	s14 =	smov.u32 @p2 s13;
	s7 =	sshll.u32 s7, $0x4;
	[tilespmem:$0x250] =	vst v5  }
0x8c: {  	s14 =	sshll.u32 s14, $0x4;
	s13 =	sand.u32 $0x1FFFFFF0, s7;
	[tilespmem:$0x160] =	vst v2  }
0x8d: {  	s7 =	sand.u32 $0x1FFFFFF0, s14;
	[tilespmem:$0x220] =	vst v8  }
0x8e: {  	[tilespmem:$0x140] =	vst v6  }
0x8f: {  	[tilespmem:$0x150] =	vst v3  }
0x90: {  	v2 =	vshrl.u32 v1, $0xE;
	v1 =	vand.u32 $0x3FFF, v1;
	[tilespmem:$0x240] =	vst v4  }
0x91: {  	[tilespmem:$0x200] =	vst v1  }
0x92: {  	s14 =	sadd.s32 s1, s10;
	s10 =	smov.u32 s7;
	[tilespmem:$0x100] =	vst v2  }
0x93: {  	[tilespmem:s4], [sflag:$0x1] =	stream.linear.gather [hbm4b:s14+s4], $0x80, $0x38;
	[tilespmem:$0x1C300] =	vst v63  }
0x94: {  	_ = 	snop  }
0x95: {  	[tilespmem:s21], [sflag:$0x3] =	stream.indirect.gather [hbm4b:s5+s20], $0x80, s24, s20, $0xb8;
	[tilespmem:$0x1C300] =	vst v63  }
0x96: {  	_ =	swait.ge [sflag:s31], $0x4000  }
0x97: {  	[sflag:s31] =	ssyncset.done $0x0  }
0x98: {  	[sflag:s31] =	ssyncadd.s32 $0xFFFFC000  }
0x99: {  	[spmem:s3] =	stream.indirect.scatter.add.f32 [tilespmem:s28], [sflag:$0x5], $0x80, s2, s20, $0xb8;
	[tilespmem:$0x1C300] =	vst v63  }
0x9a: {  	_ =	swait.ge [sflag:s22], $0x4000  }
0x9b: {  	[sflag:s22] =	ssyncset.done $0x0  }
0x9c: {  	[sflag:s22] =	ssyncadd.s32 $0xFFFFC000  }
0x9d: {  	_ =	swait.ge [sflag:s25], $0x80  }
0x9e: {  	[sflag:s25] =	ssyncset.done $0x0  }
0x9f: {  	[sflag:s25] =	ssyncadd.s32 $0xFFFFFF80  }
0xa0: {  	v1 =	vld [tilespmem:$0x80]  }
0xa1: {  	v2 =	vld [tilespmem:$0x90]  }
0xa2: {  	v3 =	vld [tilespmem:$0xA0]  }
0xa3: {  	v4 =	vld [tilespmem:$0xB0]  }
0xa4: {  	v5 =	vld [tilespmem:$0xD0]  }
0xa5: {  	v6 =	vshrl.u32 v1, $0xE;
	v1 =	vand.u32 $0x3FFF, v1;
	v7 =	vld [tilespmem:$0xE0]  }
0xa6: {  	[tilespmem:$0x180] =	vst v6;
	v6 =	vshrl.u32 v2, $0xE;
	v2 =	vand.u32 $0x3FFF, v2;
	v8 =	vld [tilespmem:$0xF0]  }
0xa7: {  	[tilespmem:$0x190] =	vst v6;
	v6 =	vshrl.u32 v3, $0xE;
	v3 =	vand.u32 $0x3FFF, v3  }
0xa8: {  	[tilespmem:$0x1A0] =	vst v6;
	v6 =	vshrl.u32 v4, $0xE;
	v4 =	vand.u32 $0x3FFF, v4  }
0xa9: {  	[tilespmem:$0x1B0] =	vst v6;
	v6 =	vshrl.u32 v5, $0xE;
	v5 =	vand.u32 $0x3FFF, v5  }
0xaa: {  	[tilespmem:$0x2B0] =	vst v4;
	v4 =	vand.u32 $0x3FFF, v7  }
0xab: {  	[tilespmem:$0x2A0] =	vst v3;
	v3 =	vshrl.u32 v8, $0xE  }
0xac: {  	[tilespmem:$0x290] =	vst v2;
	v2 =	vand.u32 $0x3FFF, v8  }
0xad: {  	[tilespmem:$0x2F0] =	vst v2  }
0xae: {  	v2 =	vld [tilespmem:$0xC0];
	[tilespmem:$0x1D0] =	vst v6  }
0xaf: {  	v6 =	vshrl.u32 v7, $0xE;
	[tilespmem:$0x1F0] =	vst v3  }
0xb0: {  	[tilespmem:$0x1E0] =	vst v6  }
0xb1: {  	[tilespmem:$0x2E0] =	vst v4  }
0xb2: {  	[tilespmem:$0x2D0] =	vst v5  }
0xb3: {  	[tilespmem:$0x280] =	vst v1;
	v1 =	vshrl.u32 v2, $0xE;
	v2 =	vand.u32 $0x3FFF, v2  }
0xb4: {  	[tilespmem:$0x1C0] =	vst v1  }
0xb5: {  	s7 =	sadd.s32 s1, s8;
	s8 =	smov.u32 s13;
	[tilespmem:$0x2C0] =	vst v2  }
0xb6: {  	[tilespmem:s20], [sflag:$0x2] =	stream.linear.gather [hbm4b:s7+s4], $0x80, $0x38;
	[tilespmem:$0x1C300] =	vst v63  }
0xb7: {  	_ = 	snop  }
0xb8: {  	[tilespmem:s28], [sflag:$0x4] =	stream.indirect.gather [hbm4b:s5+s20], $0x80, s26, s20, $0xb8;
	[tilespmem:$0x1C300] =	vst v63  }
0xb9: {  	_ =	swait.ge [sflag:s29], $0x4000  }
0xba: {  	[sflag:s29] =	ssyncset.done $0x0  }
0xbb: {  	[sflag:s29] =	ssyncadd.s32 $0xFFFFC000  }
0xbc: {  	[spmem:s3] =	stream.indirect.scatter.add.f32 [tilespmem:s21], [sflag:$0x5], $0x80, s30, s20, $0xb8;
	[tilespmem:$0x1C300] =	vst v63  }
0xbd: {  	_ =	swait.ge [sflag:s22], $0x4000  }
0xbe: {  	[sflag:s22] =	ssyncset.done $0x0  }
0xbf: {  	[sflag:s22] =	ssyncadd.s32 $0xFFFFC000  }
0xc0: {  	_ =	swait.ge [sflag:s23], $0x80  }
0xc1: {  	[sflag:s23] =	ssyncset.done $0x0  }
0xc2: {  	[sflag:s23] =	ssyncadd.s32 $0xFFFFFF80  }
0xc3: {  	v4 =	vld [tilespmem:$0x70]  }
0xc4: {  	v5 =	vld [tilespmem:$0x60]  }
0xc5: {  	v10 =	vld [tilespmem:$0x40]  }
0xc6: {  	v6 =	vld [tilespmem:$0x30]  }
0xc7: {  	v8 =	vld [tilespmem:$0x10]  }
0xc8: {  	v3 =	vld [tilespmem:$0x20];
	v7 =	vand.u32 $0x3FFF, v4  }
.Ltmp2:
0xc9: {  	v1 =	vld [tilespmem:$0x0];
	v2 =	vshrl.u32 v5, $0xE;
	v9 =	vand.u32 $0x3FFF, v5;
	[tilespmem:$0x270] =	vst v7;
	(pc) =	sbr.rel @p0 .LBB2_4-.Ltmp2, $4  }
0xca: {  	v4 =	vshrl.u32 v4, $0xE;
	v5 =	vld [tilespmem:$0x50];
	[tilespmem:$0x260] =	vst v9  }
0xcb: {  	v11 =	vshrl.u32 v6, $0xE;
	v7 =	vand.u32 $0x3FFF, v6;
	[tilespmem:$0x170] =	vst v4  }
0xcc: {  	v4 =	vshrl.u32 v8, $0xE;
	v9 =	vand.u32 $0x3FFF, v8;
	[tilespmem:$0x130] =	vst v11  }
0xcd: {  	v6 =	vshrl.u32 v10, $0xE;
	[tilespmem:$0x110] =	vst v4;
	v8 =	vand.u32 $0x3FFF, v3;
	v4 =	vand.u32 $0x3FFF, v10  }
.LBB2_5:
0xce: {  	[tilespmem:$0x210] =	vst v9  }
0xcf: {  	[tilespmem:$0x230] =	vst v7  }
0xd0: {  	[tilespmem:$0x160] =	vst v2  }
0xd1: {  	[tilespmem:$0x220] =	vst v8  }
0xd2: {  	[tilespmem:$0x140] =	vst v6  }
0xd3: {  	v3 =	vshrl.u32 v3, $0xE;
	[tilespmem:$0x240] =	vst v4  }
0xd4: {  	[tilespmem:$0x120] =	vst v3;
	v3 =	vand.u32 $0x3FFF, v5  }
0xd5: {  	v2 =	vshrl.u32 v5, $0xE;
	[tilespmem:$0x250] =	vst v3  }
0xd6: {  	[tilespmem:$0x150] =	vst v2;
	v2 =	vand.u32 $0x3FFF, v1  }
0xd7: {  	v1 =	vshrl.u32 v1, $0xE;
	[tilespmem:$0x200] =	vst v2  }
0xd8: {  	s7 =	sadd.s32 s1, s10;
	[tilespmem:$0x100] =	vst v1  }
0xd9: {  	[tilespmem:s4], [sflag:$0x1] =	stream.linear.gather [hbm4b:s7+s4], $0x80, $0x38;
	[tilespmem:$0x1C300] =	vst v63  }
0xda: {  	_ = 	snop  }
0xdb: {  	[tilespmem:s21], [sflag:$0x3] =	stream.indirect.gather [hbm4b:s5+s20], $0x80, s24, s20, $0xb8;
	[tilespmem:$0x1C300] =	vst v63  }
0xdc: {  	_ =	swait.ge [sflag:s31], $0x4000  }
0xdd: {  	[sflag:s31] =	ssyncset.done $0x0  }
0xde: {  	[sflag:s31] =	ssyncadd.s32 $0xFFFFC000  }
0xdf: {  	[spmem:s3] =	stream.indirect.scatter.add.f32 [tilespmem:s28], [sflag:$0x5], $0x80, s2, s20, $0xb8;
	[tilespmem:$0x1C300] =	vst v63  }
0xe0: {  	_ =	swait.ge [sflag:s22], $0x4000  }
0xe1: {  	[sflag:s22] =	ssyncset.done $0x0  }
0xe2: {  	[sflag:s22] =	ssyncadd.s32 $0xFFFFC000  }
0xe3: {  	_ =	swait.ge [sflag:s25], $0x80  }
0xe4: {  	[sflag:s25] =	ssyncset.done $0x0  }
0xe5: {  	[sflag:s25] =	ssyncadd.s32 $0xFFFFFF80  }
0xe6: {  	v1 =	vld [tilespmem:$0x80]  }
0xe7: {  	v2 =	vld [tilespmem:$0x90]  }
0xe8: {  	v3 =	vld [tilespmem:$0xA0]  }
0xe9: {  	v55 =	vld [tilespmem:$0xB0];
	_ =	sdelay $0x1  }
0xea: {  	v56 =	vshrl.u32 v1, $0xE  }
0xeb: {  	v57 =	vshrl.u32 v2, $0xE;
	[tilespmem:$0x180] =	vst v56  }
0xec: {  	v59 =	vshrl.u32 v3, $0xE;
	[tilespmem:$0x190] =	vst v57  }
0xed: {  	v58 =	vld [tilespmem:$0xF0];
	v61 =	vshrl.u32 v55, $0xE;
	[tilespmem:$0x1A0] =	vst v59  }
0xee: {  	v60 =	vld [tilespmem:$0xD0];
	v4 =	vand.u32 $0x3FFF, v55;
	[tilespmem:$0x1B0] =	vst v61  }
0xef: {  	v63 =	vld [tilespmem:$0xC0];
	v3 =	vand.u32 $0x3FFF, v3;
	[tilespmem:$0x2B0] =	vst v4  }
0xf0: {  	v2 =	vand.u32 $0x3FFF, v2;
	[tilespmem:$0x2A0] =	vst v3  }
0xf1: {  	v62 =	vld [tilespmem:$0xE0];
	v1 =	vand.u32 $0x3FFF, v1;
	[tilespmem:$0x290] =	vst v2  }
0xf2: {  	v2 =	vand.u32 $0x3FFF, v58;
	[tilespmem:$0x280] =	vst v1  }
0xf3: {  	v3 =	vshrl.u32 v60, $0xE;
	[tilespmem:$0x2F0] =	vst v2  }
0xf4: {  	v1 =	vshrl.u32 v63, $0xE;
	[tilespmem:$0x1D0] =	vst v3  }
0xf5: {  	v2 =	vshrl.u32 v58, $0xE;
	[tilespmem:$0x1C0] =	vst v1  }
0xf6: {  	v3 =	vshrl.u32 v62, $0xE;
	[tilespmem:$0x1F0] =	vst v2  }
0xf7: {  	v2 =	vand.u32 $0x3FFF, v62;
	[tilespmem:$0x1E0] =	vst v3  }
0xf8: {  	v3 =	vand.u32 $0x3FFF, v60;
	[tilespmem:$0x2E0] =	vst v2  }
0xf9: {  	[tilespmem:$0x2D0] =	vst v3;
	v2 =	vand.u32 $0x3FFF, v63  }
0xfa: {  	s13 =	sadd.s32 s1, s8;
	[tilespmem:$0x2C0] =	vst v2  }
0xfb: {  	[tilespmem:s20], [sflag:$0x2] =	stream.linear.gather [hbm4b:s13+s4], $0x80, $0x38;
	[tilespmem:$0x1C300] =	vst v63  }
0xfc: {  	_ = 	snop  }
0xfd: {  	[tilespmem:s28], [sflag:$0x4] =	stream.indirect.gather [hbm4b:s5+s20], $0x80, s26, s20, $0xb8;
	[tilespmem:$0x1C300] =	vst v63  }
0xfe: {  	_ =	swait.ge [sflag:s29], $0x4000  }
0xff: {  	[sflag:s29] =	ssyncset.done $0x0  }
0x100: {  	[sflag:s29] =	ssyncadd.s32 $0xFFFFC000  }
0x101: {  	[spmem:s3] =	stream.indirect.scatter.add.f32 [tilespmem:s21], [sflag:$0x5], $0x80, s30, s20, $0xb8;
	[tilespmem:$0x1C300] =	vst v63  }
0x102: {  	_ =	swait.ge [sflag:s22], $0x4000  }
0x103: {  	[sflag:s22] =	ssyncset.done $0x0  }
0x104: {  	[sflag:s22] =	ssyncadd.s32 $0xFFFFC000  }
0x105: {  	_ =	swait.ge [sflag:s23], $0x80  }
0x106: {  	[sflag:s23] =	ssyncset.done $0x0  }
0x107: {  	[sflag:s23] =	ssyncadd.s32 $0xFFFFFF80  }
0x108: {  	_ =	swait.ge [sflag:s31], $0x4000  }
0x109: {  	[sflag:s31] =	ssyncset.done $0x0  }
0x10a: {  	[sflag:s31] =	ssyncadd.s32 $0xFFFFC000  }
0x10b: {  	[spmem:s3] =	stream.indirect.scatter.add.f32 [tilespmem:s28], [sflag:$0x5], $0x80, s2, s20, $0xb8;
	[tilespmem:$0x1C300] =	vst v63  }
0x10c: {  	_ =	swait.ge [sflag:s22], $0x4000  }
0x10d: {  	[sflag:s22] =	ssyncset.done $0x0  }
0x10e: {  	[sflag:s22] =	ssyncadd.s32 $0xFFFFC000  }
0x10f: {  	s14 =	stileid.u32;
	_ =	swait.ge [sflag:s25], $0x80  }
0x110: {  	s19 =	sshrl.u32 s9, $0x3;
	s0 =	sadd.s32 $0x1, s0;
	[sflag:s25] =	ssyncset.done $0x0  }
0x111: {  	p0 =	sne.s32 s0, s18;
	s7 =	sshll.u32 s14, $0x6;
	[sflag:s25] =	ssyncadd.s32 $0xFFFFFF80  }
.Ltmp3:
0x112: {  	s7 =	sor.u32 $0x1C05, s7;
	[bflag:$0x0] =	sbarrier.arrive $0xFFFF;
	(pc) =	sbr.rel @p0 .LBB2_1-.Ltmp3, $4  }
0x113: {  	[hbm:s17], [sflag:s7] =	dma.local [spmem:s19], $0x2800  }
0x114: {  	_ =	swait.ge [sflag:s22], $0x2800  }
0x115: {  	[sflag:s22] =	ssyncset.done $0x0  }
0x116: {  	[sflag:s22] =	ssyncadd.s32 $0xFFFFD800  }
0x117: {  	_ =	sfence.sel $0x180000  }
0x118: {  	[bflag:$0x0] =	sbarrier.arrive $0xFFFF  }
0x119: {  	_ =	strace $0x90000047  }
0x11a: {  	s0 =	stileid.u32;
	[bflag:$0x2] =	sbarrier.arrive $0xFFFF  }
0x11b: {  	p0 =	sne.s32 s0, $0x0;
	s0 =	rddreg [dreg:$0x3]  }
0x11c: {  	s0 =	sadd.s32 @!p0 $0x100000, s0  }
0x11d: {  	[sflag:s0] =	ssyncadd.tile.s32 @!p0 $0x1;
	_ =	shalt  }
.Lfunc_end2:
_tile_overlayer_lowered:
.L_overlay_start_2:
0x11e: {  	(tag) =	ssettag $0x2  }
0x11f: {  	s0 =	rddreg [dreg:$0x0];
	s2 =	stileid.u32  }
0x120: {  	s1 =	rddreg [dreg:$0x1];
	p0 =	sne.s32 s2, $0x0  }
0x121: {  	s3 =	rddreg [dreg:$0x2];
	[bflag:$0x3] =	sbarrier.arrive $0xFFFF;
	s2 =	simm.s32 @!p0 $0x1C05  }
0x122: {  	[timem:s3], [sflag:s2] =	dma.local @!p0 [hbm:s0], s1  }
0x123: {  	s0 =	simm.s32 @!p0 $0x5  }
0x124: {  	_ =	swait.ge @!p0 [sflag:s0], s1  }
0x125: {  	s1 =	ssub.s32 @!p0 $0x0, s1;
	[sflag:s0] =	ssyncset.done @!p0 $0x0  }
0x126: {  	[sflag:s0] =	ssyncadd.s32 @!p0 s1  }
0x127: {  	[bflag:$0x3] =	sbarrier.arrive $0xFFFF  }
0x128: {  	_ =	shalt  }

</sc_bundles>
